<compile_context>
chip_gen: v7x
topology: tpu7x:2x2x1
jax: 0.10.2.dev20260603
libtpu: 0.0.44.dev20260713+nightly
codegen_flags: <defaults>
</compile_context>

<pallas_src>
import functools

import jax
import jax.numpy as jnp
from jax import lax
from jax.experimental import pallas as pl
from jax.experimental.pallas import tpu as pltpu
from jax.experimental.pallas import tpu_sc as plsc

B = 8192
MAX_N = 64
NUM_ATOM_TYPES = 16
NUM_EDGE_TYPES = 5
VAL_BINS = 3 * MAX_N - 2

NC = 2
NS = 16
L = 16
NW = NC * NS
MPW = B // NW
GRP = 8

ROW_N = 0
ROW_NODE = ROW_N + MAX_N + 1
ROW_EDGE = ROW_NODE + NUM_ATOM_TYPES
ROW_VAL = ROW_EDGE + NUM_EDGE_TYPES
HIST_ROWS = 288
HIST_WORDS = HIST_ROWS * L


def _sc_body(e_hbm, a_hbm, n_hbm, out_hbm, ebuf0, ebuf1, ebuf2, ebuf3,
             ebuf4, ebuf5, ebuf6, ebuf7, abuf, nbuf, hist, wtab,
             sem0, sem1, sem2, sem3, sem4, sem5, sem6, sem7):
    cid = lax.axis_index("c")
    sid = lax.axis_index("s")
    wid = sid * NC + cid
    base = wid * MPW

    zeros = jnp.zeros((L,), jnp.float32)
    ones = jnp.ones((L,), jnp.float32)
    lane = lax.iota(jnp.int32, L)

    def zero_row(k, _):
        hist[pl.ds(k * L, L)] = zeros
        return 0
    lax.fori_loop(0, HIST_ROWS, zero_row, 0)

    pltpu.sync_copy(n_hbm.at[pl.ds(base, MPW)], nbuf)
    pltpu.sync_copy(a_hbm.at[pl.ds(base * MAX_N, MPW * MAX_N)], abuf)

    sh = jnp.clip((lane - 1) * 8, 0, 24)
    wtab[...] = jnp.where(lane == 0, jnp.int32(0), jnp.int32(1) << sh)

    true_mask = lane < L

    def n_hist(k, _):
        nv = nbuf[pl.ds(k * L, L)]
        idx = (ROW_N + nv) * L + lane
        plsc.addupdate_scatter(hist, [idx], ones, mask=true_mask)
        return 0
    lax.fori_loop(0, MPW // L, n_hist, 0)

    jvecs = [lane + c * L for c in range(MAX_N // L)]
    ebufs = (ebuf0, ebuf1, ebuf2, ebuf3, ebuf4, ebuf5, ebuf6, ebuf7)
    sems = (sem0, sem1, sem2, sem3, sem4, sem5, sem6, sem7)
    NBUF = 8

    def dma_start(m, k):
        src = e_hbm.at[jnp.minimum(base + m, B - 1)]
        pltpu.async_copy(src, ebufs[k], sems[k])

    def dma_wait(k):
        pltpu.make_async_copy(e_hbm.at[base], ebufs[k], sems[k]).wait()

    zero4 = tuple(jnp.zeros((L,), jnp.float32) for _ in range(4))

    izero = jnp.zeros((L,), jnp.int32)

    def process(m, ebuf, cnts):
        nv = plsc.load_gather(nbuf, [jnp.full((L,), m, jnp.int32)])
        n_s = jnp.max(nv)
        colmask = [jv < nv for jv in jvecs]

        def row(i, carry):
            accs, packed = carry
            iv = jnp.full((L,), i, jnp.int32)
            new_accs = []
            for c in range(MAX_N // L):
                et = ebuf[pl.ds(i * MAX_N + c * L, L)]
                etf = et.astype(jnp.float32)
                vf = jnp.where(et == 4, jnp.float32(1.5), etf)
                new_accs.append(accs[c] + vf)
                m1 = colmask[c] & (jvecs[c] > iv)
                w = plsc.load_gather(wtab, [et])
                packed = packed + jnp.where(m1, w, izero)
            return tuple(new_accs), packed

        accs, packed = zero4, izero

        c1, c2, c3, c4 = cnts
        c1 = c1 + (packed & 0xFF).astype(jnp.float32)
        c2 = c2 + ((packed >> 8) & 0xFF).astype(jnp.float32)
        c3 = c3 + ((packed >> 16) & 0xFF).astype(jnp.float32)
        c4 = c4 + ((packed >> 24) & 0xFF).astype(jnp.float32)
        cnts = (c1, c2, c3, c4)

        for c in range(MAX_N // L):
            vb = jnp.clip(accs[c].astype(jnp.int32), 0, VAL_BINS - 1)
            vidx = (ROW_VAL + vb) * L + lane
            plsc.addupdate_scatter(hist, [vidx], ones, mask=colmask[c])
            at = abuf[pl.ds(m * MAX_N + c * L, L)]
            aidx = (ROW_NODE + at) * L + lane
            plsc.addupdate_scatter(hist, [aidx], ones, mask=colmask[c])
        return cnts

    for k in range(NBUF - 1):
        dma_start(k, k)

    def quad(p, cnts):
        m = p * NBUF
        for k in range(NBUF):
            dma_wait(k)
            dma_start(m + k + NBUF - 1, (k + NBUF - 1) % NBUF)
            cnts = process(m + k, ebufs[k], cnts)
        return cnts

    cnts = lax.fori_loop(0, MPW // NBUF, quad, zero4)
    for k in range(NBUF - 1):
        dma_wait(k)
    for k in range(4):
        hist[pl.ds((ROW_EDGE + 1 + k) * L, L)] = cnts[k]
    pltpu.sync_copy(hist, out_hbm.at[wid])


def _finalize_body(p_ref, tn_ref, tnode_ref, tedge_ref, tval_ref,
                   on_ref, onode_ref, oedge_ref, oval_ref, omae_ref):
    p = p_ref[...]
    s = jnp.sum(jnp.sum(p, axis=0), axis=1)

    hn = s[ROW_N:ROW_N + MAX_N + 1]
    hnode = s[ROW_NODE:ROW_NODE + NUM_ATOM_TYPES]
    hval = s[ROW_VAL:ROW_VAL + VAL_BINS]

    iv = lax.broadcasted_iota(jnp.int32, (1, MAX_N + 1), 1).astype(jnp.float32)
    s0 = jnp.sum(hn.reshape(1, MAX_N + 1) * iv * (iv - 1.0) * 0.5)
    c1 = s[ROW_EDGE + 1]
    c2 = s[ROW_EDGE + 2]
    c3 = s[ROW_EDGE + 3]
    c4 = s[ROW_EDGE + 4]
    c0 = s0 - c1 - c2 - c3 - c4
    hedge = jnp.concatenate(
        [c0[None], c1[None], c2[None], c3[None], c4[None]])

    gn = hn / jnp.sum(hn)
    gnode = hnode / jnp.sum(hnode)
    gedge = hedge / jnp.sum(hedge)
    gval = hval / jnp.sum(hval)

    tn = tn_ref[...]
    tn = tn / jnp.sum(tn)
    tnode = tnode_ref[...]
    tnode = tnode / jnp.sum(tnode)
    tedge = tedge_ref[...]
    tedge = tedge / jnp.sum(tedge)
    tval = tval_ref[...]
    tval = tval / jnp.sum(tval)

    on_ref[...] = gn
    onode_ref[...] = gnode
    oedge_ref[...] = gedge
    oval_ref[...] = gval
    omae_ref[...] = jnp.concatenate([
        jnp.mean(jnp.abs(gn - tn))[None],
        jnp.mean(jnp.abs(gnode - tnode))[None],
        jnp.mean(jnp.abs(gedge - tedge))[None],
        jnp.mean(jnp.abs(gval - tval))[None],
    ])


@jax.jit
def kernel(atom_types, edge_types, n_nodes, n_target_dist, node_target_dist,
           edge_target_dist, valency_target_dist):
    a2 = jnp.asarray(atom_types, jnp.int32).reshape(B * MAX_N)
    e2 = jnp.asarray(edge_types, jnp.int32).reshape(B, MAX_N * MAX_N)
    nn = jnp.asarray(n_nodes, jnp.int32)

    mesh = plsc.VectorSubcoreMesh(core_axis_name="c", subcore_axis_name="s")
    partials = pl.kernel(
        _sc_body,
        out_type=jax.ShapeDtypeStruct((NW, HIST_WORDS), jnp.float32),
        mesh=mesh,
        compiler_params=pltpu.CompilerParams(needs_layout_passes=False),
        scratch_types=[
            pltpu.VMEM((MAX_N * MAX_N,), jnp.int32),
            pltpu.VMEM((MAX_N * MAX_N,), jnp.int32),
            pltpu.VMEM((MAX_N * MAX_N,), jnp.int32),
            pltpu.VMEM((MAX_N * MAX_N,), jnp.int32),
            pltpu.VMEM((MAX_N * MAX_N,), jnp.int32),
            pltpu.VMEM((MAX_N * MAX_N,), jnp.int32),
            pltpu.VMEM((MAX_N * MAX_N,), jnp.int32),
            pltpu.VMEM((MAX_N * MAX_N,), jnp.int32),
            pltpu.VMEM((MPW * MAX_N,), jnp.int32),
            pltpu.VMEM((MPW,), jnp.int32),
            pltpu.VMEM((HIST_WORDS,), jnp.float32),
            pltpu.VMEM((L,), jnp.int32),
            pltpu.SemaphoreType.DMA,
            pltpu.SemaphoreType.DMA,
            pltpu.SemaphoreType.DMA,
            pltpu.SemaphoreType.DMA,
            pltpu.SemaphoreType.DMA,
            pltpu.SemaphoreType.DMA,
            pltpu.SemaphoreType.DMA,
            pltpu.SemaphoreType.DMA,
        ],
    )(e2, a2, nn)

    p3 = partials.reshape(NW, HIST_ROWS, L)
    return pl.pallas_call(
        _finalize_body,
        out_shape=(
            jax.ShapeDtypeStruct((MAX_N + 1,), jnp.float32),
            jax.ShapeDtypeStruct((NUM_ATOM_TYPES,), jnp.float32),
            jax.ShapeDtypeStruct((NUM_EDGE_TYPES,), jnp.float32),
            jax.ShapeDtypeStruct((VAL_BINS,), jnp.float32),
            jax.ShapeDtypeStruct((4,), jnp.float32),
        ),
    )(p3, n_target_dist, node_target_dist, edge_target_dist,
      valency_target_dist)

# --- scband reference (transcript-rebuilt; emitter-appended) ---
"""Pipeline reference for scband-sampling-molecular-metrics-3728031613223 (READ-ONLY COPY).

The authoritative reference and input builder live on the scoring server;
editing this copy changes nothing except your own understanding.
"""

import jax, jax.numpy as jnp
import numpy as np

B = 8192
MAX_N = 64
NUM_ATOM_TYPES = 16
NUM_EDGE_TYPES = 5
VAL_BINS = 3 * MAX_N - 2  # 190


def setup_inputs(seed: int = 0) -> dict:
    key = jax.random.key(seed)
    k0, k1, k2, k3, k4, k5, k6 = jax.random.split(key, 7)
    atom_types = jax.random.randint(k0, (B, MAX_N), 0, NUM_ATOM_TYPES)
    edge_types = jax.random.randint(k1, (B, MAX_N, MAX_N), 0, NUM_EDGE_TYPES)
    n_nodes = jax.random.randint(k2, (B,), 0, 65)
    n_target_dist = jax.random.uniform(k3, (MAX_N + 1,), dtype=jnp.float32)
    node_target_dist = jax.random.uniform(k4, (NUM_ATOM_TYPES,), dtype=jnp.float32)
    edge_target_dist = jax.random.uniform(k5, (NUM_EDGE_TYPES,), dtype=jnp.float32)
    valency_target_dist = jax.random.uniform(k6, (VAL_BINS,), dtype=jnp.float32)
    return {
        'atom_types': atom_types,
        'edge_types': edge_types,
        'n_nodes': n_nodes,
        'n_target_dist': n_target_dist,
        'node_target_dist': node_target_dist,
        'edge_target_dist': edge_target_dist,
        'valency_target_dist': valency_target_dist,
    }


def _normalize(d):
    return d / jnp.sum(d)


def reference(atom_types, edge_types, n_nodes, n_target_dist, node_target_dist,
              edge_target_dist, valency_target_dist):
    Bm, N = atom_types.shape
    # validity masks (molecules are padded to MAX_N; valid atoms are idx < n_nodes)
    node_mask = (jnp.arange(N)[None, :] < n_nodes[:, None])  # [B, N]
    edge_mask = node_mask[:, :, None] & node_mask[:, None, :]  # [B, N, N]

    # GeneratedNDistribution: histogram of molecule sizes
    n_dist = jnp.bincount(n_nodes, length=N + 1).astype(jnp.float32)

    # GeneratedNodesDistribution: bincount of atom types over valid atoms
    node_dist = jnp.bincount(atom_types.ravel(),
                             weights=node_mask.ravel().astype(jnp.float32),
                             length=NUM_ATOM_TYPES)

    # GeneratedEdgesDistribution: strict upper-triangular edges, scatter-add counts
    triu = jnp.triu(jnp.ones((N, N), dtype=bool), k=1)[None, :, :]
    ew = (edge_mask & triu).ravel().astype(jnp.float32)
    edge_dist = jnp.bincount(edge_types.ravel(), weights=ew, length=NUM_EDGE_TYPES)

    # ValencyDistribution: edge type 4 (aromatic) -> 1.5, sum per node, histogram
    ef = jnp.where(edge_types == 4, jnp.float32(1.5), edge_types.astype(jnp.float32))
    ef = ef * edge_mask.astype(jnp.float32)
    valencies = jnp.sum(ef, axis=1)  # sum over dim 0 of each molecule matrix -> [B, N]
    vbins = jnp.clip(valencies.astype(jnp.int32), 0, VAL_BINS - 1)
    valency_dist = jnp.bincount(vbins.ravel(),
                                weights=node_mask.ravel().astype(jnp.float32),
                                length=VAL_BINS)

    gen_n = _normalize(n_dist)
    gen_node = _normalize(node_dist)
    gen_edge = _normalize(edge_dist)
    gen_val = _normalize(valency_dist)

    tgt_n = _normalize(n_target_dist)
    tgt_node = _normalize(node_target_dist)
    tgt_edge = _normalize(edge_target_dist)
    tgt_val = _normalize(valency_target_dist)

    # HistogramsMAE: mean absolute error between normalized histograms
    maes = jnp.stack([
        jnp.mean(jnp.abs(gen_n - tgt_n)),
        jnp.mean(jnp.abs(gen_node - tgt_node)),
        jnp.mean(jnp.abs(gen_edge - tgt_edge)),
        jnp.mean(jnp.abs(gen_val - tgt_val)),
    ])
    return gen_n, gen_node, gen_edge, gen_val, maes

if __name__ == "__main__":
    import jax
    _d = setup_inputs()
    print(jax.jit(kernel)(*tuple(_d.values())))

</pallas_src>

<mosaic_0001>
#map = affine_map<(d0, d1) -> (0, 0)>
#map1 = affine_map<(d0, d1) -> (0)>
module attributes {stable_mosaic.version = 14 : i64} {
  func.func @_sc_body(%arg0: i32, %arg1: i32, %arg2: memref<8192x4096xi32, #tpu.memory_space<hbm>>, %arg3: memref<524288xi32, #tpu.memory_space<hbm>>, %arg4: memref<8192xi32, #tpu.memory_space<hbm>>, %arg5: memref<32x4608xf32, #tpu.memory_space<hbm>>, %arg6: memref<4096xi32, #tpu.memory_space<vmem>>, %arg7: memref<4096xi32, #tpu.memory_space<vmem>>, %arg8: memref<4096xi32, #tpu.memory_space<vmem>>, %arg9: memref<4096xi32, #tpu.memory_space<vmem>>, %arg10: memref<4096xi32, #tpu.memory_space<vmem>>, %arg11: memref<4096xi32, #tpu.memory_space<vmem>>, %arg12: memref<4096xi32, #tpu.memory_space<vmem>>, %arg13: memref<4096xi32, #tpu.memory_space<vmem>>, %arg14: memref<16384xi32, #tpu.memory_space<vmem>>, %arg15: memref<256xi32, #tpu.memory_space<vmem>>, %arg16: memref<4608xf32, #tpu.memory_space<vmem>>, %arg17: memref<16xi32, #tpu.memory_space<vmem>>, %arg18: memref<!tpu.dma_semaphore, #tpu.memory_space<semaphore_mem>>, %arg19: memref<!tpu.dma_semaphore, #tpu.memory_space<semaphore_mem>>, %arg20: memref<!tpu.dma_semaphore, #tpu.memory_space<semaphore_mem>>, %arg21: memref<!tpu.dma_semaphore, #tpu.memory_space<semaphore_mem>>, %arg22: memref<!tpu.dma_semaphore, #tpu.memory_space<semaphore_mem>>, %arg23: memref<!tpu.dma_semaphore, #tpu.memory_space<semaphore_mem>>, %arg24: memref<!tpu.dma_semaphore, #tpu.memory_space<semaphore_mem>>, %arg25: memref<!tpu.dma_semaphore, #tpu.memory_space<semaphore_mem>>) attributes {dimension_semantics = [#tpu.dimension_semantics<core_parallel>, #tpu.dimension_semantics<subcore_parallel>], iteration_bounds = array<i64: 2, 16>, scalar_prefetch = 0 : i64, scratch_operands = 20 : i64, tpu.core_type = #tpu.core_type<sc_vector_subcore>, window_params = [{transform_indices = #map}, {transform_indices = #map1}, {transform_indices = #map1}, {transform_indices = #map}]} {
    %mul3A = arith.constant 2 : i32
    %mul3A_0 = arith.muli %arg1, %mul3A : i32
    %add3A = arith.addi %mul3A_0, %arg0 : i32
    %mul3A_1 = arith.constant 256 : i32
    %mul3A_2 = arith.muli %add3A, %mul3A_1 : i32
    %broadcast_in_dim3A = arith.constant 0.000000e+00 : f32
    %broadcast_in_dim3A_3 = vector.broadcast %broadcast_in_dim3A : f32 to vector<16xf32>
    %broadcast_in_dim3A_4 = arith.constant 1.000000e+00 : f32
    %broadcast_in_dim3A_5 = vector.broadcast %broadcast_in_dim3A_4 : f32 to vector<16xf32>
    %iota3A = tpu.iota {dimensions = array<i32: 0>} : vector<16xi32>
    %scan3A = arith.constant 0 : i32
    %scan3A_6 = arith.constant 0 : i32
    %scan3A_7 = arith.constant 288 : i32
    %scan3A_8 = arith.addi %scan3A_6, %scan3A_7 : i32
    %scan3A_9 = arith.constant 1 : i32
    %scan3A_10 = scf.for %scan3A_184 = %scan3A_6 to %scan3A_8 step %scan3A_9 iter_args(%scan3A_185 = %scan3A) -> (i32)  : i32 {
      %mul3A_186 = arith.constant 16 : i32
      %mul3A_187 = arith.muli %scan3A_184, %mul3A_186 : i32
      %swap3A_188 = arith.index_cast %mul3A_187 : i32 to index
      %swap3A_189 = tpu.vector_load %arg16[%swap3A_188] {strides = array<i32>} : memref<4608xf32, #tpu.memory_space<vmem>>, vector<16xf32>,
      tpu.vector_store %arg16[%swap3A_188], %broadcast_in_dim3A_3 {strides = array<i32>} : memref<4608xf32, #tpu.memory_space<vmem>>, vector<16xf32>,
      %scan3A_190 = arith.constant 0 : i32
      scf.yield %scan3A_190 : i32
    }
    %scan3A_11 = arith.constant 288 : i32
    "tpu.region"() ({
      %run_scoped3A = tpu.sem_alloc : memref<!tpu.dma_semaphore, #tpu.memory_space<semaphore_mem>>
      %dma_start3A_184 = tpu.memref_slice %arg4[%mul3A_2] : memref<8192xi32, #tpu.memory_space<hbm>> -> memref<256xi32, #tpu.memory_space<hbm>>
      %dma_start3A_185 = tpu.memref_slice %arg4[%mul3A_2] : memref<8192xi32, #tpu.memory_space<hbm>> -> memref<256xi32, #tpu.memory_space<hbm>>
      tpu.enqueue_dma source(%dma_start3A_185 : memref<256xi32, #tpu.memory_space<hbm>>) target(%arg15 : memref<256xi32, #tpu.memory_space<vmem>>) target_semaphore(%run_scoped3A : memref<!tpu.dma_semaphore, #tpu.memory_space<semaphore_mem>>)
      %dma_wait3A_186 = tpu.memref_slice %arg4[%mul3A_2] : memref<8192xi32, #tpu.memory_space<hbm>> -> memref<256xi32, #tpu.memory_space<hbm>>
      %dma_wait3A_187 = tpu.memref_slice %arg4[%mul3A_2] : memref<8192xi32, #tpu.memory_space<hbm>> -> memref<256xi32, #tpu.memory_space<hbm>>
      tpu.wait_dma2 semaphore(%run_scoped3A : memref<!tpu.dma_semaphore, #tpu.memory_space<semaphore_mem>>) src(%dma_wait3A_187 : memref<256xi32, #tpu.memory_space<hbm>>) dst(%arg15 : memref<256xi32, #tpu.memory_space<vmem>>)
      tpu.yield
    }) : () -> ()
    %mul3A_12 = arith.constant 64 : i32
    %mul3A_13 = arith.muli %mul3A_2, %mul3A_12 : i32
    "tpu.region"() ({
      %run_scoped3A = tpu.sem_alloc : memref<!tpu.dma_semaphore, #tpu.memory_space<semaphore_mem>>
      %dma_start3A_184 = tpu.memref_slice %arg3[%mul3A_13] : memref<524288xi32, #tpu.memory_space<hbm>> -> memref<16384xi32, #tpu.memory_space<hbm>>
      %dma_start3A_185 = tpu.memref_slice %arg3[%mul3A_13] : memref<524288xi32, #tpu.memory_space<hbm>> -> memref<16384xi32, #tpu.memory_space<hbm>>
      tpu.enqueue_dma source(%dma_start3A_185 : memref<16384xi32, #tpu.memory_space<hbm>>) target(%arg14 : memref<16384xi32, #tpu.memory_space<vmem>>) target_semaphore(%run_scoped3A : memref<!tpu.dma_semaphore, #tpu.memory_space<semaphore_mem>>)
      %dma_wait3A_186 = tpu.memref_slice %arg3[%mul3A_13] : memref<524288xi32, #tpu.memory_space<hbm>> -> memref<16384xi32, #tpu.memory_space<hbm>>
      %dma_wait3A_187 = tpu.memref_slice %arg3[%mul3A_13] : memref<524288xi32, #tpu.memory_space<hbm>> -> memref<16384xi32, #tpu.memory_space<hbm>>
      tpu.wait_dma2 semaphore(%run_scoped3A : memref<!tpu.dma_semaphore, #tpu.memory_space<semaphore_mem>>) src(%dma_wait3A_187 : memref<16384xi32, #tpu.memory_space<hbm>>) dst(%arg14 : memref<16384xi32, #tpu.memory_space<vmem>>)
      tpu.yield
    }) : () -> ()
    %sub3A = arith.constant 1 : i32
    %sub3A_14 = vector.broadcast %sub3A : i32 to vector<16xi32>
    %sub3A_15 = arith.subi %iota3A, %sub3A_14 : vector<16xi32>
    %mul3A_16 = arith.constant 8 : i32
    %mul3A_17 = vector.broadcast %mul3A_16 : i32 to vector<16xi32>
    %mul3A_18 = arith.muli %sub3A_15, %mul3A_17 : vector<16xi32>
    %jit3A = arith.constant 0 : i32
    %jit3A_19 = arith.constant 24 : i32
    %max3A = vector.broadcast %jit3A : i32 to vector<16xi32>
    %max3A_20 = arith.maxsi %max3A, %mul3A_18 : vector<16xi32>
    %min3A = vector.broadcast %jit3A_19 : i32 to vector<16xi32>
    %min3A_21 = arith.minsi %min3A, %max3A_20 : vector<16xi32>
    %eq3A = arith.constant 0 : i32
    %eq3A_22 = vector.broadcast %eq3A : i32 to vector<16xi32>
    %eq3A_23 = arith.cmpi eq, %iota3A, %eq3A_22 : vector<16xi32>
    %shift_left3A = arith.constant 1 : i32
    %shift_left3A_24 = vector.broadcast %shift_left3A : i32 to vector<16xi32>
    %shift_left3A_25 = arith.shli %shift_left3A_24, %min3A_21 : vector<16xi32>
    %jit3A_26 = arith.constant 0 : i32
    %broadcast_in_dim3A_27 = vector.broadcast %jit3A_26 : i32 to vector<16xi32>
    %select_n3A = arith.select %eq3A_23, %broadcast_in_dim3A_27, %shift_left3A_25 : vector<16xi1>, vector<16xi32>
    %swap3A = arith.constant 0 : index
    %swap3A_28 = tpu.vector_load %arg17[%swap3A] {strides = array<i32>} : memref<16xi32, #tpu.memory_space<vmem>>, vector<16xi32>,
    tpu.vector_store %arg17[%swap3A], %select_n3A {strides = array<i32>} : memref<16xi32, #tpu.memory_space<vmem>>, vector<16xi32>,
    %lt3A = arith.constant 16 : i32
    %lt3A_29 = vector.broadcast %lt3A : i32 to vector<16xi32>
    %lt3A_30 = arith.cmpi slt, %iota3A, %lt3A_29 : vector<16xi32>
    %scan3A_31 = arith.constant 0 : i32
    %scan3A_32 = arith.constant 0 : i32
    %scan3A_33 = arith.constant 16 : i32
    %scan3A_34 = arith.addi %scan3A_32, %scan3A_33 : i32
    %scan3A_35 = arith.constant 1 : i32
    %scan3A_36 = scf.for %scan3A_184 = %scan3A_32 to %scan3A_34 step %scan3A_35 iter_args(%scan3A_185 = %scan3A_31) -> (i32)  : i32 {
      %mul3A_186 = arith.constant 16 : i32
      %mul3A_187 = arith.muli %scan3A_184, %mul3A_186 : i32
      %get3A = arith.index_cast %mul3A_187 : i32 to index
      %get3A_188 = tpu.vector_load %arg15[%get3A] {strides = array<i32>} : memref<256xi32, #tpu.memory_space<vmem>>, vector<16xi32>,
      %add3A_189 = arith.constant 0 : i32
      %add3A_190 = vector.broadcast %add3A_189 : i32 to vector<16xi32>
      %add3A_191 = arith.addi %add3A_190, %get3A_188 : vector<16xi32>
      %mul3A_192 = arith.constant 16 : i32
      %mul3A_193 = vector.broadcast %mul3A_192 : i32 to vector<16xi32>
      %mul3A_194 = arith.muli %add3A_191, %mul3A_193 : vector<16xi32>
      %add3A_195 = arith.addi %mul3A_194, %iota3A : vector<16xi32>
      tpu.vector_store_idx %arg16[%add3A_195], %broadcast_in_dim3A_5 masked %lt3A_30 {add = true} : memref<4608xf32, #tpu.memory_space<vmem>>[vector<16xi32>], vector<16xf32>, vector<16xi1>
      %scan3A_196 = arith.constant 0 : i32
      scf.yield %scan3A_196 : i32
    }
    %scan3A_37 = arith.constant 16 : i32
    %add3A_38 = arith.constant 0 : i32
    %add3A_39 = vector.broadcast %add3A_38 : i32 to vector<16xi32>
    %add3A_40 = arith.addi %iota3A, %add3A_39 : vector<16xi32>
    %add3A_41 = arith.constant 16 : i32
    %add3A_42 = vector.broadcast %add3A_41 : i32 to vector<16xi32>
    %add3A_43 = arith.addi %iota3A, %add3A_42 : vector<16xi32>
    %add3A_44 = arith.constant 32 : i32
    %add3A_45 = vector.broadcast %add3A_44 : i32 to vector<16xi32>
    %add3A_46 = arith.addi %iota3A, %add3A_45 : vector<16xi32>
    %add3A_47 = arith.constant 48 : i32
    %add3A_48 = vector.broadcast %add3A_47 : i32 to vector<16xi32>
    %add3A_49 = arith.addi %iota3A, %add3A_48 : vector<16xi32>
    %broadcast_in_dim3A_50 = arith.constant 0.000000e+00 : f32
    %broadcast_in_dim3A_51 = vector.broadcast %broadcast_in_dim3A_50 : f32 to vector<16xf32>
    %broadcast_in_dim3A_52 = arith.constant 0.000000e+00 : f32
    %broadcast_in_dim3A_53 = vector.broadcast %broadcast_in_dim3A_52 : f32 to vector<16xf32>
    %broadcast_in_dim3A_54 = arith.constant 0.000000e+00 : f32
    %broadcast_in_dim3A_55 = vector.broadcast %broadcast_in_dim3A_54 : f32 to vector<16xf32>
    %broadcast_in_dim3A_56 = arith.constant 0.000000e+00 : f32
    %broadcast_in_dim3A_57 = vector.broadcast %broadcast_in_dim3A_56 : f32 to vector<16xf32>
    %broadcast_in_dim3A_58 = arith.constant 0 : i32
    %broadcast_in_dim3A_59 = vector.broadcast %broadcast_in_dim3A_58 : i32 to vector<16xi32>
    %add3A_60 = arith.constant 0 : i32
    %add3A_61 = arith.addi %mul3A_2, %add3A_60 : i32
    %min3A_62 = arith.constant 8191 : i32
    %min3A_63 = arith.minsi %add3A_61, %min3A_62 : i32
    %dma_start3A = arith.constant 0 : i32
    %dma_start3A_64 = tpu.memref_slice %arg2[%min3A_63, %dma_start3A] : memref<8192x4096xi32, #tpu.memory_space<hbm>> -> memref<1x4096xi32, #tpu.memory_space<hbm>>
    %dma_start3A_65 = tpu.memref_squeeze %dma_start3A_64 : memref<1x4096xi32, #tpu.memory_space<hbm>> -> memref<4096xi32, #tpu.memory_space<hbm>>
    %dma_start3A_66 = arith.constant 0 : i32
    %dma_start3A_67 = tpu.memref_slice %arg2[%min3A_63, %dma_start3A_66] : memref<8192x4096xi32, #tpu.memory_space<hbm>> -> memref<1x4096xi32, #tpu.memory_space<hbm>>
    %dma_start3A_68 = tpu.memref_squeeze %dma_start3A_67 : memref<1x4096xi32, #tpu.memory_space<hbm>> -> memref<4096xi32, #tpu.memory_space<hbm>>
    tpu.enqueue_dma source(%dma_start3A_68 : memref<4096xi32, #tpu.memory_space<hbm>>) target(%arg6 : memref<4096xi32, #tpu.memory_space<vmem>>) target_semaphore(%arg18 : memref<!tpu.dma_semaphore, #tpu.memory_space<semaphore_mem>>)
    %add3A_69 = arith.constant 1 : i32
    %add3A_70 = arith.addi %mul3A_2, %add3A_69 : i32
    %min3A_71 = arith.constant 8191 : i32
    %min3A_72 = arith.minsi %add3A_70, %min3A_71 : i32
    %dma_start3A_73 = arith.constant 0 : i32
    %dma_start3A_74 = tpu.memref_slice %arg2[%min3A_72, %dma_start3A_73] : memref<8192x4096xi32, #tpu.memory_space<hbm>> -> memref<1x4096xi32, #tpu.memory_space<hbm>>
    %dma_start3A_75 = tpu.memref_squeeze %dma_start3A_74 : memref<1x4096xi32, #tpu.memory_space<hbm>> -> memref<4096xi32, #tpu.memory_space<hbm>>
    %dma_start3A_76 = arith.constant 0 : i32
    %dma_start3A_77 = tpu.memref_slice %arg2[%min3A_72, %dma_start3A_76] : memref<8192x4096xi32, #tpu.memory_space<hbm>> -> memref<1x4096xi32, #tpu.memory_space<hbm>>
    %dma_start3A_78 = tpu.memref_squeeze %dma_start3A_77 : memref<1x4096xi32, #tpu.memory_space<hbm>> -> memref<4096xi32, #tpu.memory_space<hbm>>
    tpu.enqueue_dma source(%dma_start3A_78 : memref<4096xi32, #tpu.memory_space<hbm>>) target(%arg7 : memref<4096xi32, #tpu.memory_space<vmem>>) target_semaphore(%arg19 : memref<!tpu.dma_semaphore, #tpu.memory_space<semaphore_mem>>)
    %add3A_79 = arith.constant 2 : i32
    %add3A_80 = arith.addi %mul3A_2, %add3A_79 : i32
    %min3A_81 = arith.constant 8191 : i32
    %min3A_82 = arith.minsi %add3A_80, %min3A_81 : i32
    %dma_start3A_83 = arith.constant 0 : i32
    %dma_start3A_84 = tpu.memref_slice %arg2[%min3A_82, %dma_start3A_83] : memref<8192x4096xi32, #tpu.memory_space<hbm>> -> memref<1x4096xi32, #tpu.memory_space<hbm>>
    %dma_start3A_85 = tpu.memref_squeeze %dma_start3A_84 : memref<1x4096xi32, #tpu.memory_space<hbm>> -> memref<4096xi32, #tpu.memory_space<hbm>>
    %dma_start3A_86 = arith.constant 0 : i32
    %dma_start3A_87 = tpu.memref_slice %arg2[%min3A_82, %dma_start3A_86] : memref<8192x4096xi32, #tpu.memory_space<hbm>> -> memref<1x4096xi32, #tpu.memory_space<hbm>>
    %dma_start3A_88 = tpu.memref_squeeze %dma_start3A_87 : memref<1x4096xi32, #tpu.memory_space<hbm>> -> memref<4096xi32, #tpu.memory_space<hbm>>
    tpu.enqueue_dma source(%dma_start3A_88 : memref<4096xi32, #tpu.memory_space<hbm>>) target(%arg8 : memref<4096xi32, #tpu.memory_space<vmem>>) target_semaphore(%arg20 : memref<!tpu.dma_semaphore, #tpu.memory_space<semaphore_mem>>)
    %add3A_89 = arith.constant 3 : i32
    %add3A_90 = arith.addi %mul3A_2, %add3A_89 : i32
    %min3A_91 = arith.constant 8191 : i32
    %min3A_92 = arith.minsi %add3A_90, %min3A_91 : i32
    %dma_start3A_93 = arith.constant 0 : i32
    %dma_start3A_94 = tpu.memref_slice %arg2[%min3A_92, %dma_start3A_93] : memref<8192x4096xi32, #tpu.memory_space<hbm>> -> memref<1x4096xi32, #tpu.memory_space<hbm>>
    %dma_start3A_95 = tpu.memref_squeeze %dma_start3A_94 : memref<1x4096xi32, #tpu.memory_space<hbm>> -> memref<4096xi32, #tpu.memory_space<hbm>>
    %dma_start3A_96 = arith.constant 0 : i32
    %dma_start3A_97 = tpu.memref_slice %arg2[%min3A_92, %dma_start3A_96] : memref<8192x4096xi32, #tpu.memory_space<hbm>> -> memref<1x4096xi32, #tpu.memory_space<hbm>>
    %dma_start3A_98 = tpu.memref_squeeze %dma_start3A_97 : memref<1x4096xi32, #tpu.memory_space<hbm>> -> memref<4096xi32, #tpu.memory_space<hbm>>
    tpu.enqueue_dma source(%dma_start3A_98 : memref<4096xi32, #tpu.memory_space<hbm>>) target(%arg9 : memref<4096xi32, #tpu.memory_space<vmem>>) target_semaphore(%arg21 : memref<!tpu.dma_semaphore, #tpu.memory_space<semaphore_mem>>)
    %add3A_99 = arith.constant 4 : i32
    %add3A_100 = arith.addi %mul3A_2, %add3A_99 : i32
    %min3A_101 = arith.constant 8191 : i32
    %min3A_102 = arith.minsi %add3A_100, %min3A_101 : i32
    %dma_start3A_103 = arith.constant 0 : i32
    %dma_start3A_104 = tpu.memref_slice %arg2[%min3A_102, %dma_start3A_103] : memref<8192x4096xi32, #tpu.memory_space<hbm>> -> memref<1x4096xi32, #tpu.memory_space<hbm>>
    %dma_start3A_105 = tpu.memref_squeeze %dma_start3A_104 : memref<1x4096xi32, #tpu.memory_space<hbm>> -> memref<4096xi32, #tpu.memory_space<hbm>>
    %dma_start3A_106 = arith.constant 0 : i32
    %dma_start3A_107 = tpu.memref_slice %arg2[%min3A_102, %dma_start3A_106] : memref<8192x4096xi32, #tpu.memory_space<hbm>> -> memref<1x4096xi32, #tpu.memory_space<hbm>>
    %dma_start3A_108 = tpu.memref_squeeze %dma_start3A_107 : memref<1x4096xi32, #tpu.memory_space<hbm>> -> memref<4096xi32, #tpu.memory_space<hbm>>
    tpu.enqueue_dma source(%dma_start3A_108 : memref<4096xi32, #tpu.memory_space<hbm>>) target(%arg10 : memref<4096xi32, #tpu.memory_space<vmem>>) target_semaphore(%arg22 : memref<!tpu.dma_semaphore, #tpu.memory_space<semaphore_mem>>)
    %add3A_109 = arith.constant 5 : i32
    %add3A_110 = arith.addi %mul3A_2, %add3A_109 : i32
    %min3A_111 = arith.constant 8191 : i32
    %min3A_112 = arith.minsi %add3A_110, %min3A_111 : i32
    %dma_start3A_113 = arith.constant 0 : i32
    %dma_start3A_114 = tpu.memref_slice %arg2[%min3A_112, %dma_start3A_113] : memref<8192x4096xi32, #tpu.memory_space<hbm>> -> memref<1x4096xi32, #tpu.memory_space<hbm>>
    %dma_start3A_115 = tpu.memref_squeeze %dma_start3A_114 : memref<1x4096xi32, #tpu.memory_space<hbm>> -> memref<4096xi32, #tpu.memory_space<hbm>>
    %dma_start3A_116 = arith.constant 0 : i32
    %dma_start3A_117 = tpu.memref_slice %arg2[%min3A_112, %dma_start3A_116] : memref<8192x4096xi32, #tpu.memory_space<hbm>> -> memref<1x4096xi32, #tpu.memory_space<hbm>>
    %dma_start3A_118 = tpu.memref_squeeze %dma_start3A_117 : memref<1x4096xi32, #tpu.memory_space<hbm>> -> memref<4096xi32, #tpu.memory_space<hbm>>
    tpu.enqueue_dma source(%dma_start3A_118 : memref<4096xi32, #tpu.memory_space<hbm>>) target(%arg11 : memref<4096xi32, #tpu.memory_space<vmem>>) target_semaphore(%arg23 : memref<!tpu.dma_semaphore, #tpu.memory_space<semaphore_mem>>)
    %add3A_119 = arith.constant 6 : i32
    %add3A_120 = arith.addi %mul3A_2, %add3A_119 : i32
    %min3A_121 = arith.constant 8191 : i32
    %min3A_122 = arith.minsi %add3A_120, %min3A_121 : i32
    %dma_start3A_123 = arith.constant 0 : i32
    %dma_start3A_124 = tpu.memref_slice %arg2[%min3A_122, %dma_start3A_123] : memref<8192x4096xi32, #tpu.memory_space<hbm>> -> memref<1x4096xi32, #tpu.memory_space<hbm>>
    %dma_start3A_125 = tpu.memref_squeeze %dma_start3A_124 : memref<1x4096xi32, #tpu.memory_space<hbm>> -> memref<4096xi32, #tpu.memory_space<hbm>>
    %dma_start3A_126 = arith.constant 0 : i32
    %dma_start3A_127 = tpu.memref_slice %arg2[%min3A_122, %dma_start3A_126] : memref<8192x4096xi32, #tpu.memory_space<hbm>> -> memref<1x4096xi32, #tpu.memory_space<hbm>>
    %dma_start3A_128 = tpu.memref_squeeze %dma_start3A_127 : memref<1x4096xi32, #tpu.memory_space<hbm>> -> memref<4096xi32, #tpu.memory_space<hbm>>
    tpu.enqueue_dma source(%dma_start3A_128 : memref<4096xi32, #tpu.memory_space<hbm>>) target(%arg12 : memref<4096xi32, #tpu.memory_space<vmem>>) target_semaphore(%arg24 : memref<!tpu.dma_semaphore, #tpu.memory_space<semaphore_mem>>)
    %scan3A_129 = arith.constant 0 : i32
    %scan3A_130 = arith.constant 32 : i32
    %scan3A_131 = arith.addi %scan3A_129, %scan3A_130 : i32
    %scan3A_132 = arith.constant 1 : i32
    %scan3A_133:4 = scf.for %scan3A_184 = %scan3A_129 to %scan3A_131 step %scan3A_132 iter_args(%scan3A_185 = %broadcast_in_dim3A_51, %scan3A_186 = %broadcast_in_dim3A_53, %scan3A_187 = %broadcast_in_dim3A_55, %scan3A_188 = %broadcast_in_dim3A_57) -> (vector<16xf32>, vector<16xf32>, vector<16xf32>, vector<16xf32>)  : i32 {
      %mul3A_189 = arith.constant 8 : i32
      %mul3A_190 = arith.muli %scan3A_184, %mul3A_189 : i32
      %dma_wait3A_191 = arith.constant 0 : i32
      %dma_wait3A_192 = tpu.memref_slice %arg2[%mul3A_2, %dma_wait3A_191] : memref<8192x4096xi32, #tpu.memory_space<hbm>> -> memref<1x4096xi32, #tpu.memory_space<hbm>>
      %dma_wait3A_193 = tpu.memref_squeeze %dma_wait3A_192 : memref<1x4096xi32, #tpu.memory_space<hbm>> -> memref<4096xi32, #tpu.memory_space<hbm>>
      %dma_wait3A_194 = arith.constant 0 : i32
      %dma_wait3A_195 = tpu.memref_slice %arg2[%mul3A_2, %dma_wait3A_194] : memref<8192x4096xi32, #tpu.memory_space<hbm>> -> memref<1x4096xi32, #tpu.memory_space<hbm>>
      %dma_wait3A_196 = tpu.memref_squeeze %dma_wait3A_195 : memref<1x4096xi32, #tpu.memory_space<hbm>> -> memref<4096xi32, #tpu.memory_space<hbm>>
      tpu.wait_dma2 semaphore(%arg18 : memref<!tpu.dma_semaphore, #tpu.memory_space<semaphore_mem>>) src(%dma_wait3A_196 : memref<4096xi32, #tpu.memory_space<hbm>>) dst(%arg6 : memref<4096xi32, #tpu.memory_space<vmem>>)
      %add3A_197 = arith.constant 0 : i32
      %add3A_198 = arith.addi %mul3A_190, %add3A_197 : i32
      %add3A_199 = arith.constant 8 : i32
      %add3A_200 = arith.addi %add3A_198, %add3A_199 : i32
      %sub3A_201 = arith.constant 1 : i32
      %sub3A_202 = arith.subi %add3A_200, %sub3A_201 : i32
      %add3A_203 = arith.addi %mul3A_2, %sub3A_202 : i32
      %min3A_204 = arith.constant 8191 : i32
      %min3A_205 = arith.minsi %add3A_203, %min3A_204 : i32
      %dma_start3A_206 = arith.constant 0 : i32
      %dma_start3A_207 = tpu.memref_slice %arg2[%min3A_205, %dma_start3A_206] : memref<8192x4096xi32, #tpu.memory_space<hbm>> -> memref<1x4096xi32, #tpu.memory_space<hbm>>
      %dma_start3A_208 = tpu.memref_squeeze %dma_start3A_207 : memref<1x4096xi32, #tpu.memory_space<hbm>> -> memref<4096xi32, #tpu.memory_space<hbm>>
      %dma_start3A_209 = arith.constant 0 : i32
      %dma_start3A_210 = tpu.memref_slice %arg2[%min3A_205, %dma_start3A_209] : memref<8192x4096xi32, #tpu.memory_space<hbm>> -> memref<1x4096xi32, #tpu.memory_space<hbm>>
      %dma_start3A_211 = tpu.memref_squeeze %dma_start3A_210 : memref<1x4096xi32, #tpu.memory_space<hbm>> -> memref<4096xi32, #tpu.memory_space<hbm>>
      tpu.enqueue_dma source(%dma_start3A_211 : memref<4096xi32, #tpu.memory_space<hbm>>) target(%arg13 : memref<4096xi32, #tpu.memory_space<vmem>>) target_semaphore(%arg25 : memref<!tpu.dma_semaphore, #tpu.memory_space<semaphore_mem>>)
      %add3A_212 = arith.constant 0 : i32
      %add3A_213 = arith.addi %mul3A_190, %add3A_212 : i32
      %broadcast_in_dim3A_214 = vector.broadcast %add3A_213 : i32 to vector<16xi32>
      %gather3A = tpu.vector_load_idx %arg15[%broadcast_in_dim3A_214] : memref<256xi32, #tpu.memory_space<vmem>>[vector<16xi32>], vector<16xi32>,
      %reduce_max3A = arith.constant true
      %reduce_max3A_215 = vector.broadcast %reduce_max3A : i1 to vector<16xi1>
      %reduce_max3A_216 = arith.constant -2147483648 : i32
      %reduce_max3A_217 = vector.broadcast %reduce_max3A_216 : i32 to vector<16xi32>
      %reduce_max3A_218 = arith.xori %gather3A, %reduce_max3A_217 : vector<16xi32>
      %reduce_max3A_219 = tpu.scan <max>, %reduce_max3A_218 masked %reduce_max3A_215 : vector<16xi32>, vector<16xi1> -> vector<16xi32>
      %reduce_max3A_220 = arith.xori %reduce_max3A_219, %reduce_max3A_217 : vector<16xi32>
      %reduce_max3A_221 = vector.extract %reduce_max3A_220[15] : i32 from vector<16xi32>
      %lt3A_222 = arith.cmpi slt, %add3A_40, %gather3A : vector<16xi32>
      %lt3A_223 = arith.cmpi slt, %add3A_43, %gather3A : vector<16xi32>
      %lt3A_224 = arith.cmpi slt, %add3A_46, %gather3A : vector<16xi32>
      %lt3A_225 = arith.cmpi slt, %add3A_49, %gather3A : vector<16xi32>
      %and3A = arith.constant 255 : i32
      %and3A_226 = vector.broadcast %and3A : i32 to vector<16xi32>
      %and3A_227 = arith.andi %broadcast_in_dim3A_59, %and3A_226 : vector<16xi32>
      %convert_element_type3A = arith.sitofp %and3A_227 : vector<16xi32> to vector<16xf32>
      %add3A_228 = arith.addf %scan3A_185, %convert_element_type3A : vector<16xf32>
      %shift_right_arithmetic3A = arith.constant 8 : i32
      %shift_right_arithmetic3A_229 = vector.broadcast %shift_right_arithmetic3A : i32 to vector<16xi32>
      %shift_right_arithmetic3A_230 = arith.shrsi %broadcast_in_dim3A_59, %shift_right_arithmetic3A_229 : vector<16xi32>
      %and3A_231 = arith.constant 255 : i32
      %and3A_232 = vector.broadcast %and3A_231 : i32 to vector<16xi32>
      %and3A_233 = arith.andi %shift_right_arithmetic3A_230, %and3A_232 : vector<16xi32>
      %convert_element_type3A_234 = arith.sitofp %and3A_233 : vector<16xi32> to vector<16xf32>
      %add3A_235 = arith.addf %scan3A_186, %convert_element_type3A_234 : vector<16xf32>
      %shift_right_arithmetic3A_236 = arith.constant 16 : i32
      %shift_right_arithmetic3A_237 = vector.broadcast %shift_right_arithmetic3A_236 : i32 to vector<16xi32>
      %shift_right_arithmetic3A_238 = arith.shrsi %broadcast_in_dim3A_59, %shift_right_arithmetic3A_237 : vector<16xi32>
      %and3A_239 = arith.constant 255 : i32
      %and3A_240 = vector.broadcast %and3A_239 : i32 to vector<16xi32>
      %and3A_241 = arith.andi %shift_right_arithmetic3A_238, %and3A_240 : vector<16xi32>
      %convert_element_type3A_242 = arith.sitofp %and3A_241 : vector<16xi32> to vector<16xf32>
      %add3A_243 = arith.addf %scan3A_187, %convert_element_type3A_242 : vector<16xf32>
      %shift_right_arithmetic3A_244 = arith.constant 24 : i32
      %shift_right_arithmetic3A_245 = vector.broadcast %shift_right_arithmetic3A_244 : i32 to vector<16xi32>
      %shift_right_arithmetic3A_246 = arith.shrsi %broadcast_in_dim3A_59, %shift_right_arithmetic3A_245 : vector<16xi32>
      %and3A_247 = arith.constant 255 : i32
      %and3A_248 = vector.broadcast %and3A_247 : i32 to vector<16xi32>
      %and3A_249 = arith.andi %shift_right_arithmetic3A_246, %and3A_248 : vector<16xi32>
      %convert_element_type3A_250 = arith.sitofp %and3A_249 : vector<16xi32> to vector<16xf32>
      %add3A_251 = arith.addf %scan3A_188, %convert_element_type3A_250 : vector<16xf32>
      %convert_element_type3A_252 = arith.fptosi %broadcast_in_dim3A_51 : vector<16xf32> to vector<16xi32>
      %jit3A_253 = arith.constant 0 : i32
      %jit3A_254 = arith.constant 189 : i32
      %max3A_255 = vector.broadcast %jit3A_253 : i32 to vector<16xi32>
      %max3A_256 = arith.maxsi %max3A_255, %convert_element_type3A_252 : vector<16xi32>
      %min3A_257 = vector.broadcast %jit3A_254 : i32 to vector<16xi32>
      %min3A_258 = arith.minsi %min3A_257, %max3A_256 : vector<16xi32>
      %add3A_259 = arith.constant 86 : i32
      %add3A_260 = vector.broadcast %add3A_259 : i32 to vector<16xi32>
      %add3A_261 = arith.addi %add3A_260, %min3A_258 : vector<16xi32>
      %mul3A_262 = arith.constant 16 : i32
      %mul3A_263 = vector.broadcast %mul3A_262 : i32 to vector<16xi32>
      %mul3A_264 = arith.muli %add3A_261, %mul3A_263 : vector<16xi32>
      %add3A_265 = arith.addi %mul3A_264, %iota3A : vector<16xi32>
      tpu.vector_store_idx %arg16[%add3A_265], %broadcast_in_dim3A_5 masked %lt3A_222 {add = true} : memref<4608xf32, #tpu.memory_space<vmem>>[vector<16xi32>], vector<16xf32>, vector<16xi1>
      %mul3A_266 = arith.constant 64 : i32
      %mul3A_267 = arith.muli %add3A_213, %mul3A_266 : i32
      %add3A_268 = arith.constant 0 : i32
      %add3A_269 = arith.addi %mul3A_267, %add3A_268 : i32
      %get3A = arith.index_cast %add3A_269 : i32 to index
      %get3A_270 = tpu.vector_load %arg14[%get3A] {strides = array<i32>} : memref<16384xi32, #tpu.memory_space<vmem>>, vector<16xi32>,
      %add3A_271 = arith.constant 65 : i32
      %add3A_272 = vector.broadcast %add3A_271 : i32 to vector<16xi32>
      %add3A_273 = arith.addi %add3A_272, %get3A_270 : vector<16xi32>
      %mul3A_274 = arith.constant 16 : i32
      %mul3A_275 = vector.broadcast %mul3A_274 : i32 to vector<16xi32>
      %mul3A_276 = arith.muli %add3A_273, %mul3A_275 : vector<16xi32>
      %add3A_277 = arith.addi %mul3A_276, %iota3A : vector<16xi32>
      tpu.vector_store_idx %arg16[%add3A_277], %broadcast_in_dim3A_5 masked %lt3A_222 {add = true} : memref<4608xf32, #tpu.memory_space<vmem>>[vector<16xi32>], vector<16xf32>, vector<16xi1>
      %convert_element_type3A_278 = arith.fptosi %broadcast_in_dim3A_53 : vector<16xf32> to vector<16xi32>
      %jit3A_279 = arith.constant 0 : i32
      %jit3A_280 = arith.constant 189 : i32
      %max3A_281 = vector.broadcast %jit3A_279 : i32 to vector<16xi32>
      %max3A_282 = arith.maxsi %max3A_281, %convert_element_type3A_278 : vector<16xi32>
      %min3A_283 = vector.broadcast %jit3A_280 : i32 to vector<16xi32>
      %min3A_284 = arith.minsi %min3A_283, %max3A_282 : vector<16xi32>
      %add3A_285 = arith.constant 86 : i32
      %add3A_286 = vector.broadcast %add3A_285 : i32 to vector<16xi32>
      %add3A_287 = arith.addi %add3A_286, %min3A_284 : vector<16xi32>
      %mul3A_288 = arith.constant 16 : i32
      %mul3A_289 = vector.broadcast %mul3A_288 : i32 to vector<16xi32>
      %mul3A_290 = arith.muli %add3A_287, %mul3A_289 : vector<16xi32>
      %add3A_291 = arith.addi %mul3A_290, %iota3A : vector<16xi32>
      tpu.vector_store_idx %arg16[%add3A_291], %broadcast_in_dim3A_5 masked %lt3A_223 {add = true} : memref<4608xf32, #tpu.memory_space<vmem>>[vector<16xi32>], vector<16xf32>, vector<16xi1>
      %mul3A_292 = arith.constant 64 : i32
      %mul3A_293 = arith.muli %add3A_213, %mul3A_292 : i32
      %add3A_294 = arith.constant 16 : i32
      %add3A_295 = arith.addi %mul3A_293, %add3A_294 : i32
      %get3A_296 = arith.index_cast %add3A_295 : i32 to index
      %get3A_297 = tpu.vector_load %arg14[%get3A_296] {strides = array<i32>} : memref<16384xi32, #tpu.memory_space<vmem>>, vector<16xi32>,
      %add3A_298 = arith.constant 65 : i32
      %add3A_299 = vector.broadcast %add3A_298 : i32 to vector<16xi32>
      %add3A_300 = arith.addi %add3A_299, %get3A_297 : vector<16xi32>
      %mul3A_301 = arith.constant 16 : i32
      %mul3A_302 = vector.broadcast %mul3A_301 : i32 to vector<16xi32>
      %mul3A_303 = arith.muli %add3A_300, %mul3A_302 : vector<16xi32>
      %add3A_304 = arith.addi %mul3A_303, %iota3A : vector<16xi32>
      tpu.vector_store_idx %arg16[%add3A_304], %broadcast_in_dim3A_5 masked %lt3A_223 {add = true} : memref<4608xf32, #tpu.memory_space<vmem>>[vector<16xi32>], vector<16xf32>, vector<16xi1>
      %convert_element_type3A_305 = arith.fptosi %broadcast_in_dim3A_55 : vector<16xf32> to vector<16xi32>
      %jit3A_306 = arith.constant 0 : i32
      %jit3A_307 = arith.constant 189 : i32
      %max3A_308 = vector.broadcast %jit3A_306 : i32 to vector<16xi32>
      %max3A_309 = arith.maxsi %max3A_308, %convert_element_type3A_305 : vector<16xi32>
      %min3A_310 = vector.broadcast %jit3A_307 : i32 to vector<16xi32>
      %min3A_311 = arith.minsi %min3A_310, %max3A_309 : vector<16xi32>
      %add3A_312 = arith.constant 86 : i32
      %add3A_313 = vector.broadcast %add3A_312 : i32 to vector<16xi32>
      %add3A_314 = arith.addi %add3A_313, %min3A_311 : vector<16xi32>
      %mul3A_315 = arith.constant 16 : i32
      %mul3A_316 = vector.broadcast %mul3A_315 : i32 to vector<16xi32>
      %mul3A_317 = arith.muli %add3A_314, %mul3A_316 : vector<16xi32>
      %add3A_318 = arith.addi %mul3A_317, %iota3A : vector<16xi32>
      tpu.vector_store_idx %arg16[%add3A_318], %broadcast_in_dim3A_5 masked %lt3A_224 {add = true} : memref<4608xf32, #tpu.memory_space<vmem>>[vector<16xi32>], vector<16xf32>, vector<16xi1>
      %mul3A_319 = arith.constant 64 : i32
      %mul3A_320 = arith.muli %add3A_213, %mul3A_319 : i32
      %add3A_321 = arith.constant 32 : i32
      %add3A_322 = arith.addi %mul3A_320, %add3A_321 : i32
      %get3A_323 = arith.index_cast %add3A_322 : i32 to index
      %get3A_324 = tpu.vector_load %arg14[%get3A_323] {strides = array<i32>} : memref<16384xi32, #tpu.memory_space<vmem>>, vector<16xi32>,
      %add3A_325 = arith.constant 65 : i32
      %add3A_326 = vector.broadcast %add3A_325 : i32 to vector<16xi32>
      %add3A_327 = arith.addi %add3A_326, %get3A_324 : vector<16xi32>
      %mul3A_328 = arith.constant 16 : i32
      %mul3A_329 = vector.broadcast %mul3A_328 : i32 to vector<16xi32>
      %mul3A_330 = arith.muli %add3A_327, %mul3A_329 : vector<16xi32>
      %add3A_331 = arith.addi %mul3A_330, %iota3A : vector<16xi32>
      tpu.vector_store_idx %arg16[%add3A_331], %broadcast_in_dim3A_5 masked %lt3A_224 {add = true} : memref<4608xf32, #tpu.memory_space<vmem>>[vector<16xi32>], vector<16xf32>, vector<16xi1>
      %convert_element_type3A_332 = arith.fptosi %broadcast_in_dim3A_57 : vector<16xf32> to vector<16xi32>
      %jit3A_333 = arith.constant 0 : i32
      %jit3A_334 = arith.constant 189 : i32
      %max3A_335 = vector.broadcast %jit3A_333 : i32 to vector<16xi32>
      %max3A_336 = arith.maxsi %max3A_335, %convert_element_type3A_332 : vector<16xi32>
      %min3A_337 = vector.broadcast %jit3A_334 : i32 to vector<16xi32>
      %min3A_338 = arith.minsi %min3A_337, %max3A_336 : vector<16xi32>
      %add3A_339 = arith.constant 86 : i32
      %add3A_340 = vector.broadcast %add3A_339 : i32 to vector<16xi32>
      %add3A_341 = arith.addi %add3A_340, %min3A_338 : vector<16xi32>
      %mul3A_342 = arith.constant 16 : i32
      %mul3A_343 = vector.broadcast %mul3A_342 : i32 to vector<16xi32>
      %mul3A_344 = arith.muli %add3A_341, %mul3A_343 : vector<16xi32>
      %add3A_345 = arith.addi %mul3A_344, %iota3A : vector<16xi32>
      tpu.vector_store_idx %arg16[%add3A_345], %broadcast_in_dim3A_5 masked %lt3A_225 {add = true} : memref<4608xf32, #tpu.memory_space<vmem>>[vector<16xi32>], vector<16xf32>, vector<16xi1>
      %mul3A_346 = arith.constant 64 : i32
      %mul3A_347 = arith.muli %add3A_213, %mul3A_346 : i32
      %add3A_348 = arith.constant 48 : i32
      %add3A_349 = arith.addi %mul3A_347, %add3A_348 : i32
      %get3A_350 = arith.index_cast %add3A_349 : i32 to index
      %get3A_351 = tpu.vector_load %arg14[%get3A_350] {strides = array<i32>} : memref<16384xi32, #tpu.memory_space<vmem>>, vector<16xi32>,
      %add3A_352 = arith.constant 65 : i32
      %add3A_353 = vector.broadcast %add3A_352 : i32 to vector<16xi32>
      %add3A_354 = arith.addi %add3A_353, %get3A_351 : vector<16xi32>
      %mul3A_355 = arith.constant 16 : i32
      %mul3A_356 = vector.broadcast %mul3A_355 : i32 to vector<16xi32>
      %mul3A_357 = arith.muli %add3A_354, %mul3A_356 : vector<16xi32>
      %add3A_358 = arith.addi %mul3A_357, %iota3A : vector<16xi32>
      tpu.vector_store_idx %arg16[%add3A_358], %broadcast_in_dim3A_5 masked %lt3A_225 {add = true} : memref<4608xf32, #tpu.memory_space<vmem>>[vector<16xi32>], vector<16xf32>, vector<16xi1>
      %dma_wait3A_359 = arith.constant 0 : i32
      %dma_wait3A_360 = tpu.memref_slice %arg2[%mul3A_2, %dma_wait3A_359] : memref<8192x4096xi32, #tpu.memory_space<hbm>> -> memref<1x4096xi32, #tpu.memory_space<hbm>>
      %dma_wait3A_361 = tpu.memref_squeeze %dma_wait3A_360 : memref<1x4096xi32, #tpu.memory_space<hbm>> -> memref<4096xi32, #tpu.memory_space<hbm>>
      %dma_wait3A_362 = arith.constant 0 : i32
      %dma_wait3A_363 = tpu.memref_slice %arg2[%mul3A_2, %dma_wait3A_362] : memref<8192x4096xi32, #tpu.memory_space<hbm>> -> memref<1x4096xi32, #tpu.memory_space<hbm>>
      %dma_wait3A_364 = tpu.memref_squeeze %dma_wait3A_363 : memref<1x4096xi32, #tpu.memory_space<hbm>> -> memref<4096xi32, #tpu.memory_space<hbm>>
      tpu.wait_dma2 semaphore(%arg19 : memref<!tpu.dma_semaphore, #tpu.memory_space<semaphore_mem>>) src(%dma_wait3A_364 : memref<4096xi32, #tpu.memory_space<hbm>>) dst(%arg7 : memref<4096xi32, #tpu.memory_space<vmem>>)
      %add3A_365 = arith.constant 1 : i32
      %add3A_366 = arith.addi %mul3A_190, %add3A_365 : i32
      %add3A_367 = arith.constant 8 : i32
      %add3A_368 = arith.addi %add3A_366, %add3A_367 : i32
      %sub3A_369 = arith.constant 1 : i32
      %sub3A_370 = arith.subi %add3A_368, %sub3A_369 : i32
      %add3A_371 = arith.addi %mul3A_2, %sub3A_370 : i32
      %min3A_372 = arith.constant 8191 : i32
      %min3A_373 = arith.minsi %add3A_371, %min3A_372 : i32
      %dma_start3A_374 = arith.constant 0 : i32
      %dma_start3A_375 = tpu.memref_slice %arg2[%min3A_373, %dma_start3A_374] : memref<8192x4096xi32, #tpu.memory_space<hbm>> -> memref<1x4096xi32, #tpu.memory_space<hbm>>
      %dma_start3A_376 = tpu.memref_squeeze %dma_start3A_375 : memref<1x4096xi32, #tpu.memory_space<hbm>> -> memref<4096xi32, #tpu.memory_space<hbm>>
      %dma_start3A_377 = arith.constant 0 : i32
      %dma_start3A_378 = tpu.memref_slice %arg2[%min3A_373, %dma_start3A_377] : memref<8192x4096xi32, #tpu.memory_space<hbm>> -> memref<1x4096xi32, #tpu.memory_space<hbm>>
      %dma_start3A_379 = tpu.memref_squeeze %dma_start3A_378 : memref<1x4096xi32, #tpu.memory_space<hbm>> -> memref<4096xi32, #tpu.memory_space<hbm>>
      tpu.enqueue_dma source(%dma_start3A_379 : memref<4096xi32, #tpu.memory_space<hbm>>) target(%arg6 : memref<4096xi32, #tpu.memory_space<vmem>>) target_semaphore(%arg18 : memref<!tpu.dma_semaphore, #tpu.memory_space<semaphore_mem>>)
      %add3A_380 = arith.constant 1 : i32
      %add3A_381 = arith.addi %mul3A_190, %add3A_380 : i32
      %broadcast_in_dim3A_382 = vector.broadcast %add3A_381 : i32 to vector<16xi32>
      %gather3A_383 = tpu.vector_load_idx %arg15[%broadcast_in_dim3A_382] : memref<256xi32, #tpu.memory_space<vmem>>[vector<16xi32>], vector<16xi32>,
      %reduce_max3A_384 = arith.constant true
      %reduce_max3A_385 = vector.broadcast %reduce_max3A_384 : i1 to vector<16xi1>
      %reduce_max3A_386 = arith.constant -2147483648 : i32
      %reduce_max3A_387 = vector.broadcast %reduce_max3A_386 : i32 to vector<16xi32>
      %reduce_max3A_388 = arith.xori %gather3A_383, %reduce_max3A_387 : vector<16xi32>
      %reduce_max3A_389 = tpu.scan <max>, %reduce_max3A_388 masked %reduce_max3A_385 : vector<16xi32>, vector<16xi1> -> vector<16xi32>
      %reduce_max3A_390 = arith.xori %reduce_max3A_389, %reduce_max3A_387 : vector<16xi32>
      %reduce_max3A_391 = vector.extract %reduce_max3A_390[15] : i32 from vector<16xi32>
      %lt3A_392 = arith.cmpi slt, %add3A_40, %gather3A_383 : vector<16xi32>
      %lt3A_393 = arith.cmpi slt, %add3A_43, %gather3A_383 : vector<16xi32>
      %lt3A_394 = arith.cmpi slt, %add3A_46, %gather3A_383 : vector<16xi32>
      %lt3A_395 = arith.cmpi slt, %add3A_49, %gather3A_383 : vector<16xi32>
      %and3A_396 = arith.constant 255 : i32
      %and3A_397 = vector.broadcast %and3A_396 : i32 to vector<16xi32>
      %and3A_398 = arith.andi %broadcast_in_dim3A_59, %and3A_397 : vector<16xi32>
      %convert_element_type3A_399 = arith.sitofp %and3A_398 : vector<16xi32> to vector<16xf32>
      %add3A_400 = arith.addf %add3A_228, %convert_element_type3A_399 : vector<16xf32>
      %shift_right_arithmetic3A_401 = arith.constant 8 : i32
      %shift_right_arithmetic3A_402 = vector.broadcast %shift_right_arithmetic3A_401 : i32 to vector<16xi32>
      %shift_right_arithmetic3A_403 = arith.shrsi %broadcast_in_dim3A_59, %shift_right_arithmetic3A_402 : vector<16xi32>
      %and3A_404 = arith.constant 255 : i32
      %and3A_405 = vector.broadcast %and3A_404 : i32 to vector<16xi32>
      %and3A_406 = arith.andi %shift_right_arithmetic3A_403, %and3A_405 : vector<16xi32>
      %convert_element_type3A_407 = arith.sitofp %and3A_406 : vector<16xi32> to vector<16xf32>
      %add3A_408 = arith.addf %add3A_235, %convert_element_type3A_407 : vector<16xf32>
      %shift_right_arithmetic3A_409 = arith.constant 16 : i32
      %shift_right_arithmetic3A_410 = vector.broadcast %shift_right_arithmetic3A_409 : i32 to vector<16xi32>
      %shift_right_arithmetic3A_411 = arith.shrsi %broadcast_in_dim3A_59, %shift_right_arithmetic3A_410 : vector<16xi32>
      %and3A_412 = arith.constant 255 : i32
      %and3A_413 = vector.broadcast %and3A_412 : i32 to vector<16xi32>
      %and3A_414 = arith.andi %shift_right_arithmetic3A_411, %and3A_413 : vector<16xi32>
      %convert_element_type3A_415 = arith.sitofp %and3A_414 : vector<16xi32> to vector<16xf32>
      %add3A_416 = arith.addf %add3A_243, %convert_element_type3A_415 : vector<16xf32>
      %shift_right_arithmetic3A_417 = arith.constant 24 : i32
      %shift_right_arithmetic3A_418 = vector.broadcast %shift_right_arithmetic3A_417 : i32 to vector<16xi32>
      %shift_right_arithmetic3A_419 = arith.shrsi %broadcast_in_dim3A_59, %shift_right_arithmetic3A_418 : vector<16xi32>
      %and3A_420 = arith.constant 255 : i32
      %and3A_421 = vector.broadcast %and3A_420 : i32 to vector<16xi32>
      %and3A_422 = arith.andi %shift_right_arithmetic3A_419, %and3A_421 : vector<16xi32>
      %convert_element_type3A_423 = arith.sitofp %and3A_422 : vector<16xi32> to vector<16xf32>
      %add3A_424 = arith.addf %add3A_251, %convert_element_type3A_423 : vector<16xf32>
      %convert_element_type3A_425 = arith.fptosi %broadcast_in_dim3A_51 : vector<16xf32> to vector<16xi32>
      %jit3A_426 = arith.constant 0 : i32
      %jit3A_427 = arith.constant 189 : i32
      %max3A_428 = vector.broadcast %jit3A_426 : i32 to vector<16xi32>
      %max3A_429 = arith.maxsi %max3A_428, %convert_element_type3A_425 : vector<16xi32>
      %min3A_430 = vector.broadcast %jit3A_427 : i32 to vector<16xi32>
      %min3A_431 = arith.minsi %min3A_430, %max3A_429 : vector<16xi32>
      %add3A_432 = arith.constant 86 : i32
      %add3A_433 = vector.broadcast %add3A_432 : i32 to vector<16xi32>
      %add3A_434 = arith.addi %add3A_433, %min3A_431 : vector<16xi32>
      %mul3A_435 = arith.constant 16 : i32
      %mul3A_436 = vector.broadcast %mul3A_435 : i32 to vector<16xi32>
      %mul3A_437 = arith.muli %add3A_434, %mul3A_436 : vector<16xi32>
      %add3A_438 = arith.addi %mul3A_437, %iota3A : vector<16xi32>
      tpu.vector_store_idx %arg16[%add3A_438], %broadcast_in_dim3A_5 masked %lt3A_392 {add = true} : memref<4608xf32, #tpu.memory_space<vmem>>[vector<16xi32>], vector<16xf32>, vector<16xi1>
      %mul3A_439 = arith.constant 64 : i32
      %mul3A_440 = arith.muli %add3A_381, %mul3A_439 : i32
      %add3A_441 = arith.constant 0 : i32
      %add3A_442 = arith.addi %mul3A_440, %add3A_441 : i32
      %get3A_443 = arith.index_cast %add3A_442 : i32 to index
      %get3A_444 = tpu.vector_load %arg14[%get3A_443] {strides = array<i32>} : memref<16384xi32, #tpu.memory_space<vmem>>, vector<16xi32>,
      %add3A_445 = arith.constant 65 : i32
      %add3A_446 = vector.broadcast %add3A_445 : i32 to vector<16xi32>
      %add3A_447 = arith.addi %add3A_446, %get3A_444 : vector<16xi32>
      %mul3A_448 = arith.constant 16 : i32
      %mul3A_449 = vector.broadcast %mul3A_448 : i32 to vector<16xi32>
      %mul3A_450 = arith.muli %add3A_447, %mul3A_449 : vector<16xi32>
      %add3A_451 = arith.addi %mul3A_450, %iota3A : vector<16xi32>
      tpu.vector_store_idx %arg16[%add3A_451], %broadcast_in_dim3A_5 masked %lt3A_392 {add = true} : memref<4608xf32, #tpu.memory_space<vmem>>[vector<16xi32>], vector<16xf32>, vector<16xi1>
      %convert_element_type3A_452 = arith.fptosi %broadcast_in_dim3A_53 : vector<16xf32> to vector<16xi32>
      %jit3A_453 = arith.constant 0 : i32
      %jit3A_454 = arith.constant 189 : i32
      %max3A_455 = vector.broadcast %jit3A_453 : i32 to vector<16xi32>
      %max3A_456 = arith.maxsi %max3A_455, %convert_element_type3A_452 : vector<16xi32>
      %min3A_457 = vector.broadcast %jit3A_454 : i32 to vector<16xi32>
      %min3A_458 = arith.minsi %min3A_457, %max3A_456 : vector<16xi32>
      %add3A_459 = arith.constant 86 : i32
      %add3A_460 = vector.broadcast %add3A_459 : i32 to vector<16xi32>
      %add3A_461 = arith.addi %add3A_460, %min3A_458 : vector<16xi32>
      %mul3A_462 = arith.constant 16 : i32
      %mul3A_463 = vector.broadcast %mul3A_462 : i32 to vector<16xi32>
      %mul3A_464 = arith.muli %add3A_461, %mul3A_463 : vector<16xi32>
      %add3A_465 = arith.addi %mul3A_464, %iota3A : vector<16xi32>
      tpu.vector_store_idx %arg16[%add3A_465], %broadcast_in_dim3A_5 masked %lt3A_393 {add = true} : memref<4608xf32, #tpu.memory_space<vmem>>[vector<16xi32>], vector<16xf32>, vector<16xi1>
      %mul3A_466 = arith.constant 64 : i32
      %mul3A_467 = arith.muli %add3A_381, %mul3A_466 : i32
      %add3A_468 = arith.constant 16 : i32
      %add3A_469 = arith.addi %mul3A_467, %add3A_468 : i32
      %get3A_470 = arith.index_cast %add3A_469 : i32 to index
      %get3A_471 = tpu.vector_load %arg14[%get3A_470] {strides = array<i32>} : memref<16384xi32, #tpu.memory_space<vmem>>, vector<16xi32>,
      %add3A_472 = arith.constant 65 : i32
      %add3A_473 = vector.broadcast %add3A_472 : i32 to vector<16xi32>
      %add3A_474 = arith.addi %add3A_473, %get3A_471 : vector<16xi32>
      %mul3A_475 = arith.constant 16 : i32
      %mul3A_476 = vector.broadcast %mul3A_475 : i32 to vector<16xi32>
      %mul3A_477 = arith.muli %add3A_474, %mul3A_476 : vector<16xi32>
      %add3A_478 = arith.addi %mul3A_477, %iota3A : vector<16xi32>
      tpu.vector_store_idx %arg16[%add3A_478], %broadcast_in_dim3A_5 masked %lt3A_393 {add = true} : memref<4608xf32, #tpu.memory_space<vmem>>[vector<16xi32>], vector<16xf32>, vector<16xi1>
      %convert_element_type3A_479 = arith.fptosi %broadcast_in_dim3A_55 : vector<16xf32> to vector<16xi32>
      %jit3A_480 = arith.constant 0 : i32
      %jit3A_481 = arith.constant 189 : i32
      %max3A_482 = vector.broadcast %jit3A_480 : i32 to vector<16xi32>
      %max3A_483 = arith.maxsi %max3A_482, %convert_element_type3A_479 : vector<16xi32>
      %min3A_484 = vector.broadcast %jit3A_481 : i32 to vector<16xi32>
      %min3A_485 = arith.minsi %min3A_484, %max3A_483 : vector<16xi32>
      %add3A_486 = arith.constant 86 : i32
      %add3A_487 = vector.broadcast %add3A_486 : i32 to vector<16xi32>
      %add3A_488 = arith.addi %add3A_487, %min3A_485 : vector<16xi32>
      %mul3A_489 = arith.constant 16 : i32
      %mul3A_490 = vector.broadcast %mul3A_489 : i32 to vector<16xi32>
      %mul3A_491 = arith.muli %add3A_488, %mul3A_490 : vector<16xi32>
      %add3A_492 = arith.addi %mul3A_491, %iota3A : vector<16xi32>
      tpu.vector_store_idx %arg16[%add3A_492], %broadcast_in_dim3A_5 masked %lt3A_394 {add = true} : memref<4608xf32, #tpu.memory_space<vmem>>[vector<16xi32>], vector<16xf32>, vector<16xi1>
      %mul3A_493 = arith.constant 64 : i32
      %mul3A_494 = arith.muli %add3A_381, %mul3A_493 : i32
      %add3A_495 = arith.constant 32 : i32
      %add3A_496 = arith.addi %mul3A_494, %add3A_495 : i32
      %get3A_497 = arith.index_cast %add3A_496 : i32 to index
      %get3A_498 = tpu.vector_load %arg14[%get3A_497] {strides = array<i32>} : memref<16384xi32, #tpu.memory_space<vmem>>, vector<16xi32>,
      %add3A_499 = arith.constant 65 : i32
      %add3A_500 = vector.broadcast %add3A_499 : i32 to vector<16xi32>
      %add3A_501 = arith.addi %add3A_500, %get3A_498 : vector<16xi32>
      %mul3A_502 = arith.constant 16 : i32
      %mul3A_503 = vector.broadcast %mul3A_502 : i32 to vector<16xi32>
      %mul3A_504 = arith.muli %add3A_501, %mul3A_503 : vector<16xi32>
      %add3A_505 = arith.addi %mul3A_504, %iota3A : vector<16xi32>
      tpu.vector_store_idx %arg16[%add3A_505], %broadcast_in_dim3A_5 masked %lt3A_394 {add = true} : memref<4608xf32, #tpu.memory_space<vmem>>[vector<16xi32>], vector<16xf32>, vector<16xi1>
      %convert_element_type3A_506 = arith.fptosi %broadcast_in_dim3A_57 : vector<16xf32> to vector<16xi32>
      %jit3A_507 = arith.constant 0 : i32
      %jit3A_508 = arith.constant 189 : i32
      %max3A_509 = vector.broadcast %jit3A_507 : i32 to vector<16xi32>
      %max3A_510 = arith.maxsi %max3A_509, %convert_element_type3A_506 : vector<16xi32>
      %min3A_511 = vector.broadcast %jit3A_508 : i32 to vector<16xi32>
      %min3A_512 = arith.minsi %min3A_511, %max3A_510 : vector<16xi32>
      %add3A_513 = arith.constant 86 : i32
      %add3A_514 = vector.broadcast %add3A_513 : i32 to vector<16xi32>
      %add3A_515 = arith.addi %add3A_514, %min3A_512 : vector<16xi32>
      %mul3A_516 = arith.constant 16 : i32
      %mul3A_517 = vector.broadcast %mul3A_516 : i32 to vector<16xi32>
      %mul3A_518 = arith.muli %add3A_515, %mul3A_517 : vector<16xi32>
      %add3A_519 = arith.addi %mul3A_518, %iota3A : vector<16xi32>
      tpu.vector_store_idx %arg16[%add3A_519], %broadcast_in_dim3A_5 masked %lt3A_395 {add = true} : memref<4608xf32, #tpu.memory_space<vmem>>[vector<16xi32>], vector<16xf32>, vector<16xi1>
      %mul3A_520 = arith.constant 64 : i32
      %mul3A_521 = arith.muli %add3A_381, %mul3A_520 : i32
      %add3A_522 = arith.constant 48 : i32
      %add3A_523 = arith.addi %mul3A_521, %add3A_522 : i32
      %get3A_524 = arith.index_cast %add3A_523 : i32 to index
      %get3A_525 = tpu.vector_load %arg14[%get3A_524] {strides = array<i32>} : memref<16384xi32, #tpu.memory_space<vmem>>, vector<16xi32>,
      %add3A_526 = arith.constant 65 : i32
      %add3A_527 = vector.broadcast %add3A_526 : i32 to vector<16xi32>
      %add3A_528 = arith.addi %add3A_527, %get3A_525 : vector<16xi32>
      %mul3A_529 = arith.constant 16 : i32
      %mul3A_530 = vector.broadcast %mul3A_529 : i32 to vector<16xi32>
      %mul3A_531 = arith.muli %add3A_528, %mul3A_530 : vector<16xi32>
      %add3A_532 = arith.addi %mul3A_531, %iota3A : vector<16xi32>
      tpu.vector_store_idx %arg16[%add3A_532], %broadcast_in_dim3A_5 masked %lt3A_395 {add = true} : memref<4608xf32, #tpu.memory_space<vmem>>[vector<16xi32>], vector<16xf32>, vector<16xi1>
      %dma_wait3A_533 = arith.constant 0 : i32
      %dma_wait3A_534 = tpu.memref_slice %arg2[%mul3A_2, %dma_wait3A_533] : memref<8192x4096xi32, #tpu.memory_space<hbm>> -> memref<1x4096xi32, #tpu.memory_space<hbm>>
      %dma_wait3A_535 = tpu.memref_squeeze %dma_wait3A_534 : memref<1x4096xi32, #tpu.memory_space<hbm>> -> memref<4096xi32, #tpu.memory_space<hbm>>
      %dma_wait3A_536 = arith.constant 0 : i32
      %dma_wait3A_537 = tpu.memref_slice %arg2[%mul3A_2, %dma_wait3A_536] : memref<8192x4096xi32, #tpu.memory_space<hbm>> -> memref<1x4096xi32, #tpu.memory_space<hbm>>
      %dma_wait3A_538 = tpu.memref_squeeze %dma_wait3A_537 : memref<1x4096xi32, #tpu.memory_space<hbm>> -> memref<4096xi32, #tpu.memory_space<hbm>>
      tpu.wait_dma2 semaphore(%arg20 : memref<!tpu.dma_semaphore, #tpu.memory_space<semaphore_mem>>) src(%dma_wait3A_538 : memref<4096xi32, #tpu.memory_space<hbm>>) dst(%arg8 : memref<4096xi32, #tpu.memory_space<vmem>>)
      %add3A_539 = arith.constant 2 : i32
      %add3A_540 = arith.addi %mul3A_190, %add3A_539 : i32
      %add3A_541 = arith.constant 8 : i32
      %add3A_542 = arith.addi %add3A_540, %add3A_541 : i32
      %sub3A_543 = arith.constant 1 : i32
      %sub3A_544 = arith.subi %add3A_542, %sub3A_543 : i32
      %add3A_545 = arith.addi %mul3A_2, %sub3A_544 : i32
      %min3A_546 = arith.constant 8191 : i32
      %min3A_547 = arith.minsi %add3A_545, %min3A_546 : i32
      %dma_start3A_548 = arith.constant 0 : i32
      %dma_start3A_549 = tpu.memref_slice %arg2[%min3A_547, %dma_start3A_548] : memref<8192x4096xi32, #tpu.memory_space<hbm>> -> memref<1x4096xi32, #tpu.memory_space<hbm>>
      %dma_start3A_550 = tpu.memref_squeeze %dma_start3A_549 : memref<1x4096xi32, #tpu.memory_space<hbm>> -> memref<4096xi32, #tpu.memory_space<hbm>>
      %dma_start3A_551 = arith.constant 0 : i32
      %dma_start3A_552 = tpu.memref_slice %arg2[%min3A_547, %dma_start3A_551] : memref<8192x4096xi32, #tpu.memory_space<hbm>> -> memref<1x4096xi32, #tpu.memory_space<hbm>>
      %dma_start3A_553 = tpu.memref_squeeze %dma_start3A_552 : memref<1x4096xi32, #tpu.memory_space<hbm>> -> memref<4096xi32, #tpu.memory_space<hbm>>
      tpu.enqueue_dma source(%dma_start3A_553 : memref<4096xi32, #tpu.memory_space<hbm>>) target(%arg7 : memref<4096xi32, #tpu.memory_space<vmem>>) target_semaphore(%arg19 : memref<!tpu.dma_semaphore, #tpu.memory_space<semaphore_mem>>)
      %add3A_554 = arith.constant 2 : i32
      %add3A_555 = arith.addi %mul3A_190, %add3A_554 : i32
      %broadcast_in_dim3A_556 = vector.broadcast %add3A_555 : i32 to vector<16xi32>
      %gather3A_557 = tpu.vector_load_idx %arg15[%broadcast_in_dim3A_556] : memref<256xi32, #tpu.memory_space<vmem>>[vector<16xi32>], vector<16xi32>,
      %reduce_max3A_558 = arith.constant true
      %reduce_max3A_559 = vector.broadcast %reduce_max3A_558 : i1 to vector<16xi1>
      %reduce_max3A_560 = arith.constant -2147483648 : i32
      %reduce_max3A_561 = vector.broadcast %reduce_max3A_560 : i32 to vector<16xi32>
      %reduce_max3A_562 = arith.xori %gather3A_557, %reduce_max3A_561 : vector<16xi32>
      %reduce_max3A_563 = tpu.scan <max>, %reduce_max3A_562 masked %reduce_max3A_559 : vector<16xi32>, vector<16xi1> -> vector<16xi32>
      %reduce_max3A_564 = arith.xori %reduce_max3A_563, %reduce_max3A_561 : vector<16xi32>
      %reduce_max3A_565 = vector.extract %reduce_max3A_564[15] : i32 from vector<16xi32>
      %lt3A_566 = arith.cmpi slt, %add3A_40, %gather3A_557 : vector<16xi32>
      %lt3A_567 = arith.cmpi slt, %add3A_43, %gather3A_557 : vector<16xi32>
      %lt3A_568 = arith.cmpi slt, %add3A_46, %gather3A_557 : vector<16xi32>
      %lt3A_569 = arith.cmpi slt, %add3A_49, %gather3A_557 : vector<16xi32>
      %and3A_570 = arith.constant 255 : i32
      %and3A_571 = vector.broadcast %and3A_570 : i32 to vector<16xi32>
      %and3A_572 = arith.andi %broadcast_in_dim3A_59, %and3A_571 : vector<16xi32>
      %convert_element_type3A_573 = arith.sitofp %and3A_572 : vector<16xi32> to vector<16xf32>
      %add3A_574 = arith.addf %add3A_400, %convert_element_type3A_573 : vector<16xf32>
      %shift_right_arithmetic3A_575 = arith.constant 8 : i32
      %shift_right_arithmetic3A_576 = vector.broadcast %shift_right_arithmetic3A_575 : i32 to vector<16xi32>
      %shift_right_arithmetic3A_577 = arith.shrsi %broadcast_in_dim3A_59, %shift_right_arithmetic3A_576 : vector<16xi32>
      %and3A_578 = arith.constant 255 : i32
      %and3A_579 = vector.broadcast %and3A_578 : i32 to vector<16xi32>
      %and3A_580 = arith.andi %shift_right_arithmetic3A_577, %and3A_579 : vector<16xi32>
      %convert_element_type3A_581 = arith.sitofp %and3A_580 : vector<16xi32> to vector<16xf32>
      %add3A_582 = arith.addf %add3A_408, %convert_element_type3A_581 : vector<16xf32>
      %shift_right_arithmetic3A_583 = arith.constant 16 : i32
      %shift_right_arithmetic3A_584 = vector.broadcast %shift_right_arithmetic3A_583 : i32 to vector<16xi32>
      %shift_right_arithmetic3A_585 = arith.shrsi %broadcast_in_dim3A_59, %shift_right_arithmetic3A_584 : vector<16xi32>
      %and3A_586 = arith.constant 255 : i32
      %and3A_587 = vector.broadcast %and3A_586 : i32 to vector<16xi32>
      %and3A_588 = arith.andi %shift_right_arithmetic3A_585, %and3A_587 : vector<16xi32>
      %convert_element_type3A_589 = arith.sitofp %and3A_588 : vector<16xi32> to vector<16xf32>
      %add3A_590 = arith.addf %add3A_416, %convert_element_type3A_589 : vector<16xf32>
      %shift_right_arithmetic3A_591 = arith.constant 24 : i32
      %shift_right_arithmetic3A_592 = vector.broadcast %shift_right_arithmetic3A_591 : i32 to vector<16xi32>
      %shift_right_arithmetic3A_593 = arith.shrsi %broadcast_in_dim3A_59, %shift_right_arithmetic3A_592 : vector<16xi32>
      %and3A_594 = arith.constant 255 : i32
      %and3A_595 = vector.broadcast %and3A_594 : i32 to vector<16xi32>
      %and3A_596 = arith.andi %shift_right_arithmetic3A_593, %and3A_595 : vector<16xi32>
      %convert_element_type3A_597 = arith.sitofp %and3A_596 : vector<16xi32> to vector<16xf32>
      %add3A_598 = arith.addf %add3A_424, %convert_element_type3A_597 : vector<16xf32>
      %convert_element_type3A_599 = arith.fptosi %broadcast_in_dim3A_51 : vector<16xf32> to vector<16xi32>
      %jit3A_600 = arith.constant 0 : i32
      %jit3A_601 = arith.constant 189 : i32
      %max3A_602 = vector.broadcast %jit3A_600 : i32 to vector<16xi32>
      %max3A_603 = arith.maxsi %max3A_602, %convert_element_type3A_599 : vector<16xi32>
      %min3A_604 = vector.broadcast %jit3A_601 : i32 to vector<16xi32>
      %min3A_605 = arith.minsi %min3A_604, %max3A_603 : vector<16xi32>
      %add3A_606 = arith.constant 86 : i32
      %add3A_607 = vector.broadcast %add3A_606 : i32 to vector<16xi32>
      %add3A_608 = arith.addi %add3A_607, %min3A_605 : vector<16xi32>
      %mul3A_609 = arith.constant 16 : i32
      %mul3A_610 = vector.broadcast %mul3A_609 : i32 to vector<16xi32>
      %mul3A_611 = arith.muli %add3A_608, %mul3A_610 : vector<16xi32>
      %add3A_612 = arith.addi %mul3A_611, %iota3A : vector<16xi32>
      tpu.vector_store_idx %arg16[%add3A_612], %broadcast_in_dim3A_5 masked %lt3A_566 {add = true} : memref<4608xf32, #tpu.memory_space<vmem>>[vector<16xi32>], vector<16xf32>, vector<16xi1>
      %mul3A_613 = arith.constant 64 : i32
      %mul3A_614 = arith.muli %add3A_555, %mul3A_613 : i32
      %add3A_615 = arith.constant 0 : i32
      %add3A_616 = arith.addi %mul3A_614, %add3A_615 : i32
      %get3A_617 = arith.index_cast %add3A_616 : i32 to index
      %get3A_618 = tpu.vector_load %arg14[%get3A_617] {strides = array<i32>} : memref<16384xi32, #tpu.memory_space<vmem>>, vector<16xi32>,
      %add3A_619 = arith.constant 65 : i32
      %add3A_620 = vector.broadcast %add3A_619 : i32 to vector<16xi32>
      %add3A_621 = arith.addi %add3A_620, %get3A_618 : vector<16xi32>
      %mul3A_622 = arith.constant 16 : i32
      %mul3A_623 = vector.broadcast %mul3A_622 : i32 to vector<16xi32>
      %mul3A_624 = arith.muli %add3A_621, %mul3A_623 : vector<16xi32>
      %add3A_625 = arith.addi %mul3A_624, %iota3A : vector<16xi32>
      tpu.vector_store_idx %arg16[%add3A_625], %broadcast_in_dim3A_5 masked %lt3A_566 {add = true} : memref<4608xf32, #tpu.memory_space<vmem>>[vector<16xi32>], vector<16xf32>, vector<16xi1>
      %convert_element_type3A_626 = arith.fptosi %broadcast_in_dim3A_53 : vector<16xf32> to vector<16xi32>
      %jit3A_627 = arith.constant 0 : i32
      %jit3A_628 = arith.constant 189 : i32
      %max3A_629 = vector.broadcast %jit3A_627 : i32 to vector<16xi32>
      %max3A_630 = arith.maxsi %max3A_629, %convert_element_type3A_626 : vector<16xi32>
      %min3A_631 = vector.broadcast %jit3A_628 : i32 to vector<16xi32>
      %min3A_632 = arith.minsi %min3A_631, %max3A_630 : vector<16xi32>
      %add3A_633 = arith.constant 86 : i32
      %add3A_634 = vector.broadcast %add3A_633 : i32 to vector<16xi32>
      %add3A_635 = arith.addi %add3A_634, %min3A_632 : vector<16xi32>
      %mul3A_636 = arith.constant 16 : i32
      %mul3A_637 = vector.broadcast %mul3A_636 : i32 to vector<16xi32>
      %mul3A_638 = arith.muli %add3A_635, %mul3A_637 : vector<16xi32>
      %add3A_639 = arith.addi %mul3A_638, %iota3A : vector<16xi32>
      tpu.vector_store_idx %arg16[%add3A_639], %broadcast_in_dim3A_5 masked %lt3A_567 {add = true} : memref<4608xf32, #tpu.memory_space<vmem>>[vector<16xi32>], vector<16xf32>, vector<16xi1>
      %mul3A_640 = arith.constant 64 : i32
      %mul3A_641 = arith.muli %add3A_555, %mul3A_640 : i32
      %add3A_642 = arith.constant 16 : i32
      %add3A_643 = arith.addi %mul3A_641, %add3A_642 : i32
      %get3A_644 = arith.index_cast %add3A_643 : i32 to index
      %get3A_645 = tpu.vector_load %arg14[%get3A_644] {strides = array<i32>} : memref<16384xi32, #tpu.memory_space<vmem>>, vector<16xi32>,
      %add3A_646 = arith.constant 65 : i32
      %add3A_647 = vector.broadcast %add3A_646 : i32 to vector<16xi32>
      %add3A_648 = arith.addi %add3A_647, %get3A_645 : vector<16xi32>
      %mul3A_649 = arith.constant 16 : i32
      %mul3A_650 = vector.broadcast %mul3A_649 : i32 to vector<16xi32>
      %mul3A_651 = arith.muli %add3A_648, %mul3A_650 : vector<16xi32>
      %add3A_652 = arith.addi %mul3A_651, %iota3A : vector<16xi32>
      tpu.vector_store_idx %arg16[%add3A_652], %broadcast_in_dim3A_5 masked %lt3A_567 {add = true} : memref<4608xf32, #tpu.memory_space<vmem>>[vector<16xi32>], vector<16xf32>, vector<16xi1>
      %convert_element_type3A_653 = arith.fptosi %broadcast_in_dim3A_55 : vector<16xf32> to vector<16xi32>
      %jit3A_654 = arith.constant 0 : i32
      %jit3A_655 = arith.constant 189 : i32
      %max3A_656 = vector.broadcast %jit3A_654 : i32 to vector<16xi32>
      %max3A_657 = arith.maxsi %max3A_656, %convert_element_type3A_653 : vector<16xi32>
      %min3A_658 = vector.broadcast %jit3A_655 : i32 to vector<16xi32>
      %min3A_659 = arith.minsi %min3A_658, %max3A_657 : vector<16xi32>
      %add3A_660 = arith.constant 86 : i32
      %add3A_661 = vector.broadcast %add3A_660 : i32 to vector<16xi32>
      %add3A_662 = arith.addi %add3A_661, %min3A_659 : vector<16xi32>
      %mul3A_663 = arith.constant 16 : i32
      %mul3A_664 = vector.broadcast %mul3A_663 : i32 to vector<16xi32>
      %mul3A_665 = arith.muli %add3A_662, %mul3A_664 : vector<16xi32>
      %add3A_666 = arith.addi %mul3A_665, %iota3A : vector<16xi32>
      tpu.vector_store_idx %arg16[%add3A_666], %broadcast_in_dim3A_5 masked %lt3A_568 {add = true} : memref<4608xf32, #tpu.memory_space<vmem>>[vector<16xi32>], vector<16xf32>, vector<16xi1>
      %mul3A_667 = arith.constant 64 : i32
      %mul3A_668 = arith.muli %add3A_555, %mul3A_667 : i32
      %add3A_669 = arith.constant 32 : i32
      %add3A_670 = arith.addi %mul3A_668, %add3A_669 : i32
      %get3A_671 = arith.index_cast %add3A_670 : i32 to index
      %get3A_672 = tpu.vector_load %arg14[%get3A_671] {strides = array<i32>} : memref<16384xi32, #tpu.memory_space<vmem>>, vector<16xi32>,
      %add3A_673 = arith.constant 65 : i32
      %add3A_674 = vector.broadcast %add3A_673 : i32 to vector<16xi32>
      %add3A_675 = arith.addi %add3A_674, %get3A_672 : vector<16xi32>
      %mul3A_676 = arith.constant 16 : i32
      %mul3A_677 = vector.broadcast %mul3A_676 : i32 to vector<16xi32>
      %mul3A_678 = arith.muli %add3A_675, %mul3A_677 : vector<16xi32>
      %add3A_679 = arith.addi %mul3A_678, %iota3A : vector<16xi32>
      tpu.vector_store_idx %arg16[%add3A_679], %broadcast_in_dim3A_5 masked %lt3A_568 {add = true} : memref<4608xf32, #tpu.memory_space<vmem>>[vector<16xi32>], vector<16xf32>, vector<16xi1>
      %convert_element_type3A_680 = arith.fptosi %broadcast_in_dim3A_57 : vector<16xf32> to vector<16xi32>
      %jit3A_681 = arith.constant 0 : i32
      %jit3A_682 = arith.constant 189 : i32
      %max3A_683 = vector.broadcast %jit3A_681 : i32 to vector<16xi32>
      %max3A_684 = arith.maxsi %max3A_683, %convert_element_type3A_680 : vector<16xi32>
      %min3A_685 = vector.broadcast %jit3A_682 : i32 to vector<16xi32>
      %min3A_686 = arith.minsi %min3A_685, %max3A_684 : vector<16xi32>
      %add3A_687 = arith.constant 86 : i32
      %add3A_688 = vector.broadcast %add3A_687 : i32 to vector<16xi32>
      %add3A_689 = arith.addi %add3A_688, %min3A_686 : vector<16xi32>
      %mul3A_690 = arith.constant 16 : i32
      %mul3A_691 = vector.broadcast %mul3A_690 : i32 to vector<16xi32>
      %mul3A_692 = arith.muli %add3A_689, %mul3A_691 : vector<16xi32>
      %add3A_693 = arith.addi %mul3A_692, %iota3A : vector<16xi32>
      tpu.vector_store_idx %arg16[%add3A_693], %broadcast_in_dim3A_5 masked %lt3A_569 {add = true} : memref<4608xf32, #tpu.memory_space<vmem>>[vector<16xi32>], vector<16xf32>, vector<16xi1>
      %mul3A_694 = arith.constant 64 : i32
      %mul3A_695 = arith.muli %add3A_555, %mul3A_694 : i32
      %add3A_696 = arith.constant 48 : i32
      %add3A_697 = arith.addi %mul3A_695, %add3A_696 : i32
      %get3A_698 = arith.index_cast %add3A_697 : i32 to index
      %get3A_699 = tpu.vector_load %arg14[%get3A_698] {strides = array<i32>} : memref<16384xi32, #tpu.memory_space<vmem>>, vector<16xi32>,
      %add3A_700 = arith.constant 65 : i32
      %add3A_701 = vector.broadcast %add3A_700 : i32 to vector<16xi32>
      %add3A_702 = arith.addi %add3A_701, %get3A_699 : vector<16xi32>
      %mul3A_703 = arith.constant 16 : i32
      %mul3A_704 = vector.broadcast %mul3A_703 : i32 to vector<16xi32>
      %mul3A_705 = arith.muli %add3A_702, %mul3A_704 : vector<16xi32>
      %add3A_706 = arith.addi %mul3A_705, %iota3A : vector<16xi32>
      tpu.vector_store_idx %arg16[%add3A_706], %broadcast_in_dim3A_5 masked %lt3A_569 {add = true} : memref<4608xf32, #tpu.memory_space<vmem>>[vector<16xi32>], vector<16xf32>, vector<16xi1>
      %dma_wait3A_707 = arith.constant 0 : i32
      %dma_wait3A_708 = tpu.memref_slice %arg2[%mul3A_2, %dma_wait3A_707] : memref<8192x4096xi32, #tpu.memory_space<hbm>> -> memref<1x4096xi32, #tpu.memory_space<hbm>>
      %dma_wait3A_709 = tpu.memref_squeeze %dma_wait3A_708 : memref<1x4096xi32, #tpu.memory_space<hbm>> -> memref<4096xi32, #tpu.memory_space<hbm>>
      %dma_wait3A_710 = arith.constant 0 : i32
      %dma_wait3A_711 = tpu.memref_slice %arg2[%mul3A_2, %dma_wait3A_710] : memref<8192x4096xi32, #tpu.memory_space<hbm>> -> memref<1x4096xi32, #tpu.memory_space<hbm>>
      %dma_wait3A_712 = tpu.memref_squeeze %dma_wait3A_711 : memref<1x4096xi32, #tpu.memory_space<hbm>> -> memref<4096xi32, #tpu.memory_space<hbm>>
      tpu.wait_dma2 semaphore(%arg21 : memref<!tpu.dma_semaphore, #tpu.memory_space<semaphore_mem>>) src(%dma_wait3A_712 : memref<4096xi32, #tpu.memory_space<hbm>>) dst(%arg9 : memref<4096xi32, #tpu.memory_space<vmem>>)
      %add3A_713 = arith.constant 3 : i32
      %add3A_714 = arith.addi %mul3A_190, %add3A_713 : i32
      %add3A_715 = arith.constant 8 : i32
      %add3A_716 = arith.addi %add3A_714, %add3A_715 : i32
      %sub3A_717 = arith.constant 1 : i32
      %sub3A_718 = arith.subi %add3A_716, %sub3A_717 : i32
      %add3A_719 = arith.addi %mul3A_2, %sub3A_718 : i32
      %min3A_720 = arith.constant 8191 : i32
      %min3A_721 = arith.minsi %add3A_719, %min3A_720 : i32
      %dma_start3A_722 = arith.constant 0 : i32
      %dma_start3A_723 = tpu.memref_slice %arg2[%min3A_721, %dma_start3A_722] : memref<8192x4096xi32, #tpu.memory_space<hbm>> -> memref<1x4096xi32, #tpu.memory_space<hbm>>
      %dma_start3A_724 = tpu.memref_squeeze %dma_start3A_723 : memref<1x4096xi32, #tpu.memory_space<hbm>> -> memref<4096xi32, #tpu.memory_space<hbm>>
      %dma_start3A_725 = arith.constant 0 : i32
      %dma_start3A_726 = tpu.memref_slice %arg2[%min3A_721, %dma_start3A_725] : memref<8192x4096xi32, #tpu.memory_space<hbm>> -> memref<1x4096xi32, #tpu.memory_space<hbm>>
      %dma_start3A_727 = tpu.memref_squeeze %dma_start3A_726 : memref<1x4096xi32, #tpu.memory_space<hbm>> -> memref<4096xi32, #tpu.memory_space<hbm>>
      tpu.enqueue_dma source(%dma_start3A_727 : memref<4096xi32, #tpu.memory_space<hbm>>) target(%arg8 : memref<4096xi32, #tpu.memory_space<vmem>>) target_semaphore(%arg20 : memref<!tpu.dma_semaphore, #tpu.memory_space<semaphore_mem>>)
      %add3A_728 = arith.constant 3 : i32
      %add3A_729 = arith.addi %mul3A_190, %add3A_728 : i32
      %broadcast_in_dim3A_730 = vector.broadcast %add3A_729 : i32 to vector<16xi32>
      %gather3A_731 = tpu.vector_load_idx %arg15[%broadcast_in_dim3A_730] : memref<256xi32, #tpu.memory_space<vmem>>[vector<16xi32>], vector<16xi32>,
      %reduce_max3A_732 = arith.constant true
      %reduce_max3A_733 = vector.broadcast %reduce_max3A_732 : i1 to vector<16xi1>
      %reduce_max3A_734 = arith.constant -2147483648 : i32
      %reduce_max3A_735 = vector.broadcast %reduce_max3A_734 : i32 to vector<16xi32>
      %reduce_max3A_736 = arith.xori %gather3A_731, %reduce_max3A_735 : vector<16xi32>
      %reduce_max3A_737 = tpu.scan <max>, %reduce_max3A_736 masked %reduce_max3A_733 : vector<16xi32>, vector<16xi1> -> vector<16xi32>
      %reduce_max3A_738 = arith.xori %reduce_max3A_737, %reduce_max3A_735 : vector<16xi32>
      %reduce_max3A_739 = vector.extract %reduce_max3A_738[15] : i32 from vector<16xi32>
      %lt3A_740 = arith.cmpi slt, %add3A_40, %gather3A_731 : vector<16xi32>
      %lt3A_741 = arith.cmpi slt, %add3A_43, %gather3A_731 : vector<16xi32>
      %lt3A_742 = arith.cmpi slt, %add3A_46, %gather3A_731 : vector<16xi32>
      %lt3A_743 = arith.cmpi slt, %add3A_49, %gather3A_731 : vector<16xi32>
      %and3A_744 = arith.constant 255 : i32
      %and3A_745 = vector.broadcast %and3A_744 : i32 to vector<16xi32>
      %and3A_746 = arith.andi %broadcast_in_dim3A_59, %and3A_745 : vector<16xi32>
      %convert_element_type3A_747 = arith.sitofp %and3A_746 : vector<16xi32> to vector<16xf32>
      %add3A_748 = arith.addf %add3A_574, %convert_element_type3A_747 : vector<16xf32>
      %shift_right_arithmetic3A_749 = arith.constant 8 : i32
      %shift_right_arithmetic3A_750 = vector.broadcast %shift_right_arithmetic3A_749 : i32 to vector<16xi32>
      %shift_right_arithmetic3A_751 = arith.shrsi %broadcast_in_dim3A_59, %shift_right_arithmetic3A_750 : vector<16xi32>
      %and3A_752 = arith.constant 255 : i32
      %and3A_753 = vector.broadcast %and3A_752 : i32 to vector<16xi32>
      %and3A_754 = arith.andi %shift_right_arithmetic3A_751, %and3A_753 : vector<16xi32>
      %convert_element_type3A_755 = arith.sitofp %and3A_754 : vector<16xi32> to vector<16xf32>
      %add3A_756 = arith.addf %add3A_582, %convert_element_type3A_755 : vector<16xf32>
      %shift_right_arithmetic3A_757 = arith.constant 16 : i32
      %shift_right_arithmetic3A_758 = vector.broadcast %shift_right_arithmetic3A_757 : i32 to vector<16xi32>
      %shift_right_arithmetic3A_759 = arith.shrsi %broadcast_in_dim3A_59, %shift_right_arithmetic3A_758 : vector<16xi32>
      %and3A_760 = arith.constant 255 : i32
      %and3A_761 = vector.broadcast %and3A_760 : i32 to vector<16xi32>
      %and3A_762 = arith.andi %shift_right_arithmetic3A_759, %and3A_761 : vector<16xi32>
      %convert_element_type3A_763 = arith.sitofp %and3A_762 : vector<16xi32> to vector<16xf32>
      %add3A_764 = arith.addf %add3A_590, %convert_element_type3A_763 : vector<16xf32>
      %shift_right_arithmetic3A_765 = arith.constant 24 : i32
      %shift_right_arithmetic3A_766 = vector.broadcast %shift_right_arithmetic3A_765 : i32 to vector<16xi32>
      %shift_right_arithmetic3A_767 = arith.shrsi %broadcast_in_dim3A_59, %shift_right_arithmetic3A_766 : vector<16xi32>
      %and3A_768 = arith.constant 255 : i32
      %and3A_769 = vector.broadcast %and3A_768 : i32 to vector<16xi32>
      %and3A_770 = arith.andi %shift_right_arithmetic3A_767, %and3A_769 : vector<16xi32>
      %convert_element_type3A_771 = arith.sitofp %and3A_770 : vector<16xi32> to vector<16xf32>
      %add3A_772 = arith.addf %add3A_598, %convert_element_type3A_771 : vector<16xf32>
      %convert_element_type3A_773 = arith.fptosi %broadcast_in_dim3A_51 : vector<16xf32> to vector<16xi32>
      %jit3A_774 = arith.constant 0 : i32
      %jit3A_775 = arith.constant 189 : i32
      %max3A_776 = vector.broadcast %jit3A_774 : i32 to vector<16xi32>
      %max3A_777 = arith.maxsi %max3A_776, %convert_element_type3A_773 : vector<16xi32>
      %min3A_778 = vector.broadcast %jit3A_775 : i32 to vector<16xi32>
      %min3A_779 = arith.minsi %min3A_778, %max3A_777 : vector<16xi32>
      %add3A_780 = arith.constant 86 : i32
      %add3A_781 = vector.broadcast %add3A_780 : i32 to vector<16xi32>
      %add3A_782 = arith.addi %add3A_781, %min3A_779 : vector<16xi32>
      %mul3A_783 = arith.constant 16 : i32
      %mul3A_784 = vector.broadcast %mul3A_783 : i32 to vector<16xi32>
      %mul3A_785 = arith.muli %add3A_782, %mul3A_784 : vector<16xi32>
      %add3A_786 = arith.addi %mul3A_785, %iota3A : vector<16xi32>
      tpu.vector_store_idx %arg16[%add3A_786], %broadcast_in_dim3A_5 masked %lt3A_740 {add = true} : memref<4608xf32, #tpu.memory_space<vmem>>[vector<16xi32>], vector<16xf32>, vector<16xi1>
      %mul3A_787 = arith.constant 64 : i32
      %mul3A_788 = arith.muli %add3A_729, %mul3A_787 : i32
      %add3A_789 = arith.constant 0 : i32
      %add3A_790 = arith.addi %mul3A_788, %add3A_789 : i32
      %get3A_791 = arith.index_cast %add3A_790 : i32 to index
      %get3A_792 = tpu.vector_load %arg14[%get3A_791] {strides = array<i32>} : memref<16384xi32, #tpu.memory_space<vmem>>, vector<16xi32>,
      %add3A_793 = arith.constant 65 : i32
      %add3A_794 = vector.broadcast %add3A_793 : i32 to vector<16xi32>
      %add3A_795 = arith.addi %add3A_794, %get3A_792 : vector<16xi32>
      %mul3A_796 = arith.constant 16 : i32
      %mul3A_797 = vector.broadcast %mul3A_796 : i32 to vector<16xi32>
      %mul3A_798 = arith.muli %add3A_795, %mul3A_797 : vector<16xi32>
      %add3A_799 = arith.addi %mul3A_798, %iota3A : vector<16xi32>
      tpu.vector_store_idx %arg16[%add3A_799], %broadcast_in_dim3A_5 masked %lt3A_740 {add = true} : memref<4608xf32, #tpu.memory_space<vmem>>[vector<16xi32>], vector<16xf32>, vector<16xi1>
      %convert_element_type3A_800 = arith.fptosi %broadcast_in_dim3A_53 : vector<16xf32> to vector<16xi32>
      %jit3A_801 = arith.constant 0 : i32
      %jit3A_802 = arith.constant 189 : i32
      %max3A_803 = vector.broadcast %jit3A_801 : i32 to vector<16xi32>
      %max3A_804 = arith.maxsi %max3A_803, %convert_element_type3A_800 : vector<16xi32>
      %min3A_805 = vector.broadcast %jit3A_802 : i32 to vector<16xi32>
      %min3A_806 = arith.minsi %min3A_805, %max3A_804 : vector<16xi32>
      %add3A_807 = arith.constant 86 : i32
      %add3A_808 = vector.broadcast %add3A_807 : i32 to vector<16xi32>
      %add3A_809 = arith.addi %add3A_808, %min3A_806 : vector<16xi32>
      %mul3A_810 = arith.constant 16 : i32
      %mul3A_811 = vector.broadcast %mul3A_810 : i32 to vector<16xi32>
      %mul3A_812 = arith.muli %add3A_809, %mul3A_811 : vector<16xi32>
      %add3A_813 = arith.addi %mul3A_812, %iota3A : vector<16xi32>
      tpu.vector_store_idx %arg16[%add3A_813], %broadcast_in_dim3A_5 masked %lt3A_741 {add = true} : memref<4608xf32, #tpu.memory_space<vmem>>[vector<16xi32>], vector<16xf32>, vector<16xi1>
      %mul3A_814 = arith.constant 64 : i32
      %mul3A_815 = arith.muli %add3A_729, %mul3A_814 : i32
      %add3A_816 = arith.constant 16 : i32
      %add3A_817 = arith.addi %mul3A_815, %add3A_816 : i32
      %get3A_818 = arith.index_cast %add3A_817 : i32 to index
      %get3A_819 = tpu.vector_load %arg14[%get3A_818] {strides = array<i32>} : memref<16384xi32, #tpu.memory_space<vmem>>, vector<16xi32>,
      %add3A_820 = arith.constant 65 : i32
      %add3A_821 = vector.broadcast %add3A_820 : i32 to vector<16xi32>
      %add3A_822 = arith.addi %add3A_821, %get3A_819 : vector<16xi32>
      %mul3A_823 = arith.constant 16 : i32
      %mul3A_824 = vector.broadcast %mul3A_823 : i32 to vector<16xi32>
      %mul3A_825 = arith.muli %add3A_822, %mul3A_824 : vector<16xi32>
      %add3A_826 = arith.addi %mul3A_825, %iota3A : vector<16xi32>
      tpu.vector_store_idx %arg16[%add3A_826], %broadcast_in_dim3A_5 masked %lt3A_741 {add = true} : memref<4608xf32, #tpu.memory_space<vmem>>[vector<16xi32>], vector<16xf32>, vector<16xi1>
      %convert_element_type3A_827 = arith.fptosi %broadcast_in_dim3A_55 : vector<16xf32> to vector<16xi32>
      %jit3A_828 = arith.constant 0 : i32
      %jit3A_829 = arith.constant 189 : i32
      %max3A_830 = vector.broadcast %jit3A_828 : i32 to vector<16xi32>
      %max3A_831 = arith.maxsi %max3A_830, %convert_element_type3A_827 : vector<16xi32>
      %min3A_832 = vector.broadcast %jit3A_829 : i32 to vector<16xi32>
      %min3A_833 = arith.minsi %min3A_832, %max3A_831 : vector<16xi32>
      %add3A_834 = arith.constant 86 : i32
      %add3A_835 = vector.broadcast %add3A_834 : i32 to vector<16xi32>
      %add3A_836 = arith.addi %add3A_835, %min3A_833 : vector<16xi32>
      %mul3A_837 = arith.constant 16 : i32
      %mul3A_838 = vector.broadcast %mul3A_837 : i32 to vector<16xi32>
      %mul3A_839 = arith.muli %add3A_836, %mul3A_838 : vector<16xi32>
      %add3A_840 = arith.addi %mul3A_839, %iota3A : vector<16xi32>
      tpu.vector_store_idx %arg16[%add3A_840], %broadcast_in_dim3A_5 masked %lt3A_742 {add = true} : memref<4608xf32, #tpu.memory_space<vmem>>[vector<16xi32>], vector<16xf32>, vector<16xi1>
      %mul3A_841 = arith.constant 64 : i32
      %mul3A_842 = arith.muli %add3A_729, %mul3A_841 : i32
      %add3A_843 = arith.constant 32 : i32
      %add3A_844 = arith.addi %mul3A_842, %add3A_843 : i32
      %get3A_845 = arith.index_cast %add3A_844 : i32 to index
      %get3A_846 = tpu.vector_load %arg14[%get3A_845] {strides = array<i32>} : memref<16384xi32, #tpu.memory_space<vmem>>, vector<16xi32>,
      %add3A_847 = arith.constant 65 : i32
      %add3A_848 = vector.broadcast %add3A_847 : i32 to vector<16xi32>
      %add3A_849 = arith.addi %add3A_848, %get3A_846 : vector<16xi32>
      %mul3A_850 = arith.constant 16 : i32
      %mul3A_851 = vector.broadcast %mul3A_850 : i32 to vector<16xi32>
      %mul3A_852 = arith.muli %add3A_849, %mul3A_851 : vector<16xi32>
      %add3A_853 = arith.addi %mul3A_852, %iota3A : vector<16xi32>
      tpu.vector_store_idx %arg16[%add3A_853], %broadcast_in_dim3A_5 masked %lt3A_742 {add = true} : memref<4608xf32, #tpu.memory_space<vmem>>[vector<16xi32>], vector<16xf32>, vector<16xi1>
      %convert_element_type3A_854 = arith.fptosi %broadcast_in_dim3A_57 : vector<16xf32> to vector<16xi32>
      %jit3A_855 = arith.constant 0 : i32
      %jit3A_856 = arith.constant 189 : i32
      %max3A_857 = vector.broadcast %jit3A_855 : i32 to vector<16xi32>
      %max3A_858 = arith.maxsi %max3A_857, %convert_element_type3A_854 : vector<16xi32>
      %min3A_859 = vector.broadcast %jit3A_856 : i32 to vector<16xi32>
      %min3A_860 = arith.minsi %min3A_859, %max3A_858 : vector<16xi32>
      %add3A_861 = arith.constant 86 : i32
      %add3A_862 = vector.broadcast %add3A_861 : i32 to vector<16xi32>
      %add3A_863 = arith.addi %add3A_862, %min3A_860 : vector<16xi32>
      %mul3A_864 = arith.constant 16 : i32
      %mul3A_865 = vector.broadcast %mul3A_864 : i32 to vector<16xi32>
      %mul3A_866 = arith.muli %add3A_863, %mul3A_865 : vector<16xi32>
      %add3A_867 = arith.addi %mul3A_866, %iota3A : vector<16xi32>
      tpu.vector_store_idx %arg16[%add3A_867], %broadcast_in_dim3A_5 masked %lt3A_743 {add = true} : memref<4608xf32, #tpu.memory_space<vmem>>[vector<16xi32>], vector<16xf32>, vector<16xi1>
      %mul3A_868 = arith.constant 64 : i32
      %mul3A_869 = arith.muli %add3A_729, %mul3A_868 : i32
      %add3A_870 = arith.constant 48 : i32
      %add3A_871 = arith.addi %mul3A_869, %add3A_870 : i32
      %get3A_872 = arith.index_cast %add3A_871 : i32 to index
      %get3A_873 = tpu.vector_load %arg14[%get3A_872] {strides = array<i32>} : memref<16384xi32, #tpu.memory_space<vmem>>, vector<16xi32>,
      %add3A_874 = arith.constant 65 : i32
      %add3A_875 = vector.broadcast %add3A_874 : i32 to vector<16xi32>
      %add3A_876 = arith.addi %add3A_875, %get3A_873 : vector<16xi32>
      %mul3A_877 = arith.constant 16 : i32
      %mul3A_878 = vector.broadcast %mul3A_877 : i32 to vector<16xi32>
      %mul3A_879 = arith.muli %add3A_876, %mul3A_878 : vector<16xi32>
      %add3A_880 = arith.addi %mul3A_879, %iota3A : vector<16xi32>
      tpu.vector_store_idx %arg16[%add3A_880], %broadcast_in_dim3A_5 masked %lt3A_743 {add = true} : memref<4608xf32, #tpu.memory_space<vmem>>[vector<16xi32>], vector<16xf32>, vector<16xi1>
      %dma_wait3A_881 = arith.constant 0 : i32
      %dma_wait3A_882 = tpu.memref_slice %arg2[%mul3A_2, %dma_wait3A_881] : memref<8192x4096xi32, #tpu.memory_space<hbm>> -> memref<1x4096xi32, #tpu.memory_space<hbm>>
      %dma_wait3A_883 = tpu.memref_squeeze %dma_wait3A_882 : memref<1x4096xi32, #tpu.memory_space<hbm>> -> memref<4096xi32, #tpu.memory_space<hbm>>
      %dma_wait3A_884 = arith.constant 0 : i32
      %dma_wait3A_885 = tpu.memref_slice %arg2[%mul3A_2, %dma_wait3A_884] : memref<8192x4096xi32, #tpu.memory_space<hbm>> -> memref<1x4096xi32, #tpu.memory_space<hbm>>
      %dma_wait3A_886 = tpu.memref_squeeze %dma_wait3A_885 : memref<1x4096xi32, #tpu.memory_space<hbm>> -> memref<4096xi32, #tpu.memory_space<hbm>>
      tpu.wait_dma2 semaphore(%arg22 : memref<!tpu.dma_semaphore, #tpu.memory_space<semaphore_mem>>) src(%dma_wait3A_886 : memref<4096xi32, #tpu.memory_space<hbm>>) dst(%arg10 : memref<4096xi32, #tpu.memory_space<vmem>>)
      %add3A_887 = arith.constant 4 : i32
      %add3A_888 = arith.addi %mul3A_190, %add3A_887 : i32
      %add3A_889 = arith.constant 8 : i32
      %add3A_890 = arith.addi %add3A_888, %add3A_889 : i32
      %sub3A_891 = arith.constant 1 : i32
      %sub3A_892 = arith.subi %add3A_890, %sub3A_891 : i32
      %add3A_893 = arith.addi %mul3A_2, %sub3A_892 : i32
      %min3A_894 = arith.constant 8191 : i32
      %min3A_895 = arith.minsi %add3A_893, %min3A_894 : i32
      %dma_start3A_896 = arith.constant 0 : i32
      %dma_start3A_897 = tpu.memref_slice %arg2[%min3A_895, %dma_start3A_896] : memref<8192x4096xi32, #tpu.memory_space<hbm>> -> memref<1x4096xi32, #tpu.memory_space<hbm>>
      %dma_start3A_898 = tpu.memref_squeeze %dma_start3A_897 : memref<1x4096xi32, #tpu.memory_space<hbm>> -> memref<4096xi32, #tpu.memory_space<hbm>>
      %dma_start3A_899 = arith.constant 0 : i32
      %dma_start3A_900 = tpu.memref_slice %arg2[%min3A_895, %dma_start3A_899] : memref<8192x4096xi32, #tpu.memory_space<hbm>> -> memref<1x4096xi32, #tpu.memory_space<hbm>>
      %dma_start3A_901 = tpu.memref_squeeze %dma_start3A_900 : memref<1x4096xi32, #tpu.memory_space<hbm>> -> memref<4096xi32, #tpu.memory_space<hbm>>
      tpu.enqueue_dma source(%dma_start3A_901 : memref<4096xi32, #tpu.memory_space<hbm>>) target(%arg9 : memref<4096xi32, #tpu.memory_space<vmem>>) target_semaphore(%arg21 : memref<!tpu.dma_semaphore, #tpu.memory_space<semaphore_mem>>)
      %add3A_902 = arith.constant 4 : i32
      %add3A_903 = arith.addi %mul3A_190, %add3A_902 : i32
      %broadcast_in_dim3A_904 = vector.broadcast %add3A_903 : i32 to vector<16xi32>
      %gather3A_905 = tpu.vector_load_idx %arg15[%broadcast_in_dim3A_904] : memref<256xi32, #tpu.memory_space<vmem>>[vector<16xi32>], vector<16xi32>,
      %reduce_max3A_906 = arith.constant true
      %reduce_max3A_907 = vector.broadcast %reduce_max3A_906 : i1 to vector<16xi1>
      %reduce_max3A_908 = arith.constant -2147483648 : i32
      %reduce_max3A_909 = vector.broadcast %reduce_max3A_908 : i32 to vector<16xi32>
      %reduce_max3A_910 = arith.xori %gather3A_905, %reduce_max3A_909 : vector<16xi32>
      %reduce_max3A_911 = tpu.scan <max>, %reduce_max3A_910 masked %reduce_max3A_907 : vector<16xi32>, vector<16xi1> -> vector<16xi32>
      %reduce_max3A_912 = arith.xori %reduce_max3A_911, %reduce_max3A_909 : vector<16xi32>
      %reduce_max3A_913 = vector.extract %reduce_max3A_912[15] : i32 from vector<16xi32>
      %lt3A_914 = arith.cmpi slt, %add3A_40, %gather3A_905 : vector<16xi32>
      %lt3A_915 = arith.cmpi slt, %add3A_43, %gather3A_905 : vector<16xi32>
      %lt3A_916 = arith.cmpi slt, %add3A_46, %gather3A_905 : vector<16xi32>
      %lt3A_917 = arith.cmpi slt, %add3A_49, %gather3A_905 : vector<16xi32>
      %and3A_918 = arith.constant 255 : i32
      %and3A_919 = vector.broadcast %and3A_918 : i32 to vector<16xi32>
      %and3A_920 = arith.andi %broadcast_in_dim3A_59, %and3A_919 : vector<16xi32>
      %convert_element_type3A_921 = arith.sitofp %and3A_920 : vector<16xi32> to vector<16xf32>
      %add3A_922 = arith.addf %add3A_748, %convert_element_type3A_921 : vector<16xf32>
      %shift_right_arithmetic3A_923 = arith.constant 8 : i32
      %shift_right_arithmetic3A_924 = vector.broadcast %shift_right_arithmetic3A_923 : i32 to vector<16xi32>
      %shift_right_arithmetic3A_925 = arith.shrsi %broadcast_in_dim3A_59, %shift_right_arithmetic3A_924 : vector<16xi32>
      %and3A_926 = arith.constant 255 : i32
      %and3A_927 = vector.broadcast %and3A_926 : i32 to vector<16xi32>
      %and3A_928 = arith.andi %shift_right_arithmetic3A_925, %and3A_927 : vector<16xi32>
      %convert_element_type3A_929 = arith.sitofp %and3A_928 : vector<16xi32> to vector<16xf32>
      %add3A_930 = arith.addf %add3A_756, %convert_element_type3A_929 : vector<16xf32>
      %shift_right_arithmetic3A_931 = arith.constant 16 : i32
      %shift_right_arithmetic3A_932 = vector.broadcast %shift_right_arithmetic3A_931 : i32 to vector<16xi32>
      %shift_right_arithmetic3A_933 = arith.shrsi %broadcast_in_dim3A_59, %shift_right_arithmetic3A_932 : vector<16xi32>
      %and3A_934 = arith.constant 255 : i32
      %and3A_935 = vector.broadcast %and3A_934 : i32 to vector<16xi32>
      %and3A_936 = arith.andi %shift_right_arithmetic3A_933, %and3A_935 : vector<16xi32>
      %convert_element_type3A_937 = arith.sitofp %and3A_936 : vector<16xi32> to vector<16xf32>
      %add3A_938 = arith.addf %add3A_764, %convert_element_type3A_937 : vector<16xf32>
      %shift_right_arithmetic3A_939 = arith.constant 24 : i32
      %shift_right_arithmetic3A_940 = vector.broadcast %shift_right_arithmetic3A_939 : i32 to vector<16xi32>
      %shift_right_arithmetic3A_941 = arith.shrsi %broadcast_in_dim3A_59, %shift_right_arithmetic3A_940 : vector<16xi32>
      %and3A_942 = arith.constant 255 : i32
      %and3A_943 = vector.broadcast %and3A_942 : i32 to vector<16xi32>
      %and3A_944 = arith.andi %shift_right_arithmetic3A_941, %and3A_943 : vector<16xi32>
      %convert_element_type3A_945 = arith.sitofp %and3A_944 : vector<16xi32> to vector<16xf32>
      %add3A_946 = arith.addf %add3A_772, %convert_element_type3A_945 : vector<16xf32>
      %convert_element_type3A_947 = arith.fptosi %broadcast_in_dim3A_51 : vector<16xf32> to vector<16xi32>
      %jit3A_948 = arith.constant 0 : i32
      %jit3A_949 = arith.constant 189 : i32
      %max3A_950 = vector.broadcast %jit3A_948 : i32 to vector<16xi32>
      %max3A_951 = arith.maxsi %max3A_950, %convert_element_type3A_947 : vector<16xi32>
      %min3A_952 = vector.broadcast %jit3A_949 : i32 to vector<16xi32>
      %min3A_953 = arith.minsi %min3A_952, %max3A_951 : vector<16xi32>
      %add3A_954 = arith.constant 86 : i32
      %add3A_955 = vector.broadcast %add3A_954 : i32 to vector<16xi32>
      %add3A_956 = arith.addi %add3A_955, %min3A_953 : vector<16xi32>
      %mul3A_957 = arith.constant 16 : i32
      %mul3A_958 = vector.broadcast %mul3A_957 : i32 to vector<16xi32>
      %mul3A_959 = arith.muli %add3A_956, %mul3A_958 : vector<16xi32>
      %add3A_960 = arith.addi %mul3A_959, %iota3A : vector<16xi32>
      tpu.vector_store_idx %arg16[%add3A_960], %broadcast_in_dim3A_5 masked %lt3A_914 {add = true} : memref<4608xf32, #tpu.memory_space<vmem>>[vector<16xi32>], vector<16xf32>, vector<16xi1>
      %mul3A_961 = arith.constant 64 : i32
      %mul3A_962 = arith.muli %add3A_903, %mul3A_961 : i32
      %add3A_963 = arith.constant 0 : i32
      %add3A_964 = arith.addi %mul3A_962, %add3A_963 : i32
      %get3A_965 = arith.index_cast %add3A_964 : i32 to index
      %get3A_966 = tpu.vector_load %arg14[%get3A_965] {strides = array<i32>} : memref<16384xi32, #tpu.memory_space<vmem>>, vector<16xi32>,
      %add3A_967 = arith.constant 65 : i32
      %add3A_968 = vector.broadcast %add3A_967 : i32 to vector<16xi32>
      %add3A_969 = arith.addi %add3A_968, %get3A_966 : vector<16xi32>
      %mul3A_970 = arith.constant 16 : i32
      %mul3A_971 = vector.broadcast %mul3A_970 : i32 to vector<16xi32>
      %mul3A_972 = arith.muli %add3A_969, %mul3A_971 : vector<16xi32>
      %add3A_973 = arith.addi %mul3A_972, %iota3A : vector<16xi32>
      tpu.vector_store_idx %arg16[%add3A_973], %broadcast_in_dim3A_5 masked %lt3A_914 {add = true} : memref<4608xf32, #tpu.memory_space<vmem>>[vector<16xi32>], vector<16xf32>, vector<16xi1>
      %convert_element_type3A_974 = arith.fptosi %broadcast_in_dim3A_53 : vector<16xf32> to vector<16xi32>
      %jit3A_975 = arith.constant 0 : i32
      %jit3A_976 = arith.constant 189 : i32
      %max3A_977 = vector.broadcast %jit3A_975 : i32 to vector<16xi32>
      %max3A_978 = arith.maxsi %max3A_977, %convert_element_type3A_974 : vector<16xi32>
      %min3A_979 = vector.broadcast %jit3A_976 : i32 to vector<16xi32>
      %min3A_980 = arith.minsi %min3A_979, %max3A_978 : vector<16xi32>
      %add3A_981 = arith.constant 86 : i32
      %add3A_982 = vector.broadcast %add3A_981 : i32 to vector<16xi32>
      %add3A_983 = arith.addi %add3A_982, %min3A_980 : vector<16xi32>
      %mul3A_984 = arith.constant 16 : i32
      %mul3A_985 = vector.broadcast %mul3A_984 : i32 to vector<16xi32>
      %mul3A_986 = arith.muli %add3A_983, %mul3A_985 : vector<16xi32>
      %add3A_987 = arith.addi %mul3A_986, %iota3A : vector<16xi32>
      tpu.vector_store_idx %arg16[%add3A_987], %broadcast_in_dim3A_5 masked %lt3A_915 {add = true} : memref<4608xf32, #tpu.memory_space<vmem>>[vector<16xi32>], vector<16xf32>, vector<16xi1>
      %mul3A_988 = arith.constant 64 : i32
      %mul3A_989 = arith.muli %add3A_903, %mul3A_988 : i32
      %add3A_990 = arith.constant 16 : i32
      %add3A_991 = arith.addi %mul3A_989, %add3A_990 : i32
      %get3A_992 = arith.index_cast %add3A_991 : i32 to index
      %get3A_993 = tpu.vector_load %arg14[%get3A_992] {strides = array<i32>} : memref<16384xi32, #tpu.memory_space<vmem>>, vector<16xi32>,
      %add3A_994 = arith.constant 65 : i32
      %add3A_995 = vector.broadcast %add3A_994 : i32 to vector<16xi32>
      %add3A_996 = arith.addi %add3A_995, %get3A_993 : vector<16xi32>
      %mul3A_997 = arith.constant 16 : i32
      %mul3A_998 = vector.broadcast %mul3A_997 : i32 to vector<16xi32>
      %mul3A_999 = arith.muli %add3A_996, %mul3A_998 : vector<16xi32>
      %add3A_1000 = arith.addi %mul3A_999, %iota3A : vector<16xi32>
      tpu.vector_store_idx %arg16[%add3A_1000], %broadcast_in_dim3A_5 masked %lt3A_915 {add = true} : memref<4608xf32, #tpu.memory_space<vmem>>[vector<16xi32>], vector<16xf32>, vector<16xi1>
      %convert_element_type3A_1001 = arith.fptosi %broadcast_in_dim3A_55 : vector<16xf32> to vector<16xi32>
      %jit3A_1002 = arith.constant 0 : i32
      %jit3A_1003 = arith.constant 189 : i32
      %max3A_1004 = vector.broadcast %jit3A_1002 : i32 to vector<16xi32>
      %max3A_1005 = arith.maxsi %max3A_1004, %convert_element_type3A_1001 : vector<16xi32>
      %min3A_1006 = vector.broadcast %jit3A_1003 : i32 to vector<16xi32>
      %min3A_1007 = arith.minsi %min3A_1006, %max3A_1005 : vector<16xi32>
      %add3A_1008 = arith.constant 86 : i32
      %add3A_1009 = vector.broadcast %add3A_1008 : i32 to vector<16xi32>
      %add3A_1010 = arith.addi %add3A_1009, %min3A_1007 : vector<16xi32>
      %mul3A_1011 = arith.constant 16 : i32
      %mul3A_1012 = vector.broadcast %mul3A_1011 : i32 to vector<16xi32>
      %mul3A_1013 = arith.muli %add3A_1010, %mul3A_1012 : vector<16xi32>
      %add3A_1014 = arith.addi %mul3A_1013, %iota3A : vector<16xi32>
      tpu.vector_store_idx %arg16[%add3A_1014], %broadcast_in_dim3A_5 masked %lt3A_916 {add = true} : memref<4608xf32, #tpu.memory_space<vmem>>[vector<16xi32>], vector<16xf32>, vector<16xi1>
      %mul3A_1015 = arith.constant 64 : i32
      %mul3A_1016 = arith.muli %add3A_903, %mul3A_1015 : i32
      %add3A_1017 = arith.constant 32 : i32
      %add3A_1018 = arith.addi %mul3A_1016, %add3A_1017 : i32
      %get3A_1019 = arith.index_cast %add3A_1018 : i32 to index
      %get3A_1020 = tpu.vector_load %arg14[%get3A_1019] {strides = array<i32>} : memref<16384xi32, #tpu.memory_space<vmem>>, vector<16xi32>,
      %add3A_1021 = arith.constant 65 : i32
      %add3A_1022 = vector.broadcast %add3A_1021 : i32 to vector<16xi32>
      %add3A_1023 = arith.addi %add3A_1022, %get3A_1020 : vector<16xi32>
      %mul3A_1024 = arith.constant 16 : i32
      %mul3A_1025 = vector.broadcast %mul3A_1024 : i32 to vector<16xi32>
      %mul3A_1026 = arith.muli %add3A_1023, %mul3A_1025 : vector<16xi32>
      %add3A_1027 = arith.addi %mul3A_1026, %iota3A : vector<16xi32>
      tpu.vector_store_idx %arg16[%add3A_1027], %broadcast_in_dim3A_5 masked %lt3A_916 {add = true} : memref<4608xf32, #tpu.memory_space<vmem>>[vector<16xi32>], vector<16xf32>, vector<16xi1>
      %convert_element_type3A_1028 = arith.fptosi %broadcast_in_dim3A_57 : vector<16xf32> to vector<16xi32>
      %jit3A_1029 = arith.constant 0 : i32
      %jit3A_1030 = arith.constant 189 : i32
      %max3A_1031 = vector.broadcast %jit3A_1029 : i32 to vector<16xi32>
      %max3A_1032 = arith.maxsi %max3A_1031, %convert_element_type3A_1028 : vector<16xi32>
      %min3A_1033 = vector.broadcast %jit3A_1030 : i32 to vector<16xi32>
      %min3A_1034 = arith.minsi %min3A_1033, %max3A_1032 : vector<16xi32>
      %add3A_1035 = arith.constant 86 : i32
      %add3A_1036 = vector.broadcast %add3A_1035 : i32 to vector<16xi32>
      %add3A_1037 = arith.addi %add3A_1036, %min3A_1034 : vector<16xi32>
      %mul3A_1038 = arith.constant 16 : i32
      %mul3A_1039 = vector.broadcast %mul3A_1038 : i32 to vector<16xi32>
      %mul3A_1040 = arith.muli %add3A_1037, %mul3A_1039 : vector<16xi32>
      %add3A_1041 = arith.addi %mul3A_1040, %iota3A : vector<16xi32>
      tpu.vector_store_idx %arg16[%add3A_1041], %broadcast_in_dim3A_5 masked %lt3A_917 {add = true} : memref<4608xf32, #tpu.memory_space<vmem>>[vector<16xi32>], vector<16xf32>, vector<16xi1>
      %mul3A_1042 = arith.constant 64 : i32
      %mul3A_1043 = arith.muli %add3A_903, %mul3A_1042 : i32
      %add3A_1044 = arith.constant 48 : i32
      %add3A_1045 = arith.addi %mul3A_1043, %add3A_1044 : i32
      %get3A_1046 = arith.index_cast %add3A_1045 : i32 to index
      %get3A_1047 = tpu.vector_load %arg14[%get3A_1046] {strides = array<i32>} : memref<16384xi32, #tpu.memory_space<vmem>>, vector<16xi32>,
      %add3A_1048 = arith.constant 65 : i32
      %add3A_1049 = vector.broadcast %add3A_1048 : i32 to vector<16xi32>
      %add3A_1050 = arith.addi %add3A_1049, %get3A_1047 : vector<16xi32>
      %mul3A_1051 = arith.constant 16 : i32
      %mul3A_1052 = vector.broadcast %mul3A_1051 : i32 to vector<16xi32>
      %mul3A_1053 = arith.muli %add3A_1050, %mul3A_1052 : vector<16xi32>
      %add3A_1054 = arith.addi %mul3A_1053, %iota3A : vector<16xi32>
      tpu.vector_store_idx %arg16[%add3A_1054], %broadcast_in_dim3A_5 masked %lt3A_917 {add = true} : memref<4608xf32, #tpu.memory_space<vmem>>[vector<16xi32>], vector<16xf32>, vector<16xi1>
      %dma_wait3A_1055 = arith.constant 0 : i32
      %dma_wait3A_1056 = tpu.memref_slice %arg2[%mul3A_2, %dma_wait3A_1055] : memref<8192x4096xi32, #tpu.memory_space<hbm>> -> memref<1x4096xi32, #tpu.memory_space<hbm>>
      %dma_wait3A_1057 = tpu.memref_squeeze %dma_wait3A_1056 : memref<1x4096xi32, #tpu.memory_space<hbm>> -> memref<4096xi32, #tpu.memory_space<hbm>>
      %dma_wait3A_1058 = arith.constant 0 : i32
      %dma_wait3A_1059 = tpu.memref_slice %arg2[%mul3A_2, %dma_wait3A_1058] : memref<8192x4096xi32, #tpu.memory_space<hbm>> -> memref<1x4096xi32, #tpu.memory_space<hbm>>
      %dma_wait3A_1060 = tpu.memref_squeeze %dma_wait3A_1059 : memref<1x4096xi32, #tpu.memory_space<hbm>> -> memref<4096xi32, #tpu.memory_space<hbm>>
      tpu.wait_dma2 semaphore(%arg23 : memref<!tpu.dma_semaphore, #tpu.memory_space<semaphore_mem>>) src(%dma_wait3A_1060 : memref<4096xi32, #tpu.memory_space<hbm>>) dst(%arg11 : memref<4096xi32, #tpu.memory_space<vmem>>)
      %add3A_1061 = arith.constant 5 : i32
      %add3A_1062 = arith.addi %mul3A_190, %add3A_1061 : i32
      %add3A_1063 = arith.constant 8 : i32
      %add3A_1064 = arith.addi %add3A_1062, %add3A_1063 : i32
      %sub3A_1065 = arith.constant 1 : i32
      %sub3A_1066 = arith.subi %add3A_1064, %sub3A_1065 : i32
      %add3A_1067 = arith.addi %mul3A_2, %sub3A_1066 : i32
      %min3A_1068 = arith.constant 8191 : i32
      %min3A_1069 = arith.minsi %add3A_1067, %min3A_1068 : i32
      %dma_start3A_1070 = arith.constant 0 : i32
      %dma_start3A_1071 = tpu.memref_slice %arg2[%min3A_1069, %dma_start3A_1070] : memref<8192x4096xi32, #tpu.memory_space<hbm>> -> memref<1x4096xi32, #tpu.memory_space<hbm>>
      %dma_start3A_1072 = tpu.memref_squeeze %dma_start3A_1071 : memref<1x4096xi32, #tpu.memory_space<hbm>> -> memref<4096xi32, #tpu.memory_space<hbm>>
      %dma_start3A_1073 = arith.constant 0 : i32
      %dma_start3A_1074 = tpu.memref_slice %arg2[%min3A_1069, %dma_start3A_1073] : memref<8192x4096xi32, #tpu.memory_space<hbm>> -> memref<1x4096xi32, #tpu.memory_space<hbm>>
      %dma_start3A_1075 = tpu.memref_squeeze %dma_start3A_1074 : memref<1x4096xi32, #tpu.memory_space<hbm>> -> memref<4096xi32, #tpu.memory_space<hbm>>
      tpu.enqueue_dma source(%dma_start3A_1075 : memref<4096xi32, #tpu.memory_space<hbm>>) target(%arg10 : memref<4096xi32, #tpu.memory_space<vmem>>) target_semaphore(%arg22 : memref<!tpu.dma_semaphore, #tpu.memory_space<semaphore_mem>>)
      %add3A_1076 = arith.constant 5 : i32
      %add3A_1077 = arith.addi %mul3A_190, %add3A_1076 : i32
      %broadcast_in_dim3A_1078 = vector.broadcast %add3A_1077 : i32 to vector<16xi32>
      %gather3A_1079 = tpu.vector_load_idx %arg15[%broadcast_in_dim3A_1078] : memref<256xi32, #tpu.memory_space<vmem>>[vector<16xi32>], vector<16xi32>,
      %reduce_max3A_1080 = arith.constant true
      %reduce_max3A_1081 = vector.broadcast %reduce_max3A_1080 : i1 to vector<16xi1>
      %reduce_max3A_1082 = arith.constant -2147483648 : i32
      %reduce_max3A_1083 = vector.broadcast %reduce_max3A_1082 : i32 to vector<16xi32>
      %reduce_max3A_1084 = arith.xori %gather3A_1079, %reduce_max3A_1083 : vector<16xi32>
      %reduce_max3A_1085 = tpu.scan <max>, %reduce_max3A_1084 masked %reduce_max3A_1081 : vector<16xi32>, vector<16xi1> -> vector<16xi32>
      %reduce_max3A_1086 = arith.xori %reduce_max3A_1085, %reduce_max3A_1083 : vector<16xi32>
      %reduce_max3A_1087 = vector.extract %reduce_max3A_1086[15] : i32 from vector<16xi32>
      %lt3A_1088 = arith.cmpi slt, %add3A_40, %gather3A_1079 : vector<16xi32>
      %lt3A_1089 = arith.cmpi slt, %add3A_43, %gather3A_1079 : vector<16xi32>
      %lt3A_1090 = arith.cmpi slt, %add3A_46, %gather3A_1079 : vector<16xi32>
      %lt3A_1091 = arith.cmpi slt, %add3A_49, %gather3A_1079 : vector<16xi32>
      %and3A_1092 = arith.constant 255 : i32
      %and3A_1093 = vector.broadcast %and3A_1092 : i32 to vector<16xi32>
      %and3A_1094 = arith.andi %broadcast_in_dim3A_59, %and3A_1093 : vector<16xi32>
      %convert_element_type3A_1095 = arith.sitofp %and3A_1094 : vector<16xi32> to vector<16xf32>
      %add3A_1096 = arith.addf %add3A_922, %convert_element_type3A_1095 : vector<16xf32>
      %shift_right_arithmetic3A_1097 = arith.constant 8 : i32
      %shift_right_arithmetic3A_1098 = vector.broadcast %shift_right_arithmetic3A_1097 : i32 to vector<16xi32>
      %shift_right_arithmetic3A_1099 = arith.shrsi %broadcast_in_dim3A_59, %shift_right_arithmetic3A_1098 : vector<16xi32>
      %and3A_1100 = arith.constant 255 : i32
      %and3A_1101 = vector.broadcast %and3A_1100 : i32 to vector<16xi32>
      %and3A_1102 = arith.andi %shift_right_arithmetic3A_1099, %and3A_1101 : vector<16xi32>
      %convert_element_type3A_1103 = arith.sitofp %and3A_1102 : vector<16xi32> to vector<16xf32>
      %add3A_1104 = arith.addf %add3A_930, %convert_element_type3A_1103 : vector<16xf32>
      %shift_right_arithmetic3A_1105 = arith.constant 16 : i32
      %shift_right_arithmetic3A_1106 = vector.broadcast %shift_right_arithmetic3A_1105 : i32 to vector<16xi32>
      %shift_right_arithmetic3A_1107 = arith.shrsi %broadcast_in_dim3A_59, %shift_right_arithmetic3A_1106 : vector<16xi32>
      %and3A_1108 = arith.constant 255 : i32
      %and3A_1109 = vector.broadcast %and3A_1108 : i32 to vector<16xi32>
      %and3A_1110 = arith.andi %shift_right_arithmetic3A_1107, %and3A_1109 : vector<16xi32>
      %convert_element_type3A_1111 = arith.sitofp %and3A_1110 : vector<16xi32> to vector<16xf32>
      %add3A_1112 = arith.addf %add3A_938, %convert_element_type3A_1111 : vector<16xf32>
      %shift_right_arithmetic3A_1113 = arith.constant 24 : i32
      %shift_right_arithmetic3A_1114 = vector.broadcast %shift_right_arithmetic3A_1113 : i32 to vector<16xi32>
      %shift_right_arithmetic3A_1115 = arith.shrsi %broadcast_in_dim3A_59, %shift_right_arithmetic3A_1114 : vector<16xi32>
      %and3A_1116 = arith.constant 255 : i32
      %and3A_1117 = vector.broadcast %and3A_1116 : i32 to vector<16xi32>
      %and3A_1118 = arith.andi %shift_right_arithmetic3A_1115, %and3A_1117 : vector<16xi32>
      %convert_element_type3A_1119 = arith.sitofp %and3A_1118 : vector<16xi32> to vector<16xf32>
      %add3A_1120 = arith.addf %add3A_946, %convert_element_type3A_1119 : vector<16xf32>
      %convert_element_type3A_1121 = arith.fptosi %broadcast_in_dim3A_51 : vector<16xf32> to vector<16xi32>
      %jit3A_1122 = arith.constant 0 : i32
      %jit3A_1123 = arith.constant 189 : i32
      %max3A_1124 = vector.broadcast %jit3A_1122 : i32 to vector<16xi32>
      %max3A_1125 = arith.maxsi %max3A_1124, %convert_element_type3A_1121 : vector<16xi32>
      %min3A_1126 = vector.broadcast %jit3A_1123 : i32 to vector<16xi32>
      %min3A_1127 = arith.minsi %min3A_1126, %max3A_1125 : vector<16xi32>
      %add3A_1128 = arith.constant 86 : i32
      %add3A_1129 = vector.broadcast %add3A_1128 : i32 to vector<16xi32>
      %add3A_1130 = arith.addi %add3A_1129, %min3A_1127 : vector<16xi32>
      %mul3A_1131 = arith.constant 16 : i32
      %mul3A_1132 = vector.broadcast %mul3A_1131 : i32 to vector<16xi32>
      %mul3A_1133 = arith.muli %add3A_1130, %mul3A_1132 : vector<16xi32>
      %add3A_1134 = arith.addi %mul3A_1133, %iota3A : vector<16xi32>
      tpu.vector_store_idx %arg16[%add3A_1134], %broadcast_in_dim3A_5 masked %lt3A_1088 {add = true} : memref<4608xf32, #tpu.memory_space<vmem>>[vector<16xi32>], vector<16xf32>, vector<16xi1>
      %mul3A_1135 = arith.constant 64 : i32
      %mul3A_1136 = arith.muli %add3A_1077, %mul3A_1135 : i32
      %add3A_1137 = arith.constant 0 : i32
      %add3A_1138 = arith.addi %mul3A_1136, %add3A_1137 : i32
      %get3A_1139 = arith.index_cast %add3A_1138 : i32 to index
      %get3A_1140 = tpu.vector_load %arg14[%get3A_1139] {strides = array<i32>} : memref<16384xi32, #tpu.memory_space<vmem>>, vector<16xi32>,
      %add3A_1141 = arith.constant 65 : i32
      %add3A_1142 = vector.broadcast %add3A_1141 : i32 to vector<16xi32>
      %add3A_1143 = arith.addi %add3A_1142, %get3A_1140 : vector<16xi32>
      %mul3A_1144 = arith.constant 16 : i32
      %mul3A_1145 = vector.broadcast %mul3A_1144 : i32 to vector<16xi32>
      %mul3A_1146 = arith.muli %add3A_1143, %mul3A_1145 : vector<16xi32>
      %add3A_1147 = arith.addi %mul3A_1146, %iota3A : vector<16xi32>
      tpu.vector_store_idx %arg16[%add3A_1147], %broadcast_in_dim3A_5 masked %lt3A_1088 {add = true} : memref<4608xf32, #tpu.memory_space<vmem>>[vector<16xi32>], vector<16xf32>, vector<16xi1>
      %convert_element_type3A_1148 = arith.fptosi %broadcast_in_dim3A_53 : vector<16xf32> to vector<16xi32>
      %jit3A_1149 = arith.constant 0 : i32
      %jit3A_1150 = arith.constant 189 : i32
      %max3A_1151 = vector.broadcast %jit3A_1149 : i32 to vector<16xi32>
      %max3A_1152 = arith.maxsi %max3A_1151, %convert_element_type3A_1148 : vector<16xi32>
      %min3A_1153 = vector.broadcast %jit3A_1150 : i32 to vector<16xi32>
      %min3A_1154 = arith.minsi %min3A_1153, %max3A_1152 : vector<16xi32>
      %add3A_1155 = arith.constant 86 : i32
      %add3A_1156 = vector.broadcast %add3A_1155 : i32 to vector<16xi32>
      %add3A_1157 = arith.addi %add3A_1156, %min3A_1154 : vector<16xi32>
      %mul3A_1158 = arith.constant 16 : i32
      %mul3A_1159 = vector.broadcast %mul3A_1158 : i32 to vector<16xi32>
      %mul3A_1160 = arith.muli %add3A_1157, %mul3A_1159 : vector<16xi32>
      %add3A_1161 = arith.addi %mul3A_1160, %iota3A : vector<16xi32>
      tpu.vector_store_idx %arg16[%add3A_1161], %broadcast_in_dim3A_5 masked %lt3A_1089 {add = true} : memref<4608xf32, #tpu.memory_space<vmem>>[vector<16xi32>], vector<16xf32>, vector<16xi1>
      %mul3A_1162 = arith.constant 64 : i32
      %mul3A_1163 = arith.muli %add3A_1077, %mul3A_1162 : i32
      %add3A_1164 = arith.constant 16 : i32
      %add3A_1165 = arith.addi %mul3A_1163, %add3A_1164 : i32
      %get3A_1166 = arith.index_cast %add3A_1165 : i32 to index
      %get3A_1167 = tpu.vector_load %arg14[%get3A_1166] {strides = array<i32>} : memref<16384xi32, #tpu.memory_space<vmem>>, vector<16xi32>,
      %add3A_1168 = arith.constant 65 : i32
      %add3A_1169 = vector.broadcast %add3A_1168 : i32 to vector<16xi32>
      %add3A_1170 = arith.addi %add3A_1169, %get3A_1167 : vector<16xi32>
      %mul3A_1171 = arith.constant 16 : i32
      %mul3A_1172 = vector.broadcast %mul3A_1171 : i32 to vector<16xi32>
      %mul3A_1173 = arith.muli %add3A_1170, %mul3A_1172 : vector<16xi32>
      %add3A_1174 = arith.addi %mul3A_1173, %iota3A : vector<16xi32>
      tpu.vector_store_idx %arg16[%add3A_1174], %broadcast_in_dim3A_5 masked %lt3A_1089 {add = true} : memref<4608xf32, #tpu.memory_space<vmem>>[vector<16xi32>], vector<16xf32>, vector<16xi1>
      %convert_element_type3A_1175 = arith.fptosi %broadcast_in_dim3A_55 : vector<16xf32> to vector<16xi32>
      %jit3A_1176 = arith.constant 0 : i32
      %jit3A_1177 = arith.constant 189 : i32
      %max3A_1178 = vector.broadcast %jit3A_1176 : i32 to vector<16xi32>
      %max3A_1179 = arith.maxsi %max3A_1178, %convert_element_type3A_1175 : vector<16xi32>
      %min3A_1180 = vector.broadcast %jit3A_1177 : i32 to vector<16xi32>
      %min3A_1181 = arith.minsi %min3A_1180, %max3A_1179 : vector<16xi32>
      %add3A_1182 = arith.constant 86 : i32
      %add3A_1183 = vector.broadcast %add3A_1182 : i32 to vector<16xi32>
      %add3A_1184 = arith.addi %add3A_1183, %min3A_1181 : vector<16xi32>
      %mul3A_1185 = arith.constant 16 : i32
      %mul3A_1186 = vector.broadcast %mul3A_1185 : i32 to vector<16xi32>
      %mul3A_1187 = arith.muli %add3A_1184, %mul3A_1186 : vector<16xi32>
      %add3A_1188 = arith.addi %mul3A_1187, %iota3A : vector<16xi32>
      tpu.vector_store_idx %arg16[%add3A_1188], %broadcast_in_dim3A_5 masked %lt3A_1090 {add = true} : memref<4608xf32, #tpu.memory_space<vmem>>[vector<16xi32>], vector<16xf32>, vector<16xi1>
      %mul3A_1189 = arith.constant 64 : i32
      %mul3A_1190 = arith.muli %add3A_1077, %mul3A_1189 : i32
      %add3A_1191 = arith.constant 32 : i32
      %add3A_1192 = arith.addi %mul3A_1190, %add3A_1191 : i32
      %get3A_1193 = arith.index_cast %add3A_1192 : i32 to index
      %get3A_1194 = tpu.vector_load %arg14[%get3A_1193] {strides = array<i32>} : memref<16384xi32, #tpu.memory_space<vmem>>, vector<16xi32>,
      %add3A_1195 = arith.constant 65 : i32
      %add3A_1196 = vector.broadcast %add3A_1195 : i32 to vector<16xi32>
      %add3A_1197 = arith.addi %add3A_1196, %get3A_1194 : vector<16xi32>
      %mul3A_1198 = arith.constant 16 : i32
      %mul3A_1199 = vector.broadcast %mul3A_1198 : i32 to vector<16xi32>
      %mul3A_1200 = arith.muli %add3A_1197, %mul3A_1199 : vector<16xi32>
      %add3A_1201 = arith.addi %mul3A_1200, %iota3A : vector<16xi32>
      tpu.vector_store_idx %arg16[%add3A_1201], %broadcast_in_dim3A_5 masked %lt3A_1090 {add = true} : memref<4608xf32, #tpu.memory_space<vmem>>[vector<16xi32>], vector<16xf32>, vector<16xi1>
      %convert_element_type3A_1202 = arith.fptosi %broadcast_in_dim3A_57 : vector<16xf32> to vector<16xi32>
      %jit3A_1203 = arith.constant 0 : i32
      %jit3A_1204 = arith.constant 189 : i32
      %max3A_1205 = vector.broadcast %jit3A_1203 : i32 to vector<16xi32>
      %max3A_1206 = arith.maxsi %max3A_1205, %convert_element_type3A_1202 : vector<16xi32>
      %min3A_1207 = vector.broadcast %jit3A_1204 : i32 to vector<16xi32>
      %min3A_1208 = arith.minsi %min3A_1207, %max3A_1206 : vector<16xi32>
      %add3A_1209 = arith.constant 86 : i32
      %add3A_1210 = vector.broadcast %add3A_1209 : i32 to vector<16xi32>
      %add3A_1211 = arith.addi %add3A_1210, %min3A_1208 : vector<16xi32>
      %mul3A_1212 = arith.constant 16 : i32
      %mul3A_1213 = vector.broadcast %mul3A_1212 : i32 to vector<16xi32>
      %mul3A_1214 = arith.muli %add3A_1211, %mul3A_1213 : vector<16xi32>
      %add3A_1215 = arith.addi %mul3A_1214, %iota3A : vector<16xi32>
      tpu.vector_store_idx %arg16[%add3A_1215], %broadcast_in_dim3A_5 masked %lt3A_1091 {add = true} : memref<4608xf32, #tpu.memory_space<vmem>>[vector<16xi32>], vector<16xf32>, vector<16xi1>
      %mul3A_1216 = arith.constant 64 : i32
      %mul3A_1217 = arith.muli %add3A_1077, %mul3A_1216 : i32
      %add3A_1218 = arith.constant 48 : i32
      %add3A_1219 = arith.addi %mul3A_1217, %add3A_1218 : i32
      %get3A_1220 = arith.index_cast %add3A_1219 : i32 to index
      %get3A_1221 = tpu.vector_load %arg14[%get3A_1220] {strides = array<i32>} : memref<16384xi32, #tpu.memory_space<vmem>>, vector<16xi32>,
      %add3A_1222 = arith.constant 65 : i32
      %add3A_1223 = vector.broadcast %add3A_1222 : i32 to vector<16xi32>
      %add3A_1224 = arith.addi %add3A_1223, %get3A_1221 : vector<16xi32>
      %mul3A_1225 = arith.constant 16 : i32
      %mul3A_1226 = vector.broadcast %mul3A_1225 : i32 to vector<16xi32>
      %mul3A_1227 = arith.muli %add3A_1224, %mul3A_1226 : vector<16xi32>
      %add3A_1228 = arith.addi %mul3A_1227, %iota3A : vector<16xi32>
      tpu.vector_store_idx %arg16[%add3A_1228], %broadcast_in_dim3A_5 masked %lt3A_1091 {add = true} : memref<4608xf32, #tpu.memory_space<vmem>>[vector<16xi32>], vector<16xf32>, vector<16xi1>
      %dma_wait3A_1229 = arith.constant 0 : i32
      %dma_wait3A_1230 = tpu.memref_slice %arg2[%mul3A_2, %dma_wait3A_1229] : memref<8192x4096xi32, #tpu.memory_space<hbm>> -> memref<1x4096xi32, #tpu.memory_space<hbm>>
      %dma_wait3A_1231 = tpu.memref_squeeze %dma_wait3A_1230 : memref<1x4096xi32, #tpu.memory_space<hbm>> -> memref<4096xi32, #tpu.memory_space<hbm>>
      %dma_wait3A_1232 = arith.constant 0 : i32
      %dma_wait3A_1233 = tpu.memref_slice %arg2[%mul3A_2, %dma_wait3A_1232] : memref<8192x4096xi32, #tpu.memory_space<hbm>> -> memref<1x4096xi32, #tpu.memory_space<hbm>>
      %dma_wait3A_1234 = tpu.memref_squeeze %dma_wait3A_1233 : memref<1x4096xi32, #tpu.memory_space<hbm>> -> memref<4096xi32, #tpu.memory_space<hbm>>
      tpu.wait_dma2 semaphore(%arg24 : memref<!tpu.dma_semaphore, #tpu.memory_space<semaphore_mem>>) src(%dma_wait3A_1234 : memref<4096xi32, #tpu.memory_space<hbm>>) dst(%arg12 : memref<4096xi32, #tpu.memory_space<vmem>>)
      %add3A_1235 = arith.constant 6 : i32
      %add3A_1236 = arith.addi %mul3A_190, %add3A_1235 : i32
      %add3A_1237 = arith.constant 8 : i32
      %add3A_1238 = arith.addi %add3A_1236, %add3A_1237 : i32
      %sub3A_1239 = arith.constant 1 : i32
      %sub3A_1240 = arith.subi %add3A_1238, %sub3A_1239 : i32
      %add3A_1241 = arith.addi %mul3A_2, %sub3A_1240 : i32
      %min3A_1242 = arith.constant 8191 : i32
      %min3A_1243 = arith.minsi %add3A_1241, %min3A_1242 : i32
      %dma_start3A_1244 = arith.constant 0 : i32
      %dma_start3A_1245 = tpu.memref_slice %arg2[%min3A_1243, %dma_start3A_1244] : memref<8192x4096xi32, #tpu.memory_space<hbm>> -> memref<1x4096xi32, #tpu.memory_space<hbm>>
      %dma_start3A_1246 = tpu.memref_squeeze %dma_start3A_1245 : memref<1x4096xi32, #tpu.memory_space<hbm>> -> memref<4096xi32, #tpu.memory_space<hbm>>
      %dma_start3A_1247 = arith.constant 0 : i32
      %dma_start3A_1248 = tpu.memref_slice %arg2[%min3A_1243, %dma_start3A_1247] : memref<8192x4096xi32, #tpu.memory_space<hbm>> -> memref<1x4096xi32, #tpu.memory_space<hbm>>
      %dma_start3A_1249 = tpu.memref_squeeze %dma_start3A_1248 : memref<1x4096xi32, #tpu.memory_space<hbm>> -> memref<4096xi32, #tpu.memory_space<hbm>>
      tpu.enqueue_dma source(%dma_start3A_1249 : memref<4096xi32, #tpu.memory_space<hbm>>) target(%arg11 : memref<4096xi32, #tpu.memory_space<vmem>>) target_semaphore(%arg23 : memref<!tpu.dma_semaphore, #tpu.memory_space<semaphore_mem>>)
      %add3A_1250 = arith.constant 6 : i32
      %add3A_1251 = arith.addi %mul3A_190, %add3A_1250 : i32
      %broadcast_in_dim3A_1252 = vector.broadcast %add3A_1251 : i32 to vector<16xi32>
      %gather3A_1253 = tpu.vector_load_idx %arg15[%broadcast_in_dim3A_1252] : memref<256xi32, #tpu.memory_space<vmem>>[vector<16xi32>], vector<16xi32>,
      %reduce_max3A_1254 = arith.constant true
      %reduce_max3A_1255 = vector.broadcast %reduce_max3A_1254 : i1 to vector<16xi1>
      %reduce_max3A_1256 = arith.constant -2147483648 : i32
      %reduce_max3A_1257 = vector.broadcast %reduce_max3A_1256 : i32 to vector<16xi32>
      %reduce_max3A_1258 = arith.xori %gather3A_1253, %reduce_max3A_1257 : vector<16xi32>
      %reduce_max3A_1259 = tpu.scan <max>, %reduce_max3A_1258 masked %reduce_max3A_1255 : vector<16xi32>, vector<16xi1> -> vector<16xi32>
      %reduce_max3A_1260 = arith.xori %reduce_max3A_1259, %reduce_max3A_1257 : vector<16xi32>
      %reduce_max3A_1261 = vector.extract %reduce_max3A_1260[15] : i32 from vector<16xi32>
      %lt3A_1262 = arith.cmpi slt, %add3A_40, %gather3A_1253 : vector<16xi32>
      %lt3A_1263 = arith.cmpi slt, %add3A_43, %gather3A_1253 : vector<16xi32>
      %lt3A_1264 = arith.cmpi slt, %add3A_46, %gather3A_1253 : vector<16xi32>
      %lt3A_1265 = arith.cmpi slt, %add3A_49, %gather3A_1253 : vector<16xi32>
      %and3A_1266 = arith.constant 255 : i32
      %and3A_1267 = vector.broadcast %and3A_1266 : i32 to vector<16xi32>
      %and3A_1268 = arith.andi %broadcast_in_dim3A_59, %and3A_1267 : vector<16xi32>
      %convert_element_type3A_1269 = arith.sitofp %and3A_1268 : vector<16xi32> to vector<16xf32>
      %add3A_1270 = arith.addf %add3A_1096, %convert_element_type3A_1269 : vector<16xf32>
      %shift_right_arithmetic3A_1271 = arith.constant 8 : i32
      %shift_right_arithmetic3A_1272 = vector.broadcast %shift_right_arithmetic3A_1271 : i32 to vector<16xi32>
      %shift_right_arithmetic3A_1273 = arith.shrsi %broadcast_in_dim3A_59, %shift_right_arithmetic3A_1272 : vector<16xi32>
      %and3A_1274 = arith.constant 255 : i32
      %and3A_1275 = vector.broadcast %and3A_1274 : i32 to vector<16xi32>
      %and3A_1276 = arith.andi %shift_right_arithmetic3A_1273, %and3A_1275 : vector<16xi32>
      %convert_element_type3A_1277 = arith.sitofp %and3A_1276 : vector<16xi32> to vector<16xf32>
      %add3A_1278 = arith.addf %add3A_1104, %convert_element_type3A_1277 : vector<16xf32>
      %shift_right_arithmetic3A_1279 = arith.constant 16 : i32
      %shift_right_arithmetic3A_1280 = vector.broadcast %shift_right_arithmetic3A_1279 : i32 to vector<16xi32>
      %shift_right_arithmetic3A_1281 = arith.shrsi %broadcast_in_dim3A_59, %shift_right_arithmetic3A_1280 : vector<16xi32>
      %and3A_1282 = arith.constant 255 : i32
      %and3A_1283 = vector.broadcast %and3A_1282 : i32 to vector<16xi32>
      %and3A_1284 = arith.andi %shift_right_arithmetic3A_1281, %and3A_1283 : vector<16xi32>
      %convert_element_type3A_1285 = arith.sitofp %and3A_1284 : vector<16xi32> to vector<16xf32>
      %add3A_1286 = arith.addf %add3A_1112, %convert_element_type3A_1285 : vector<16xf32>
      %shift_right_arithmetic3A_1287 = arith.constant 24 : i32
      %shift_right_arithmetic3A_1288 = vector.broadcast %shift_right_arithmetic3A_1287 : i32 to vector<16xi32>
      %shift_right_arithmetic3A_1289 = arith.shrsi %broadcast_in_dim3A_59, %shift_right_arithmetic3A_1288 : vector<16xi32>
      %and3A_1290 = arith.constant 255 : i32
      %and3A_1291 = vector.broadcast %and3A_1290 : i32 to vector<16xi32>
      %and3A_1292 = arith.andi %shift_right_arithmetic3A_1289, %and3A_1291 : vector<16xi32>
      %convert_element_type3A_1293 = arith.sitofp %and3A_1292 : vector<16xi32> to vector<16xf32>
      %add3A_1294 = arith.addf %add3A_1120, %convert_element_type3A_1293 : vector<16xf32>
      %convert_element_type3A_1295 = arith.fptosi %broadcast_in_dim3A_51 : vector<16xf32> to vector<16xi32>
      %jit3A_1296 = arith.constant 0 : i32
      %jit3A_1297 = arith.constant 189 : i32
      %max3A_1298 = vector.broadcast %jit3A_1296 : i32 to vector<16xi32>
      %max3A_1299 = arith.maxsi %max3A_1298, %convert_element_type3A_1295 : vector<16xi32>
      %min3A_1300 = vector.broadcast %jit3A_1297 : i32 to vector<16xi32>
      %min3A_1301 = arith.minsi %min3A_1300, %max3A_1299 : vector<16xi32>
      %add3A_1302 = arith.constant 86 : i32
      %add3A_1303 = vector.broadcast %add3A_1302 : i32 to vector<16xi32>
      %add3A_1304 = arith.addi %add3A_1303, %min3A_1301 : vector<16xi32>
      %mul3A_1305 = arith.constant 16 : i32
      %mul3A_1306 = vector.broadcast %mul3A_1305 : i32 to vector<16xi32>
      %mul3A_1307 = arith.muli %add3A_1304, %mul3A_1306 : vector<16xi32>
      %add3A_1308 = arith.addi %mul3A_1307, %iota3A : vector<16xi32>
      tpu.vector_store_idx %arg16[%add3A_1308], %broadcast_in_dim3A_5 masked %lt3A_1262 {add = true} : memref<4608xf32, #tpu.memory_space<vmem>>[vector<16xi32>], vector<16xf32>, vector<16xi1>
      %mul3A_1309 = arith.constant 64 : i32
      %mul3A_1310 = arith.muli %add3A_1251, %mul3A_1309 : i32
      %add3A_1311 = arith.constant 0 : i32
      %add3A_1312 = arith.addi %mul3A_1310, %add3A_1311 : i32
      %get3A_1313 = arith.index_cast %add3A_1312 : i32 to index
      %get3A_1314 = tpu.vector_load %arg14[%get3A_1313] {strides = array<i32>} : memref<16384xi32, #tpu.memory_space<vmem>>, vector<16xi32>,
      %add3A_1315 = arith.constant 65 : i32
      %add3A_1316 = vector.broadcast %add3A_1315 : i32 to vector<16xi32>
      %add3A_1317 = arith.addi %add3A_1316, %get3A_1314 : vector<16xi32>
      %mul3A_1318 = arith.constant 16 : i32
      %mul3A_1319 = vector.broadcast %mul3A_1318 : i32 to vector<16xi32>
      %mul3A_1320 = arith.muli %add3A_1317, %mul3A_1319 : vector<16xi32>
      %add3A_1321 = arith.addi %mul3A_1320, %iota3A : vector<16xi32>
      tpu.vector_store_idx %arg16[%add3A_1321], %broadcast_in_dim3A_5 masked %lt3A_1262 {add = true} : memref<4608xf32, #tpu.memory_space<vmem>>[vector<16xi32>], vector<16xf32>, vector<16xi1>
      %convert_element_type3A_1322 = arith.fptosi %broadcast_in_dim3A_53 : vector<16xf32> to vector<16xi32>
      %jit3A_1323 = arith.constant 0 : i32
      %jit3A_1324 = arith.constant 189 : i32
      %max3A_1325 = vector.broadcast %jit3A_1323 : i32 to vector<16xi32>
      %max3A_1326 = arith.maxsi %max3A_1325, %convert_element_type3A_1322 : vector<16xi32>
      %min3A_1327 = vector.broadcast %jit3A_1324 : i32 to vector<16xi32>
      %min3A_1328 = arith.minsi %min3A_1327, %max3A_1326 : vector<16xi32>
      %add3A_1329 = arith.constant 86 : i32
      %add3A_1330 = vector.broadcast %add3A_1329 : i32 to vector<16xi32>
      %add3A_1331 = arith.addi %add3A_1330, %min3A_1328 : vector<16xi32>
      %mul3A_1332 = arith.constant 16 : i32
      %mul3A_1333 = vector.broadcast %mul3A_1332 : i32 to vector<16xi32>
      %mul3A_1334 = arith.muli %add3A_1331, %mul3A_1333 : vector<16xi32>
      %add3A_1335 = arith.addi %mul3A_1334, %iota3A : vector<16xi32>
      tpu.vector_store_idx %arg16[%add3A_1335], %broadcast_in_dim3A_5 masked %lt3A_1263 {add = true} : memref<4608xf32, #tpu.memory_space<vmem>>[vector<16xi32>], vector<16xf32>, vector<16xi1>
      %mul3A_1336 = arith.constant 64 : i32
      %mul3A_1337 = arith.muli %add3A_1251, %mul3A_1336 : i32
      %add3A_1338 = arith.constant 16 : i32
      %add3A_1339 = arith.addi %mul3A_1337, %add3A_1338 : i32
      %get3A_1340 = arith.index_cast %add3A_1339 : i32 to index
      %get3A_1341 = tpu.vector_load %arg14[%get3A_1340] {strides = array<i32>} : memref<16384xi32, #tpu.memory_space<vmem>>, vector<16xi32>,
      %add3A_1342 = arith.constant 65 : i32
      %add3A_1343 = vector.broadcast %add3A_1342 : i32 to vector<16xi32>
      %add3A_1344 = arith.addi %add3A_1343, %get3A_1341 : vector<16xi32>
      %mul3A_1345 = arith.constant 16 : i32
      %mul3A_1346 = vector.broadcast %mul3A_1345 : i32 to vector<16xi32>
      %mul3A_1347 = arith.muli %add3A_1344, %mul3A_1346 : vector<16xi32>
      %add3A_1348 = arith.addi %mul3A_1347, %iota3A : vector<16xi32>
      tpu.vector_store_idx %arg16[%add3A_1348], %broadcast_in_dim3A_5 masked %lt3A_1263 {add = true} : memref<4608xf32, #tpu.memory_space<vmem>>[vector<16xi32>], vector<16xf32>, vector<16xi1>
      %convert_element_type3A_1349 = arith.fptosi %broadcast_in_dim3A_55 : vector<16xf32> to vector<16xi32>
      %jit3A_1350 = arith.constant 0 : i32
      %jit3A_1351 = arith.constant 189 : i32
      %max3A_1352 = vector.broadcast %jit3A_1350 : i32 to vector<16xi32>
      %max3A_1353 = arith.maxsi %max3A_1352, %convert_element_type3A_1349 : vector<16xi32>
      %min3A_1354 = vector.broadcast %jit3A_1351 : i32 to vector<16xi32>
      %min3A_1355 = arith.minsi %min3A_1354, %max3A_1353 : vector<16xi32>
      %add3A_1356 = arith.constant 86 : i32
      %add3A_1357 = vector.broadcast %add3A_1356 : i32 to vector<16xi32>
      %add3A_1358 = arith.addi %add3A_1357, %min3A_1355 : vector<16xi32>
      %mul3A_1359 = arith.constant 16 : i32
      %mul3A_1360 = vector.broadcast %mul3A_1359 : i32 to vector<16xi32>
      %mul3A_1361 = arith.muli %add3A_1358, %mul3A_1360 : vector<16xi32>
      %add3A_1362 = arith.addi %mul3A_1361, %iota3A : vector<16xi32>
      tpu.vector_store_idx %arg16[%add3A_1362], %broadcast_in_dim3A_5 masked %lt3A_1264 {add = true} : memref<4608xf32, #tpu.memory_space<vmem>>[vector<16xi32>], vector<16xf32>, vector<16xi1>
      %mul3A_1363 = arith.constant 64 : i32
      %mul3A_1364 = arith.muli %add3A_1251, %mul3A_1363 : i32
      %add3A_1365 = arith.constant 32 : i32
      %add3A_1366 = arith.addi %mul3A_1364, %add3A_1365 : i32
      %get3A_1367 = arith.index_cast %add3A_1366 : i32 to index
      %get3A_1368 = tpu.vector_load %arg14[%get3A_1367] {strides = array<i32>} : memref<16384xi32, #tpu.memory_space<vmem>>, vector<16xi32>,
      %add3A_1369 = arith.constant 65 : i32
      %add3A_1370 = vector.broadcast %add3A_1369 : i32 to vector<16xi32>
      %add3A_1371 = arith.addi %add3A_1370, %get3A_1368 : vector<16xi32>
      %mul3A_1372 = arith.constant 16 : i32
      %mul3A_1373 = vector.broadcast %mul3A_1372 : i32 to vector<16xi32>
      %mul3A_1374 = arith.muli %add3A_1371, %mul3A_1373 : vector<16xi32>
      %add3A_1375 = arith.addi %mul3A_1374, %iota3A : vector<16xi32>
      tpu.vector_store_idx %arg16[%add3A_1375], %broadcast_in_dim3A_5 masked %lt3A_1264 {add = true} : memref<4608xf32, #tpu.memory_space<vmem>>[vector<16xi32>], vector<16xf32>, vector<16xi1>
      %convert_element_type3A_1376 = arith.fptosi %broadcast_in_dim3A_57 : vector<16xf32> to vector<16xi32>
      %jit3A_1377 = arith.constant 0 : i32
      %jit3A_1378 = arith.constant 189 : i32
      %max3A_1379 = vector.broadcast %jit3A_1377 : i32 to vector<16xi32>
      %max3A_1380 = arith.maxsi %max3A_1379, %convert_element_type3A_1376 : vector<16xi32>
      %min3A_1381 = vector.broadcast %jit3A_1378 : i32 to vector<16xi32>
      %min3A_1382 = arith.minsi %min3A_1381, %max3A_1380 : vector<16xi32>
      %add3A_1383 = arith.constant 86 : i32
      %add3A_1384 = vector.broadcast %add3A_1383 : i32 to vector<16xi32>
      %add3A_1385 = arith.addi %add3A_1384, %min3A_1382 : vector<16xi32>
      %mul3A_1386 = arith.constant 16 : i32
      %mul3A_1387 = vector.broadcast %mul3A_1386 : i32 to vector<16xi32>
      %mul3A_1388 = arith.muli %add3A_1385, %mul3A_1387 : vector<16xi32>
      %add3A_1389 = arith.addi %mul3A_1388, %iota3A : vector<16xi32>
      tpu.vector_store_idx %arg16[%add3A_1389], %broadcast_in_dim3A_5 masked %lt3A_1265 {add = true} : memref<4608xf32, #tpu.memory_space<vmem>>[vector<16xi32>], vector<16xf32>, vector<16xi1>
      %mul3A_1390 = arith.constant 64 : i32
      %mul3A_1391 = arith.muli %add3A_1251, %mul3A_1390 : i32
      %add3A_1392 = arith.constant 48 : i32
      %add3A_1393 = arith.addi %mul3A_1391, %add3A_1392 : i32
      %get3A_1394 = arith.index_cast %add3A_1393 : i32 to index
      %get3A_1395 = tpu.vector_load %arg14[%get3A_1394] {strides = array<i32>} : memref<16384xi32, #tpu.memory_space<vmem>>, vector<16xi32>,
      %add3A_1396 = arith.constant 65 : i32
      %add3A_1397 = vector.broadcast %add3A_1396 : i32 to vector<16xi32>
      %add3A_1398 = arith.addi %add3A_1397, %get3A_1395 : vector<16xi32>
      %mul3A_1399 = arith.constant 16 : i32
      %mul3A_1400 = vector.broadcast %mul3A_1399 : i32 to vector<16xi32>
      %mul3A_1401 = arith.muli %add3A_1398, %mul3A_1400 : vector<16xi32>
      %add3A_1402 = arith.addi %mul3A_1401, %iota3A : vector<16xi32>
      tpu.vector_store_idx %arg16[%add3A_1402], %broadcast_in_dim3A_5 masked %lt3A_1265 {add = true} : memref<4608xf32, #tpu.memory_space<vmem>>[vector<16xi32>], vector<16xf32>, vector<16xi1>
      %dma_wait3A_1403 = arith.constant 0 : i32
      %dma_wait3A_1404 = tpu.memref_slice %arg2[%mul3A_2, %dma_wait3A_1403] : memref<8192x4096xi32, #tpu.memory_space<hbm>> -> memref<1x4096xi32, #tpu.memory_space<hbm>>
      %dma_wait3A_1405 = tpu.memref_squeeze %dma_wait3A_1404 : memref<1x4096xi32, #tpu.memory_space<hbm>> -> memref<4096xi32, #tpu.memory_space<hbm>>
      %dma_wait3A_1406 = arith.constant 0 : i32
      %dma_wait3A_1407 = tpu.memref_slice %arg2[%mul3A_2, %dma_wait3A_1406] : memref<8192x4096xi32, #tpu.memory_space<hbm>> -> memref<1x4096xi32, #tpu.memory_space<hbm>>
      %dma_wait3A_1408 = tpu.memref_squeeze %dma_wait3A_1407 : memref<1x4096xi32, #tpu.memory_space<hbm>> -> memref<4096xi32, #tpu.memory_space<hbm>>
      tpu.wait_dma2 semaphore(%arg25 : memref<!tpu.dma_semaphore, #tpu.memory_space<semaphore_mem>>) src(%dma_wait3A_1408 : memref<4096xi32, #tpu.memory_space<hbm>>) dst(%arg13 : memref<4096xi32, #tpu.memory_space<vmem>>)
      %add3A_1409 = arith.constant 7 : i32
      %add3A_1410 = arith.addi %mul3A_190, %add3A_1409 : i32
      %add3A_1411 = arith.constant 8 : i32
      %add3A_1412 = arith.addi %add3A_1410, %add3A_1411 : i32
      %sub3A_1413 = arith.constant 1 : i32
      %sub3A_1414 = arith.subi %add3A_1412, %sub3A_1413 : i32
      %add3A_1415 = arith.addi %mul3A_2, %sub3A_1414 : i32
      %min3A_1416 = arith.constant 8191 : i32
      %min3A_1417 = arith.minsi %add3A_1415, %min3A_1416 : i32
      %dma_start3A_1418 = arith.constant 0 : i32
      %dma_start3A_1419 = tpu.memref_slice %arg2[%min3A_1417, %dma_start3A_1418] : memref<8192x4096xi32, #tpu.memory_space<hbm>> -> memref<1x4096xi32, #tpu.memory_space<hbm>>
      %dma_start3A_1420 = tpu.memref_squeeze %dma_start3A_1419 : memref<1x4096xi32, #tpu.memory_space<hbm>> -> memref<4096xi32, #tpu.memory_space<hbm>>
      %dma_start3A_1421 = arith.constant 0 : i32
      %dma_start3A_1422 = tpu.memref_slice %arg2[%min3A_1417, %dma_start3A_1421] : memref<8192x4096xi32, #tpu.memory_space<hbm>> -> memref<1x4096xi32, #tpu.memory_space<hbm>>
      %dma_start3A_1423 = tpu.memref_squeeze %dma_start3A_1422 : memref<1x4096xi32, #tpu.memory_space<hbm>> -> memref<4096xi32, #tpu.memory_space<hbm>>
      tpu.enqueue_dma source(%dma_start3A_1423 : memref<4096xi32, #tpu.memory_space<hbm>>) target(%arg12 : memref<4096xi32, #tpu.memory_space<vmem>>) target_semaphore(%arg24 : memref<!tpu.dma_semaphore, #tpu.memory_space<semaphore_mem>>)
      %add3A_1424 = arith.constant 7 : i32
      %add3A_1425 = arith.addi %mul3A_190, %add3A_1424 : i32
      %broadcast_in_dim3A_1426 = vector.broadcast %add3A_1425 : i32 to vector<16xi32>
      %gather3A_1427 = tpu.vector_load_idx %arg15[%broadcast_in_dim3A_1426] : memref<256xi32, #tpu.memory_space<vmem>>[vector<16xi32>], vector<16xi32>,
      %reduce_max3A_1428 = arith.constant true
      %reduce_max3A_1429 = vector.broadcast %reduce_max3A_1428 : i1 to vector<16xi1>
      %reduce_max3A_1430 = arith.constant -2147483648 : i32
      %reduce_max3A_1431 = vector.broadcast %reduce_max3A_1430 : i32 to vector<16xi32>
      %reduce_max3A_1432 = arith.xori %gather3A_1427, %reduce_max3A_1431 : vector<16xi32>
      %reduce_max3A_1433 = tpu.scan <max>, %reduce_max3A_1432 masked %reduce_max3A_1429 : vector<16xi32>, vector<16xi1> -> vector<16xi32>
      %reduce_max3A_1434 = arith.xori %reduce_max3A_1433, %reduce_max3A_1431 : vector<16xi32>
      %reduce_max3A_1435 = vector.extract %reduce_max3A_1434[15] : i32 from vector<16xi32>
      %lt3A_1436 = arith.cmpi slt, %add3A_40, %gather3A_1427 : vector<16xi32>
      %lt3A_1437 = arith.cmpi slt, %add3A_43, %gather3A_1427 : vector<16xi32>
      %lt3A_1438 = arith.cmpi slt, %add3A_46, %gather3A_1427 : vector<16xi32>
      %lt3A_1439 = arith.cmpi slt, %add3A_49, %gather3A_1427 : vector<16xi32>
      %and3A_1440 = arith.constant 255 : i32
      %and3A_1441 = vector.broadcast %and3A_1440 : i32 to vector<16xi32>
      %and3A_1442 = arith.andi %broadcast_in_dim3A_59, %and3A_1441 : vector<16xi32>
      %convert_element_type3A_1443 = arith.sitofp %and3A_1442 : vector<16xi32> to vector<16xf32>
      %add3A_1444 = arith.addf %add3A_1270, %convert_element_type3A_1443 : vector<16xf32>
      %shift_right_arithmetic3A_1445 = arith.constant 8 : i32
      %shift_right_arithmetic3A_1446 = vector.broadcast %shift_right_arithmetic3A_1445 : i32 to vector<16xi32>
      %shift_right_arithmetic3A_1447 = arith.shrsi %broadcast_in_dim3A_59, %shift_right_arithmetic3A_1446 : vector<16xi32>
      %and3A_1448 = arith.constant 255 : i32
      %and3A_1449 = vector.broadcast %and3A_1448 : i32 to vector<16xi32>
      %and3A_1450 = arith.andi %shift_right_arithmetic3A_1447, %and3A_1449 : vector<16xi32>
      %convert_element_type3A_1451 = arith.sitofp %and3A_1450 : vector<16xi32> to vector<16xf32>
      %add3A_1452 = arith.addf %add3A_1278, %convert_element_type3A_1451 : vector<16xf32>
      %shift_right_arithmetic3A_1453 = arith.constant 16 : i32
      %shift_right_arithmetic3A_1454 = vector.broadcast %shift_right_arithmetic3A_1453 : i32 to vector<16xi32>
      %shift_right_arithmetic3A_1455 = arith.shrsi %broadcast_in_dim3A_59, %shift_right_arithmetic3A_1454 : vector<16xi32>
      %and3A_1456 = arith.constant 255 : i32
      %and3A_1457 = vector.broadcast %and3A_1456 : i32 to vector<16xi32>
      %and3A_1458 = arith.andi %shift_right_arithmetic3A_1455, %and3A_1457 : vector<16xi32>
      %convert_element_type3A_1459 = arith.sitofp %and3A_1458 : vector<16xi32> to vector<16xf32>
      %add3A_1460 = arith.addf %add3A_1286, %convert_element_type3A_1459 : vector<16xf32>
      %shift_right_arithmetic3A_1461 = arith.constant 24 : i32
      %shift_right_arithmetic3A_1462 = vector.broadcast %shift_right_arithmetic3A_1461 : i32 to vector<16xi32>
      %shift_right_arithmetic3A_1463 = arith.shrsi %broadcast_in_dim3A_59, %shift_right_arithmetic3A_1462 : vector<16xi32>
      %and3A_1464 = arith.constant 255 : i32
      %and3A_1465 = vector.broadcast %and3A_1464 : i32 to vector<16xi32>
      %and3A_1466 = arith.andi %shift_right_arithmetic3A_1463, %and3A_1465 : vector<16xi32>
      %convert_element_type3A_1467 = arith.sitofp %and3A_1466 : vector<16xi32> to vector<16xf32>
      %add3A_1468 = arith.addf %add3A_1294, %convert_element_type3A_1467 : vector<16xf32>
      %convert_element_type3A_1469 = arith.fptosi %broadcast_in_dim3A_51 : vector<16xf32> to vector<16xi32>
      %jit3A_1470 = arith.constant 0 : i32
      %jit3A_1471 = arith.constant 189 : i32
      %max3A_1472 = vector.broadcast %jit3A_1470 : i32 to vector<16xi32>
      %max3A_1473 = arith.maxsi %max3A_1472, %convert_element_type3A_1469 : vector<16xi32>
      %min3A_1474 = vector.broadcast %jit3A_1471 : i32 to vector<16xi32>
      %min3A_1475 = arith.minsi %min3A_1474, %max3A_1473 : vector<16xi32>
      %add3A_1476 = arith.constant 86 : i32
      %add3A_1477 = vector.broadcast %add3A_1476 : i32 to vector<16xi32>
      %add3A_1478 = arith.addi %add3A_1477, %min3A_1475 : vector<16xi32>
      %mul3A_1479 = arith.constant 16 : i32
      %mul3A_1480 = vector.broadcast %mul3A_1479 : i32 to vector<16xi32>
      %mul3A_1481 = arith.muli %add3A_1478, %mul3A_1480 : vector<16xi32>
      %add3A_1482 = arith.addi %mul3A_1481, %iota3A : vector<16xi32>
      tpu.vector_store_idx %arg16[%add3A_1482], %broadcast_in_dim3A_5 masked %lt3A_1436 {add = true} : memref<4608xf32, #tpu.memory_space<vmem>>[vector<16xi32>], vector<16xf32>, vector<16xi1>
      %mul3A_1483 = arith.constant 64 : i32
      %mul3A_1484 = arith.muli %add3A_1425, %mul3A_1483 : i32
      %add3A_1485 = arith.constant 0 : i32
      %add3A_1486 = arith.addi %mul3A_1484, %add3A_1485 : i32
      %get3A_1487 = arith.index_cast %add3A_1486 : i32 to index
      %get3A_1488 = tpu.vector_load %arg14[%get3A_1487] {strides = array<i32>} : memref<16384xi32, #tpu.memory_space<vmem>>, vector<16xi32>,
      %add3A_1489 = arith.constant 65 : i32
      %add3A_1490 = vector.broadcast %add3A_1489 : i32 to vector<16xi32>
      %add3A_1491 = arith.addi %add3A_1490, %get3A_1488 : vector<16xi32>
      %mul3A_1492 = arith.constant 16 : i32
      %mul3A_1493 = vector.broadcast %mul3A_1492 : i32 to vector<16xi32>
      %mul3A_1494 = arith.muli %add3A_1491, %mul3A_1493 : vector<16xi32>
      %add3A_1495 = arith.addi %mul3A_1494, %iota3A : vector<16xi32>
      tpu.vector_store_idx %arg16[%add3A_1495], %broadcast_in_dim3A_5 masked %lt3A_1436 {add = true} : memref<4608xf32, #tpu.memory_space<vmem>>[vector<16xi32>], vector<16xf32>, vector<16xi1>
      %convert_element_type3A_1496 = arith.fptosi %broadcast_in_dim3A_53 : vector<16xf32> to vector<16xi32>
      %jit3A_1497 = arith.constant 0 : i32
      %jit3A_1498 = arith.constant 189 : i32
      %max3A_1499 = vector.broadcast %jit3A_1497 : i32 to vector<16xi32>
      %max3A_1500 = arith.maxsi %max3A_1499, %convert_element_type3A_1496 : vector<16xi32>
      %min3A_1501 = vector.broadcast %jit3A_1498 : i32 to vector<16xi32>
      %min3A_1502 = arith.minsi %min3A_1501, %max3A_1500 : vector<16xi32>
      %add3A_1503 = arith.constant 86 : i32
      %add3A_1504 = vector.broadcast %add3A_1503 : i32 to vector<16xi32>
      %add3A_1505 = arith.addi %add3A_1504, %min3A_1502 : vector<16xi32>
      %mul3A_1506 = arith.constant 16 : i32
      %mul3A_1507 = vector.broadcast %mul3A_1506 : i32 to vector<16xi32>
      %mul3A_1508 = arith.muli %add3A_1505, %mul3A_1507 : vector<16xi32>
      %add3A_1509 = arith.addi %mul3A_1508, %iota3A : vector<16xi32>
      tpu.vector_store_idx %arg16[%add3A_1509], %broadcast_in_dim3A_5 masked %lt3A_1437 {add = true} : memref<4608xf32, #tpu.memory_space<vmem>>[vector<16xi32>], vector<16xf32>, vector<16xi1>
      %mul3A_1510 = arith.constant 64 : i32
      %mul3A_1511 = arith.muli %add3A_1425, %mul3A_1510 : i32
      %add3A_1512 = arith.constant 16 : i32
      %add3A_1513 = arith.addi %mul3A_1511, %add3A_1512 : i32
      %get3A_1514 = arith.index_cast %add3A_1513 : i32 to index
      %get3A_1515 = tpu.vector_load %arg14[%get3A_1514] {strides = array<i32>} : memref<16384xi32, #tpu.memory_space<vmem>>, vector<16xi32>,
      %add3A_1516 = arith.constant 65 : i32
      %add3A_1517 = vector.broadcast %add3A_1516 : i32 to vector<16xi32>
      %add3A_1518 = arith.addi %add3A_1517, %get3A_1515 : vector<16xi32>
      %mul3A_1519 = arith.constant 16 : i32
      %mul3A_1520 = vector.broadcast %mul3A_1519 : i32 to vector<16xi32>
      %mul3A_1521 = arith.muli %add3A_1518, %mul3A_1520 : vector<16xi32>
      %add3A_1522 = arith.addi %mul3A_1521, %iota3A : vector<16xi32>
      tpu.vector_store_idx %arg16[%add3A_1522], %broadcast_in_dim3A_5 masked %lt3A_1437 {add = true} : memref<4608xf32, #tpu.memory_space<vmem>>[vector<16xi32>], vector<16xf32>, vector<16xi1>
      %convert_element_type3A_1523 = arith.fptosi %broadcast_in_dim3A_55 : vector<16xf32> to vector<16xi32>
      %jit3A_1524 = arith.constant 0 : i32
      %jit3A_1525 = arith.constant 189 : i32
      %max3A_1526 = vector.broadcast %jit3A_1524 : i32 to vector<16xi32>
      %max3A_1527 = arith.maxsi %max3A_1526, %convert_element_type3A_1523 : vector<16xi32>
      %min3A_1528 = vector.broadcast %jit3A_1525 : i32 to vector<16xi32>
      %min3A_1529 = arith.minsi %min3A_1528, %max3A_1527 : vector<16xi32>
      %add3A_1530 = arith.constant 86 : i32
      %add3A_1531 = vector.broadcast %add3A_1530 : i32 to vector<16xi32>
      %add3A_1532 = arith.addi %add3A_1531, %min3A_1529 : vector<16xi32>
      %mul3A_1533 = arith.constant 16 : i32
      %mul3A_1534 = vector.broadcast %mul3A_1533 : i32 to vector<16xi32>
      %mul3A_1535 = arith.muli %add3A_1532, %mul3A_1534 : vector<16xi32>
      %add3A_1536 = arith.addi %mul3A_1535, %iota3A : vector<16xi32>
      tpu.vector_store_idx %arg16[%add3A_1536], %broadcast_in_dim3A_5 masked %lt3A_1438 {add = true} : memref<4608xf32, #tpu.memory_space<vmem>>[vector<16xi32>], vector<16xf32>, vector<16xi1>
      %mul3A_1537 = arith.constant 64 : i32
      %mul3A_1538 = arith.muli %add3A_1425, %mul3A_1537 : i32
      %add3A_1539 = arith.constant 32 : i32
      %add3A_1540 = arith.addi %mul3A_1538, %add3A_1539 : i32
      %get3A_1541 = arith.index_cast %add3A_1540 : i32 to index
      %get3A_1542 = tpu.vector_load %arg14[%get3A_1541] {strides = array<i32>} : memref<16384xi32, #tpu.memory_space<vmem>>, vector<16xi32>,
      %add3A_1543 = arith.constant 65 : i32
      %add3A_1544 = vector.broadcast %add3A_1543 : i32 to vector<16xi32>
      %add3A_1545 = arith.addi %add3A_1544, %get3A_1542 : vector<16xi32>
      %mul3A_1546 = arith.constant 16 : i32
      %mul3A_1547 = vector.broadcast %mul3A_1546 : i32 to vector<16xi32>
      %mul3A_1548 = arith.muli %add3A_1545, %mul3A_1547 : vector<16xi32>
      %add3A_1549 = arith.addi %mul3A_1548, %iota3A : vector<16xi32>
      tpu.vector_store_idx %arg16[%add3A_1549], %broadcast_in_dim3A_5 masked %lt3A_1438 {add = true} : memref<4608xf32, #tpu.memory_space<vmem>>[vector<16xi32>], vector<16xf32>, vector<16xi1>
      %convert_element_type3A_1550 = arith.fptosi %broadcast_in_dim3A_57 : vector<16xf32> to vector<16xi32>
      %jit3A_1551 = arith.constant 0 : i32
      %jit3A_1552 = arith.constant 189 : i32
      %max3A_1553 = vector.broadcast %jit3A_1551 : i32 to vector<16xi32>
      %max3A_1554 = arith.maxsi %max3A_1553, %convert_element_type3A_1550 : vector<16xi32>
      %min3A_1555 = vector.broadcast %jit3A_1552 : i32 to vector<16xi32>
      %min3A_1556 = arith.minsi %min3A_1555, %max3A_1554 : vector<16xi32>
      %add3A_1557 = arith.constant 86 : i32
      %add3A_1558 = vector.broadcast %add3A_1557 : i32 to vector<16xi32>
      %add3A_1559 = arith.addi %add3A_1558, %min3A_1556 : vector<16xi32>
      %mul3A_1560 = arith.constant 16 : i32
      %mul3A_1561 = vector.broadcast %mul3A_1560 : i32 to vector<16xi32>
      %mul3A_1562 = arith.muli %add3A_1559, %mul3A_1561 : vector<16xi32>
      %add3A_1563 = arith.addi %mul3A_1562, %iota3A : vector<16xi32>
      tpu.vector_store_idx %arg16[%add3A_1563], %broadcast_in_dim3A_5 masked %lt3A_1439 {add = true} : memref<4608xf32, #tpu.memory_space<vmem>>[vector<16xi32>], vector<16xf32>, vector<16xi1>
      %mul3A_1564 = arith.constant 64 : i32
      %mul3A_1565 = arith.muli %add3A_1425, %mul3A_1564 : i32
      %add3A_1566 = arith.constant 48 : i32
      %add3A_1567 = arith.addi %mul3A_1565, %add3A_1566 : i32
      %get3A_1568 = arith.index_cast %add3A_1567 : i32 to index
      %get3A_1569 = tpu.vector_load %arg14[%get3A_1568] {strides = array<i32>} : memref<16384xi32, #tpu.memory_space<vmem>>, vector<16xi32>,
      %add3A_1570 = arith.constant 65 : i32
      %add3A_1571 = vector.broadcast %add3A_1570 : i32 to vector<16xi32>
      %add3A_1572 = arith.addi %add3A_1571, %get3A_1569 : vector<16xi32>
      %mul3A_1573 = arith.constant 16 : i32
      %mul3A_1574 = vector.broadcast %mul3A_1573 : i32 to vector<16xi32>
      %mul3A_1575 = arith.muli %add3A_1572, %mul3A_1574 : vector<16xi32>
      %add3A_1576 = arith.addi %mul3A_1575, %iota3A : vector<16xi32>
      tpu.vector_store_idx %arg16[%add3A_1576], %broadcast_in_dim3A_5 masked %lt3A_1439 {add = true} : memref<4608xf32, #tpu.memory_space<vmem>>[vector<16xi32>], vector<16xf32>, vector<16xi1>
      scf.yield %add3A_1444, %add3A_1452, %add3A_1460, %add3A_1468 : vector<16xf32>, vector<16xf32>, vector<16xf32>, vector<16xf32>
    }
    %scan3A_134 = arith.constant 32 : i32
    %dma_wait3A = arith.constant 0 : i32
    %dma_wait3A_135 = tpu.memref_slice %arg2[%mul3A_2, %dma_wait3A] : memref<8192x4096xi32, #tpu.memory_space<hbm>> -> memref<1x4096xi32, #tpu.memory_space<hbm>>
    %dma_wait3A_136 = tpu.memref_squeeze %dma_wait3A_135 : memref<1x4096xi32, #tpu.memory_space<hbm>> -> memref<4096xi32, #tpu.memory_space<hbm>>
    %dma_wait3A_137 = arith.constant 0 : i32
    %dma_wait3A_138 = tpu.memref_slice %arg2[%mul3A_2, %dma_wait3A_137] : memref<8192x4096xi32, #tpu.memory_space<hbm>> -> memref<1x4096xi32, #tpu.memory_space<hbm>>
    %dma_wait3A_139 = tpu.memref_squeeze %dma_wait3A_138 : memref<1x4096xi32, #tpu.memory_space<hbm>> -> memref<4096xi32, #tpu.memory_space<hbm>>
    tpu.wait_dma2 semaphore(%arg18 : memref<!tpu.dma_semaphore, #tpu.memory_space<semaphore_mem>>) src(%dma_wait3A_139 : memref<4096xi32, #tpu.memory_space<hbm>>) dst(%arg6 : memref<4096xi32, #tpu.memory_space<vmem>>)
    %dma_wait3A_140 = arith.constant 0 : i32
    %dma_wait3A_141 = tpu.memref_slice %arg2[%mul3A_2, %dma_wait3A_140] : memref<8192x4096xi32, #tpu.memory_space<hbm>> -> memref<1x4096xi32, #tpu.memory_space<hbm>>
    %dma_wait3A_142 = tpu.memref_squeeze %dma_wait3A_141 : memref<1x4096xi32, #tpu.memory_space<hbm>> -> memref<4096xi32, #tpu.memory_space<hbm>>
    %dma_wait3A_143 = arith.constant 0 : i32
    %dma_wait3A_144 = tpu.memref_slice %arg2[%mul3A_2, %dma_wait3A_143] : memref<8192x4096xi32, #tpu.memory_space<hbm>> -> memref<1x4096xi32, #tpu.memory_space<hbm>>
    %dma_wait3A_145 = tpu.memref_squeeze %dma_wait3A_144 : memref<1x4096xi32, #tpu.memory_space<hbm>> -> memref<4096xi32, #tpu.memory_space<hbm>>
    tpu.wait_dma2 semaphore(%arg19 : memref<!tpu.dma_semaphore, #tpu.memory_space<semaphore_mem>>) src(%dma_wait3A_145 : memref<4096xi32, #tpu.memory_space<hbm>>) dst(%arg7 : memref<4096xi32, #tpu.memory_space<vmem>>)
    %dma_wait3A_146 = arith.constant 0 : i32
    %dma_wait3A_147 = tpu.memref_slice %arg2[%mul3A_2, %dma_wait3A_146] : memref<8192x4096xi32, #tpu.memory_space<hbm>> -> memref<1x4096xi32, #tpu.memory_space<hbm>>
    %dma_wait3A_148 = tpu.memref_squeeze %dma_wait3A_147 : memref<1x4096xi32, #tpu.memory_space<hbm>> -> memref<4096xi32, #tpu.memory_space<hbm>>
    %dma_wait3A_149 = arith.constant 0 : i32
    %dma_wait3A_150 = tpu.memref_slice %arg2[%mul3A_2, %dma_wait3A_149] : memref<8192x4096xi32, #tpu.memory_space<hbm>> -> memref<1x4096xi32, #tpu.memory_space<hbm>>
    %dma_wait3A_151 = tpu.memref_squeeze %dma_wait3A_150 : memref<1x4096xi32, #tpu.memory_space<hbm>> -> memref<4096xi32, #tpu.memory_space<hbm>>
    tpu.wait_dma2 semaphore(%arg20 : memref<!tpu.dma_semaphore, #tpu.memory_space<semaphore_mem>>) src(%dma_wait3A_151 : memref<4096xi32, #tpu.memory_space<hbm>>) dst(%arg8 : memref<4096xi32, #tpu.memory_space<vmem>>)
    %dma_wait3A_152 = arith.constant 0 : i32
    %dma_wait3A_153 = tpu.memref_slice %arg2[%mul3A_2, %dma_wait3A_152] : memref<8192x4096xi32, #tpu.memory_space<hbm>> -> memref<1x4096xi32, #tpu.memory_space<hbm>>
    %dma_wait3A_154 = tpu.memref_squeeze %dma_wait3A_153 : memref<1x4096xi32, #tpu.memory_space<hbm>> -> memref<4096xi32, #tpu.memory_space<hbm>>
    %dma_wait3A_155 = arith.constant 0 : i32
    %dma_wait3A_156 = tpu.memref_slice %arg2[%mul3A_2, %dma_wait3A_155] : memref<8192x4096xi32, #tpu.memory_space<hbm>> -> memref<1x4096xi32, #tpu.memory_space<hbm>>
    %dma_wait3A_157 = tpu.memref_squeeze %dma_wait3A_156 : memref<1x4096xi32, #tpu.memory_space<hbm>> -> memref<4096xi32, #tpu.memory_space<hbm>>
    tpu.wait_dma2 semaphore(%arg21 : memref<!tpu.dma_semaphore, #tpu.memory_space<semaphore_mem>>) src(%dma_wait3A_157 : memref<4096xi32, #tpu.memory_space<hbm>>) dst(%arg9 : memref<4096xi32, #tpu.memory_space<vmem>>)
    %dma_wait3A_158 = arith.constant 0 : i32
    %dma_wait3A_159 = tpu.memref_slice %arg2[%mul3A_2, %dma_wait3A_158] : memref<8192x4096xi32, #tpu.memory_space<hbm>> -> memref<1x4096xi32, #tpu.memory_space<hbm>>
    %dma_wait3A_160 = tpu.memref_squeeze %dma_wait3A_159 : memref<1x4096xi32, #tpu.memory_space<hbm>> -> memref<4096xi32, #tpu.memory_space<hbm>>
    %dma_wait3A_161 = arith.constant 0 : i32
    %dma_wait3A_162 = tpu.memref_slice %arg2[%mul3A_2, %dma_wait3A_161] : memref<8192x4096xi32, #tpu.memory_space<hbm>> -> memref<1x4096xi32, #tpu.memory_space<hbm>>
    %dma_wait3A_163 = tpu.memref_squeeze %dma_wait3A_162 : memref<1x4096xi32, #tpu.memory_space<hbm>> -> memref<4096xi32, #tpu.memory_space<hbm>>
    tpu.wait_dma2 semaphore(%arg22 : memref<!tpu.dma_semaphore, #tpu.memory_space<semaphore_mem>>) src(%dma_wait3A_163 : memref<4096xi32, #tpu.memory_space<hbm>>) dst(%arg10 : memref<4096xi32, #tpu.memory_space<vmem>>)
    %dma_wait3A_164 = arith.constant 0 : i32
    %dma_wait3A_165 = tpu.memref_slice %arg2[%mul3A_2, %dma_wait3A_164] : memref<8192x4096xi32, #tpu.memory_space<hbm>> -> memref<1x4096xi32, #tpu.memory_space<hbm>>
    %dma_wait3A_166 = tpu.memref_squeeze %dma_wait3A_165 : memref<1x4096xi32, #tpu.memory_space<hbm>> -> memref<4096xi32, #tpu.memory_space<hbm>>
    %dma_wait3A_167 = arith.constant 0 : i32
    %dma_wait3A_168 = tpu.memref_slice %arg2[%mul3A_2, %dma_wait3A_167] : memref<8192x4096xi32, #tpu.memory_space<hbm>> -> memref<1x4096xi32, #tpu.memory_space<hbm>>
    %dma_wait3A_169 = tpu.memref_squeeze %dma_wait3A_168 : memref<1x4096xi32, #tpu.memory_space<hbm>> -> memref<4096xi32, #tpu.memory_space<hbm>>
    tpu.wait_dma2 semaphore(%arg23 : memref<!tpu.dma_semaphore, #tpu.memory_space<semaphore_mem>>) src(%dma_wait3A_169 : memref<4096xi32, #tpu.memory_space<hbm>>) dst(%arg11 : memref<4096xi32, #tpu.memory_space<vmem>>)
    %dma_wait3A_170 = arith.constant 0 : i32
    %dma_wait3A_171 = tpu.memref_slice %arg2[%mul3A_2, %dma_wait3A_170] : memref<8192x4096xi32, #tpu.memory_space<hbm>> -> memref<1x4096xi32, #tpu.memory_space<hbm>>
    %dma_wait3A_172 = tpu.memref_squeeze %dma_wait3A_171 : memref<1x4096xi32, #tpu.memory_space<hbm>> -> memref<4096xi32, #tpu.memory_space<hbm>>
    %dma_wait3A_173 = arith.constant 0 : i32
    %dma_wait3A_174 = tpu.memref_slice %arg2[%mul3A_2, %dma_wait3A_173] : memref<8192x4096xi32, #tpu.memory_space<hbm>> -> memref<1x4096xi32, #tpu.memory_space<hbm>>
    %dma_wait3A_175 = tpu.memref_squeeze %dma_wait3A_174 : memref<1x4096xi32, #tpu.memory_space<hbm>> -> memref<4096xi32, #tpu.memory_space<hbm>>
    tpu.wait_dma2 semaphore(%arg24 : memref<!tpu.dma_semaphore, #tpu.memory_space<semaphore_mem>>) src(%dma_wait3A_175 : memref<4096xi32, #tpu.memory_space<hbm>>) dst(%arg12 : memref<4096xi32, #tpu.memory_space<vmem>>)
    %swap3A_176 = arith.constant 1312 : index
    %swap3A_177 = tpu.vector_load %arg16[%swap3A_176] {strides = array<i32>} : memref<4608xf32, #tpu.memory_space<vmem>>, vector<16xf32>,
    tpu.vector_store %arg16[%swap3A_176], %scan3A_133#0 {strides = array<i32>} : memref<4608xf32, #tpu.memory_space<vmem>>, vector<16xf32>,
    %swap3A_178 = arith.constant 1328 : index
    %swap3A_179 = tpu.vector_load %arg16[%swap3A_178] {strides = array<i32>} : memref<4608xf32, #tpu.memory_space<vmem>>, vector<16xf32>,
    tpu.vector_store %arg16[%swap3A_178], %scan3A_133#1 {strides = array<i32>} : memref<4608xf32, #tpu.memory_space<vmem>>, vector<16xf32>,
    %swap3A_180 = arith.constant 1344 : index
    %swap3A_181 = tpu.vector_load %arg16[%swap3A_180] {strides = array<i32>} : memref<4608xf32, #tpu.memory_space<vmem>>, vector<16xf32>,
    tpu.vector_store %arg16[%swap3A_180], %scan3A_133#2 {strides = array<i32>} : memref<4608xf32, #tpu.memory_space<vmem>>, vector<16xf32>,
    %swap3A_182 = arith.constant 1360 : index
    %swap3A_183 = tpu.vector_load %arg16[%swap3A_182] {strides = array<i32>} : memref<4608xf32, #tpu.memory_space<vmem>>, vector<16xf32>,
    tpu.vector_store %arg16[%swap3A_182], %scan3A_133#3 {strides = array<i32>} : memref<4608xf32, #tpu.memory_space<vmem>>, vector<16xf32>,
    "tpu.region"() ({
      %run_scoped3A = tpu.sem_alloc : memref<!tpu.dma_semaphore, #tpu.memory_space<semaphore_mem>>
      %dma_start3A_184 = arith.constant 0 : i32
      %dma_start3A_185 = tpu.memref_slice %arg5[%add3A, %dma_start3A_184] : memref<32x4608xf32, #tpu.memory_space<hbm>> -> memref<1x4608xf32, #tpu.memory_space<hbm>>
      %dma_start3A_186 = tpu.memref_squeeze %dma_start3A_185 : memref<1x4608xf32, #tpu.memory_space<hbm>> -> memref<4608xf32, #tpu.memory_space<hbm>>
      %dma_start3A_187 = arith.constant 0 : i32
      %dma_start3A_188 = tpu.memref_slice %arg5[%add3A, %dma_start3A_187] : memref<32x4608xf32, #tpu.memory_space<hbm>> -> memref<1x4608xf32, #tpu.memory_space<hbm>>
      %dma_start3A_189 = tpu.memref_squeeze %dma_start3A_188 : memref<1x4608xf32, #tpu.memory_space<hbm>> -> memref<4608xf32, #tpu.memory_space<hbm>>
      tpu.enqueue_dma source(%arg16 : memref<4608xf32, #tpu.memory_space<vmem>>) target(%dma_start3A_189 : memref<4608xf32, #tpu.memory_space<hbm>>) target_semaphore(%run_scoped3A : memref<!tpu.dma_semaphore, #tpu.memory_space<semaphore_mem>>)
      %dma_wait3A_190 = arith.constant 0 : i32
      %dma_wait3A_191 = tpu.memref_slice %arg5[%add3A, %dma_wait3A_190] : memref<32x4608xf32, #tpu.memory_space<hbm>> -> memref<1x4608xf32, #tpu.memory_space<hbm>>
      %dma_wait3A_192 = tpu.memref_squeeze %dma_wait3A_191 : memref<1x4608xf32, #tpu.memory_space<hbm>> -> memref<4608xf32, #tpu.memory_space<hbm>>
      %dma_wait3A_193 = arith.constant 0 : i32
      %dma_wait3A_194 = tpu.memref_slice %arg5[%add3A, %dma_wait3A_193] : memref<32x4608xf32, #tpu.memory_space<hbm>> -> memref<1x4608xf32, #tpu.memory_space<hbm>>
      %dma_wait3A_195 = tpu.memref_squeeze %dma_wait3A_194 : memref<1x4608xf32, #tpu.memory_space<hbm>> -> memref<4608xf32, #tpu.memory_space<hbm>>
      tpu.wait_dma2 semaphore(%run_scoped3A : memref<!tpu.dma_semaphore, #tpu.memory_space<semaphore_mem>>) src(%arg16 : memref<4608xf32, #tpu.memory_space<vmem>>) dst(%dma_wait3A_195 : memref<4608xf32, #tpu.memory_space<hbm>>)
      tpu.yield
    }) : () -> ()
    return
  }
}

module attributes {stable_mosaic.version = 14 : i64} {
  func.func @_finalize_body(%arg0: memref<32x288x16xf32, #tpu.memory_space<vmem>>, %arg1: memref<65xf32, #tpu.memory_space<vmem>>, %arg2: memref<16xf32, #tpu.memory_space<vmem>>, %arg3: memref<5xf32, #tpu.memory_space<vmem>>, %arg4: memref<190xf32, #tpu.memory_space<vmem>>, %arg5: memref<65xf32, #tpu.memory_space<vmem>>, %arg6: memref<16xf32, #tpu.memory_space<vmem>>, %arg7: memref<5xf32, #tpu.memory_space<vmem>>, %arg8: memref<190xf32, #tpu.memory_space<vmem>>, %arg9: memref<4xf32, #tpu.memory_space<vmem>>) attributes {dimension_semantics = [], scalar_prefetch = 0 : i64, scratch_operands = 0 : i64, tpu.core_type = #tpu.core_type<tc>} {
    %get3A = arith.constant 0 : index
    %get3A_0 = arith.constant 0 : index
    %get3A_1 = arith.constant 0 : index
    %get3A_2 = vector.load %arg0[%get3A, %get3A_0, %get3A_1] : memref<32x288x16xf32, #tpu.memory_space<vmem>>, vector<32x288x16xf32>
    %reduce_sum3A = arith.constant dense<0.000000e+00> : vector<288x16xf32>
    %reduce_sum3A_3 = vector.multi_reduction <add>, %get3A_2, %reduce_sum3A [0] : vector<32x288x16xf32> to vector<288x16xf32>
    %reduce_sum3A_4 = arith.constant dense<0.000000e+00> : vector<288xf32>
    %reduce_sum3A_5 = vector.multi_reduction <add>, %reduce_sum3A_3, %reduce_sum3A_4 [1] : vector<288x16xf32> to vector<288xf32>
    %slice3A = vector.extract_strided_slice %reduce_sum3A_5 {offsets = [0], sizes = [65], strides = [1]} : vector<288xf32> to vector<65xf32>
    %slice3A_6 = vector.extract_strided_slice %reduce_sum3A_5 {offsets = [65], sizes = [16], strides = [1]} : vector<288xf32> to vector<16xf32>
    %slice3A_7 = vector.extract_strided_slice %reduce_sum3A_5 {offsets = [86], sizes = [190], strides = [1]} : vector<288xf32> to vector<190xf32>
    %iota3A = tpu.iota {dimensions = array<i32: 1>} : vector<1x65xi32>
    %convert_element_type3A = arith.sitofp %iota3A : vector<1x65xi32> to vector<1x65xf32>
    %reshape3A = vector.shape_cast %slice3A : vector<65xf32> to vector<1x65xf32>
    %mul3A = arith.mulf %reshape3A, %convert_element_type3A : vector<1x65xf32>
    %sub3A = arith.constant 1.000000e+00 : f32
    %sub3A_8 = vector.broadcast %sub3A : f32 to vector<1x65xf32>
    %sub3A_9 = arith.subf %convert_element_type3A, %sub3A_8 : vector<1x65xf32>
    %mul3A_10 = arith.mulf %mul3A, %sub3A_9 : vector<1x65xf32>
    %mul3A_11 = arith.constant 5.000000e-01 : f32
    %mul3A_12 = vector.broadcast %mul3A_11 : f32 to vector<1x65xf32>
    %mul3A_13 = arith.mulf %mul3A_10, %mul3A_12 : vector<1x65xf32>
    %reduce_sum3A_14 = vector.shape_cast %mul3A_13 : vector<1x65xf32> to vector<1x1x65xf32>
    %reduce_sum3A_15 = arith.constant dense<0.000000e+00> : vector<1xf32>
    %reduce_sum3A_16 = vector.multi_reduction <add>, %reduce_sum3A_14, %reduce_sum3A_15 [1, 2] : vector<1x1x65xf32> to vector<1xf32>
    %reduce_sum3A_17 = vector.shape_cast %reduce_sum3A_16 : vector<1xf32> to vector<1x1x1xf32>
    %reduce_sum3A_18 = vector.extract %reduce_sum3A_17[0, 0, 0] : f32 from vector<1x1x1xf32>
    %slice3A_19 = vector.extract_strided_slice %reduce_sum3A_5 {offsets = [82], sizes = [1], strides = [1]} : vector<288xf32> to vector<1xf32>
    %squeeze3A = vector.extract %slice3A_19[0] : f32 from vector<1xf32>
    %slice3A_20 = vector.extract_strided_slice %reduce_sum3A_5 {offsets = [83], sizes = [1], strides = [1]} : vector<288xf32> to vector<1xf32>
    %squeeze3A_21 = vector.extract %slice3A_20[0] : f32 from vector<1xf32>
    %slice3A_22 = vector.extract_strided_slice %reduce_sum3A_5 {offsets = [84], sizes = [1], strides = [1]} : vector<288xf32> to vector<1xf32>
    %squeeze3A_23 = vector.extract %slice3A_22[0] : f32 from vector<1xf32>
    %slice3A_24 = vector.extract_strided_slice %reduce_sum3A_5 {offsets = [85], sizes = [1], strides = [1]} : vector<288xf32> to vector<1xf32>
    %squeeze3A_25 = vector.extract %slice3A_24[0] : f32 from vector<1xf32>
    %sub3A_26 = arith.subf %reduce_sum3A_18, %squeeze3A : f32
    %sub3A_27 = arith.subf %sub3A_26, %squeeze3A_21 : f32
    %sub3A_28 = arith.subf %sub3A_27, %squeeze3A_23 : f32
    %sub3A_29 = arith.subf %sub3A_28, %squeeze3A_25 : f32
    %broadcast_in_dim3A = vector.broadcast %sub3A_29 : f32 to vector<1xf32>
    %broadcast_in_dim3A_30 = vector.broadcast %squeeze3A : f32 to vector<1xf32>
    %broadcast_in_dim3A_31 = vector.broadcast %squeeze3A_21 : f32 to vector<1xf32>
    %broadcast_in_dim3A_32 = vector.broadcast %squeeze3A_23 : f32 to vector<1xf32>
    %broadcast_in_dim3A_33 = vector.broadcast %squeeze3A_25 : f32 to vector<1xf32>
    %concatenate3A = tpu.concatenate %broadcast_in_dim3A, %broadcast_in_dim3A_30, %broadcast_in_dim3A_31, %broadcast_in_dim3A_32, %broadcast_in_dim3A_33 in 0 : vector<1xf32>, vector<1xf32>, vector<1xf32>, vector<1xf32>, vector<1xf32> -> vector<5xf32>
    %reduce_sum3A_34 = vector.shape_cast %slice3A : vector<65xf32> to vector<1x65xf32>
    %reduce_sum3A_35 = arith.constant dense<0.000000e+00> : vector<1xf32>
    %reduce_sum3A_36 = vector.multi_reduction <add>, %reduce_sum3A_34, %reduce_sum3A_35 [1] : vector<1x65xf32> to vector<1xf32>
    %reduce_sum3A_37 = vector.shape_cast %reduce_sum3A_36 : vector<1xf32> to vector<1x1xf32>
    %reduce_sum3A_38 = vector.extract %reduce_sum3A_37[0, 0] : f32 from vector<1x1xf32>
    %div3A = vector.broadcast %reduce_sum3A_38 : f32 to vector<65xf32>
    %div3A_39 = arith.divf %slice3A, %div3A : vector<65xf32>
    %reduce_sum3A_40 = vector.shape_cast %slice3A_6 : vector<16xf32> to vector<1x16xf32>
    %reduce_sum3A_41 = arith.constant dense<0.000000e+00> : vector<1xf32>
    %reduce_sum3A_42 = vector.multi_reduction <add>, %reduce_sum3A_40, %reduce_sum3A_41 [1] : vector<1x16xf32> to vector<1xf32>
    %reduce_sum3A_43 = vector.shape_cast %reduce_sum3A_42 : vector<1xf32> to vector<1x1xf32>
    %reduce_sum3A_44 = vector.extract %reduce_sum3A_43[0, 0] : f32 from vector<1x1xf32>
    %div3A_45 = vector.broadcast %reduce_sum3A_44 : f32 to vector<16xf32>
    %div3A_46 = arith.divf %slice3A_6, %div3A_45 : vector<16xf32>
    %reduce_sum3A_47 = vector.shape_cast %concatenate3A : vector<5xf32> to vector<1x5xf32>
    %reduce_sum3A_48 = arith.constant dense<0.000000e+00> : vector<1xf32>
    %reduce_sum3A_49 = vector.multi_reduction <add>, %reduce_sum3A_47, %reduce_sum3A_48 [1] : vector<1x5xf32> to vector<1xf32>
    %reduce_sum3A_50 = vector.shape_cast %reduce_sum3A_49 : vector<1xf32> to vector<1x1xf32>
    %reduce_sum3A_51 = vector.extract %reduce_sum3A_50[0, 0] : f32 from vector<1x1xf32>
    %div3A_52 = vector.broadcast %reduce_sum3A_51 : f32 to vector<5xf32>
    %div3A_53 = arith.divf %concatenate3A, %div3A_52 : vector<5xf32>
    %reduce_sum3A_54 = vector.shape_cast %slice3A_7 : vector<190xf32> to vector<1x190xf32>
    %reduce_sum3A_55 = arith.constant dense<0.000000e+00> : vector<1xf32>
    %reduce_sum3A_56 = vector.multi_reduction <add>, %reduce_sum3A_54, %reduce_sum3A_55 [1] : vector<1x190xf32> to vector<1xf32>
    %reduce_sum3A_57 = vector.shape_cast %reduce_sum3A_56 : vector<1xf32> to vector<1x1xf32>
    %reduce_sum3A_58 = vector.extract %reduce_sum3A_57[0, 0] : f32 from vector<1x1xf32>
    %div3A_59 = vector.broadcast %reduce_sum3A_58 : f32 to vector<190xf32>
    %div3A_60 = arith.divf %slice3A_7, %div3A_59 : vector<190xf32>
    %get3A_61 = arith.constant 0 : index
    %get3A_62 = vector.load %arg1[%get3A_61] : memref<65xf32, #tpu.memory_space<vmem>>, vector<65xf32>
    %reduce_sum3A_63 = vector.shape_cast %get3A_62 : vector<65xf32> to vector<1x65xf32>
    %reduce_sum3A_64 = arith.constant dense<0.000000e+00> : vector<1xf32>
    %reduce_sum3A_65 = vector.multi_reduction <add>, %reduce_sum3A_63, %reduce_sum3A_64 [1] : vector<1x65xf32> to vector<1xf32>
    %reduce_sum3A_66 = vector.shape_cast %reduce_sum3A_65 : vector<1xf32> to vector<1x1xf32>
    %reduce_sum3A_67 = vector.extract %reduce_sum3A_66[0, 0] : f32 from vector<1x1xf32>
    %div3A_68 = vector.broadcast %reduce_sum3A_67 : f32 to vector<65xf32>
    %div3A_69 = arith.divf %get3A_62, %div3A_68 : vector<65xf32>
    %get3A_70 = arith.constant 0 : index
    %get3A_71 = vector.load %arg2[%get3A_70] : memref<16xf32, #tpu.memory_space<vmem>>, vector<16xf32>
    %reduce_sum3A_72 = vector.shape_cast %get3A_71 : vector<16xf32> to vector<1x16xf32>
    %reduce_sum3A_73 = arith.constant dense<0.000000e+00> : vector<1xf32>
    %reduce_sum3A_74 = vector.multi_reduction <add>, %reduce_sum3A_72, %reduce_sum3A_73 [1] : vector<1x16xf32> to vector<1xf32>
    %reduce_sum3A_75 = vector.shape_cast %reduce_sum3A_74 : vector<1xf32> to vector<1x1xf32>
    %reduce_sum3A_76 = vector.extract %reduce_sum3A_75[0, 0] : f32 from vector<1x1xf32>
    %div3A_77 = vector.broadcast %reduce_sum3A_76 : f32 to vector<16xf32>
    %div3A_78 = arith.divf %get3A_71, %div3A_77 : vector<16xf32>
    %get3A_79 = arith.constant 0 : index
    %get3A_80 = vector.load %arg3[%get3A_79] : memref<5xf32, #tpu.memory_space<vmem>>, vector<5xf32>
    %reduce_sum3A_81 = vector.shape_cast %get3A_80 : vector<5xf32> to vector<1x5xf32>
    %reduce_sum3A_82 = arith.constant dense<0.000000e+00> : vector<1xf32>
    %reduce_sum3A_83 = vector.multi_reduction <add>, %reduce_sum3A_81, %reduce_sum3A_82 [1] : vector<1x5xf32> to vector<1xf32>
    %reduce_sum3A_84 = vector.shape_cast %reduce_sum3A_83 : vector<1xf32> to vector<1x1xf32>
    %reduce_sum3A_85 = vector.extract %reduce_sum3A_84[0, 0] : f32 from vector<1x1xf32>
    %div3A_86 = vector.broadcast %reduce_sum3A_85 : f32 to vector<5xf32>
    %div3A_87 = arith.divf %get3A_80, %div3A_86 : vector<5xf32>
    %get3A_88 = arith.constant 0 : index
    %get3A_89 = vector.load %arg4[%get3A_88] : memref<190xf32, #tpu.memory_space<vmem>>, vector<190xf32>
    %reduce_sum3A_90 = vector.shape_cast %get3A_89 : vector<190xf32> to vector<1x190xf32>
    %reduce_sum3A_91 = arith.constant dense<0.000000e+00> : vector<1xf32>
    %reduce_sum3A_92 = vector.multi_reduction <add>, %reduce_sum3A_90, %reduce_sum3A_91 [1] : vector<1x190xf32> to vector<1xf32>
    %reduce_sum3A_93 = vector.shape_cast %reduce_sum3A_92 : vector<1xf32> to vector<1x1xf32>
    %reduce_sum3A_94 = vector.extract %reduce_sum3A_93[0, 0] : f32 from vector<1x1xf32>
    %div3A_95 = vector.broadcast %reduce_sum3A_94 : f32 to vector<190xf32>
    %div3A_96 = arith.divf %get3A_89, %div3A_95 : vector<190xf32>
    %swap3A = arith.constant 0 : index
    %swap3A_97 = vector.load %arg5[%swap3A] : memref<65xf32, #tpu.memory_space<vmem>>, vector<65xf32>
    tpu.vector_store %arg5[%swap3A], %div3A_39 {strides = array<i32>} : memref<65xf32, #tpu.memory_space<vmem>>, vector<65xf32>,
    %swap3A_98 = arith.constant 0 : index
    %swap3A_99 = vector.load %arg6[%swap3A_98] : memref<16xf32, #tpu.memory_space<vmem>>, vector<16xf32>
    tpu.vector_store %arg6[%swap3A_98], %div3A_46 {strides = array<i32>} : memref<16xf32, #tpu.memory_space<vmem>>, vector<16xf32>,
    %swap3A_100 = arith.constant 0 : index
    %swap3A_101 = vector.load %arg7[%swap3A_100] : memref<5xf32, #tpu.memory_space<vmem>>, vector<5xf32>
    tpu.vector_store %arg7[%swap3A_100], %div3A_53 {strides = array<i32>} : memref<5xf32, #tpu.memory_space<vmem>>, vector<5xf32>,
    %swap3A_102 = arith.constant 0 : index
    %swap3A_103 = vector.load %arg8[%swap3A_102] : memref<190xf32, #tpu.memory_space<vmem>>, vector<190xf32>
    tpu.vector_store %arg8[%swap3A_102], %div3A_60 {strides = array<i32>} : memref<190xf32, #tpu.memory_space<vmem>>, vector<190xf32>,
    %sub3A_104 = arith.subf %div3A_39, %div3A_69 : vector<65xf32>
    %abs3A = math.absf %sub3A_104 : vector<65xf32>
    %reduce_sum3A_105 = vector.shape_cast %abs3A : vector<65xf32> to vector<1x65xf32>
    %reduce_sum3A_106 = arith.constant dense<0.000000e+00> : vector<1xf32>
    %reduce_sum3A_107 = vector.multi_reduction <add>, %reduce_sum3A_105, %reduce_sum3A_106 [1] : vector<1x65xf32> to vector<1xf32>
    %reduce_sum3A_108 = vector.shape_cast %reduce_sum3A_107 : vector<1xf32> to vector<1x1xf32>
    %reduce_sum3A_109 = vector.extract %reduce_sum3A_108[0, 0] : f32 from vector<1x1xf32>
    %div3A_110 = arith.constant 6.500000e+01 : f32
    %div3A_111 = arith.divf %reduce_sum3A_109, %div3A_110 : f32
    %broadcast_in_dim3A_112 = vector.broadcast %div3A_111 : f32 to vector<1xf32>
    %sub3A_113 = arith.subf %div3A_46, %div3A_78 : vector<16xf32>
    %abs3A_114 = math.absf %sub3A_113 : vector<16xf32>
    %reduce_sum3A_115 = vector.shape_cast %abs3A_114 : vector<16xf32> to vector<1x16xf32>
    %reduce_sum3A_116 = arith.constant dense<0.000000e+00> : vector<1xf32>
    %reduce_sum3A_117 = vector.multi_reduction <add>, %reduce_sum3A_115, %reduce_sum3A_116 [1] : vector<1x16xf32> to vector<1xf32>
    %reduce_sum3A_118 = vector.shape_cast %reduce_sum3A_117 : vector<1xf32> to vector<1x1xf32>
    %reduce_sum3A_119 = vector.extract %reduce_sum3A_118[0, 0] : f32 from vector<1x1xf32>
    %div3A_120 = arith.constant 1.600000e+01 : f32
    %div3A_121 = arith.divf %reduce_sum3A_119, %div3A_120 : f32
    %broadcast_in_dim3A_122 = vector.broadcast %div3A_121 : f32 to vector<1xf32>
    %sub3A_123 = arith.subf %div3A_53, %div3A_87 : vector<5xf32>
    %abs3A_124 = math.absf %sub3A_123 : vector<5xf32>
    %reduce_sum3A_125 = vector.shape_cast %abs3A_124 : vector<5xf32> to vector<1x5xf32>
    %reduce_sum3A_126 = arith.constant dense<0.000000e+00> : vector<1xf32>
    %reduce_sum3A_127 = vector.multi_reduction <add>, %reduce_sum3A_125, %reduce_sum3A_126 [1] : vector<1x5xf32> to vector<1xf32>
    %reduce_sum3A_128 = vector.shape_cast %reduce_sum3A_127 : vector<1xf32> to vector<1x1xf32>
    %reduce_sum3A_129 = vector.extract %reduce_sum3A_128[0, 0] : f32 from vector<1x1xf32>
    %div3A_130 = arith.constant 5.000000e+00 : f32
    %div3A_131 = arith.divf %reduce_sum3A_129, %div3A_130 : f32
    %broadcast_in_dim3A_132 = vector.broadcast %div3A_131 : f32 to vector<1xf32>
    %sub3A_133 = arith.subf %div3A_60, %div3A_96 : vector<190xf32>
    %abs3A_134 = math.absf %sub3A_133 : vector<190xf32>
    %reduce_sum3A_135 = vector.shape_cast %abs3A_134 : vector<190xf32> to vector<1x190xf32>
    %reduce_sum3A_136 = arith.constant dense<0.000000e+00> : vector<1xf32>
    %reduce_sum3A_137 = vector.multi_reduction <add>, %reduce_sum3A_135, %reduce_sum3A_136 [1] : vector<1x190xf32> to vector<1xf32>
    %reduce_sum3A_138 = vector.shape_cast %reduce_sum3A_137 : vector<1xf32> to vector<1x1xf32>
    %reduce_sum3A_139 = vector.extract %reduce_sum3A_138[0, 0] : f32 from vector<1x1xf32>
    %div3A_140 = arith.constant 1.900000e+02 : f32
    %div3A_141 = arith.divf %reduce_sum3A_139, %div3A_140 : f32
    %broadcast_in_dim3A_142 = vector.broadcast %div3A_141 : f32 to vector<1xf32>
    %concatenate3A_143 = tpu.concatenate %broadcast_in_dim3A_112, %broadcast_in_dim3A_122, %broadcast_in_dim3A_132, %broadcast_in_dim3A_142 in 0 : vector<1xf32>, vector<1xf32>, vector<1xf32>, vector<1xf32> -> vector<4xf32>
    %swap3A_144 = arith.constant 0 : index
    %swap3A_145 = vector.load %arg9[%swap3A_144] : memref<4xf32, #tpu.memory_space<vmem>>, vector<4xf32>
    tpu.vector_store %arg9[%swap3A_144], %concatenate3A_143 {strides = array<i32>} : memref<4xf32, #tpu.memory_space<vmem>>, vector<4xf32>,
    return
  }
}

</mosaic_0001>

<sc_bundles>
// kernel: kernel.4.cloned.1.call-start
scs
__scs_entry_jumppad:
0x0: {  	(pc) =	sbr.rel $0x88, $3  }
0x1: {  	(tag) =	ssettag $0x0;
	lr =	simm.s32 $0x1  }
0x2: {  	[smem:$0x3F9A] =	sst lr;
	_ =	strace $0xD0000000  }
0x3: {  	_ = 	snop  }
0x4: {  	_ = 	snop  }
0x5: {  	_ = 	snop  }
0x6: {  	_ = 	snop  }
0x7: {  	_ = 	snop  }
__scs_overlays_trampoline_lowered:
0x8: {  	[smem:$0x3FA9] =	sst s0  }
0x9: {  	[smem:$0x3FAA] =	sst s1  }
0xa: {  	[smem:$0x3FAB] =	sst s2  }
0xb: {  	[smem:$0x3FAC] =	sst s3  }
0xc: {  	[smem:$0x3FAD] =	sst s4  }
0xd: {  	[smem:$0x3FAE] =	sst s5  }
0xe: {  	[smem:$0x3FAF] =	sst s6  }
0xf: {  	[smem:$0x3FB0] =	sst s7  }
0x10: {  	[smem:$0x3FB1] =	sst s8  }
0x11: {  	[smem:$0x3FB2] =	sst s9;
	s0 =	simm.s32 @!p0 $0x0  }
0x12: {  	s1 =	sld [smem:$0x3F98];
	s0 =	simm.s32 @p0 $0x1  }
0x13: {  	[smem:$0x3FB3] =	sst s0;
	s0 =	simm.s32 @!p1 $0x0  }
0x14: {  	s2 =	sld [smem:$0x3F97];
	s0 =	simm.s32 @p1 $0x1  }
0x15: {  	[smem:$0x3FB4] =	sst s0;
	s0 =	simm.s32 @!p2 $0x0  }
0x16: {  	s3 =	sld [smem:$0x3FDB];
	s0 =	simm.s32 @p2 $0x1  }
0x17: {  	s4 =	simm.s32 $0x1BF5;
	[smem:$0x3FB6] =	sst s0  }
0x18: {  	s0 =	sld [smem:$0x3F99];
	_ =	swait.ge [sflag:s4], $0x0  }
0x19: {  	s7 =	sld [smem:$0x3F9A]  }
0x1a: {  	s8 =	sadd.s32 $0xFFFFE003, lr  }
0x1b: {  	s9 =	sadd.s32 $0xFFFFFEF7, lr;
	s5 =	simm.s32 $0xFFFFFFFF;
	p2 =	slt.u32 s8, $0xFFFFF086  }
0x1c: {  	p1 =	slt.u32 s9, $0xF7A;
	s5 =	simm.s32 @!p2 $0x0  }
0x1d: {  	s5 =	simm.s32 @p1 $0x1;
	p0 =	seq.s32 s7, s2  }
0x1e: {  	s7 =	smul.u32 @!p0 $0xF7A, s2;
	p2 =	seq.s32 @!p0 s5, $0x0  }
0x1f: {  	s9 =	smul.u32 $0xF7A, s1;
	s8 =	simm.s32 @!p0 $0x1BF5;
	p2 =	por !p2, p0  }
0x20: {  	[sflag:s8] =	ssyncset.s32 @!p0 $0xFFFFF086;
	s6 =	sadd.s32 @!p0 s3, s7;
	s7 =	simm.s32 @!p0 $0x108  }
0x21: {  	s3 =	sadd.s32 s3, s9;
	s6 =	sadd.s32 @!p0 $0x88, s6;
	s7 =	simm.s32 @p2 $0x1082  }
0x22: {  	[simem:s7], [sflag:s8] =	dma.local @!p0 [hbm:s6], $0xF7A  }
0x23: {  	s9 =	sor.u32 $0xD0000000, s2;
	s6 =	simm.s32 $0x108;
	_ =	swait.ge @!p0 [sflag:s8], $0x0  }
0x24: {  	s3 =	sadd.s32 $0x88, s3;
	s6 =	simm.s32 @!p1 $0x1082;
	[sflag:s4] =	ssyncset.s32 $0xFFFFF086  }
0x25: {  	[simem:s6], [sflag:s4] =	dma.local [hbm:s3], $0xF7A  }
0x26: {  	[smem:$0x3F9A] =	sst s1;
	(tag) =	ssettag s2;
	_ =	strace s9  }
0x27: {  	s1 =	sld [smem:$0x3FAA]  }
0x28: {  	s2 =	sld [smem:$0x3FAB]  }
0x29: {  	s4 =	sld [smem:$0x3FAD]  }
0x2a: {  	p0 =	seq.s32 s5, $0x0;
	s5 =	sld [smem:$0x3FAE]  }
0x2b: {  	s6 =	sld [smem:$0x3FAF]  }
0x2c: {  	s7 =	sld [smem:$0x3FB0]  }
0x2d: {  	s3 =	simm.s32 $0x108;
	s8 =	sld [smem:$0x3FB1]  }
0x2e: {  	s3 =	simm.s32 @!p0 $0x1082;
	s9 =	sld [smem:$0x3FB2]  }
0x2f: {  	lr =	sadd.s32 s0, s3;
	s0 =	sld [smem:$0x3FA9]  }
0x30: {  	s3 =	sld [smem:$0x3FAC]  }
0x31: {  	[smem:$0x3FB5] =	sst s10  }
0x32: {  	s10 =	sld [smem:$0x3FB3];
	_ =	sdelay $0x3  }
0x33: {  	p0 =	seq.s32 s10, $0x1;
	s10 =	sld [smem:$0x3FB5];
	_ =	sdelay $0x3  }
0x34: {  	[smem:$0x3FB5] =	sst s10  }
0x35: {  	s10 =	sld [smem:$0x3FB4];
	_ =	sdelay $0x3  }
0x36: {  	p1 =	seq.s32 s10, $0x1;
	s10 =	sld [smem:$0x3FB5];
	_ =	sdelay $0x3  }
0x37: {  	[smem:$0x3FB5] =	sst s10  }
0x38: {  	s10 =	sld [smem:$0x3FB6]  }
0x39: {  	_ = 	snop;
	(pc) =	sbr.ind lr, $3  }
0x3a: {  	_ = 	snop  }
0x3b: {  	_ = 	snop  }
0x3c: {  	p2 =	seq.s32 s10, $0x1;
	s10 =	sld [smem:$0x3FB5]  }
0x3d: {  	_ =	shalt  }
0x3e: {  	_ =	shalt  }
0x3f: {  	_ =	shalt  }
0x40: {  	_ =	shalt  }
0x41: {  	_ =	shalt  }
0x42: {  	_ =	shalt  }
0x43: {  	_ =	shalt  }
0x44: {  	_ =	shalt  }
0x45: {  	_ =	shalt  }
0x46: {  	_ =	shalt  }
0x47: {  	_ =	shalt  }
0x48: {  	_ =	shalt  }
0x49: {  	_ =	shalt  }
0x4a: {  	_ =	shalt  }
0x4b: {  	_ =	shalt  }
0x4c: {  	_ =	shalt  }
0x4d: {  	_ =	shalt  }
0x4e: {  	_ =	shalt  }
0x4f: {  	_ =	shalt  }
0x50: {  	_ =	shalt  }
0x51: {  	_ =	shalt  }
0x52: {  	_ =	shalt  }
0x53: {  	_ =	shalt  }
0x54: {  	_ =	shalt  }
0x55: {  	_ =	shalt  }
0x56: {  	_ =	shalt  }
0x57: {  	_ =	shalt  }
0x58: {  	_ =	shalt  }
0x59: {  	_ =	shalt  }
0x5a: {  	_ =	shalt  }
0x5b: {  	_ =	shalt  }
0x5c: {  	_ =	shalt  }
0x5d: {  	_ =	shalt  }
0x5e: {  	_ =	shalt  }
0x5f: {  	_ =	shalt  }
0x60: {  	_ =	shalt  }
0x61: {  	_ =	shalt  }
0x62: {  	_ =	shalt  }
0x63: {  	_ =	shalt  }
0x64: {  	_ =	shalt  }
0x65: {  	_ =	shalt  }
0x66: {  	_ =	shalt  }
0x67: {  	_ =	shalt  }
0x68: {  	_ =	shalt  }
0x69: {  	_ =	shalt  }
0x6a: {  	_ =	shalt  }
0x6b: {  	_ =	shalt  }
0x6c: {  	_ =	shalt  }
0x6d: {  	_ =	shalt  }
0x6e: {  	_ =	shalt  }
0x6f: {  	_ =	shalt  }
0x70: {  	_ =	shalt  }
0x71: {  	_ =	shalt  }
0x72: {  	_ =	shalt  }
0x73: {  	_ =	shalt  }
0x74: {  	_ =	shalt  }
0x75: {  	_ =	shalt  }
0x76: {  	_ =	shalt  }
0x77: {  	_ =	shalt  }
0x78: {  	_ =	shalt  }
0x79: {  	_ =	shalt  }
0x7a: {  	_ =	shalt  }
0x7b: {  	_ =	shalt  }
0x7c: {  	_ =	shalt  }
0x7d: {  	_ =	shalt  }
0x7e: {  	_ =	shalt  }
0x7f: {  	_ =	shalt  }
0x80: {  	_ =	shalt  }
0x81: {  	_ =	shalt  }
0x82: {  	_ =	shalt  }
0x83: {  	_ =	shalt  }
0x84: {  	_ =	shalt  }
0x85: {  	_ =	shalt  }
0x86: {  	_ =	shalt  }
0x87: {  	_ =	shalt  }
.Lfunc_end0:
.L_simem_size_0:
called_computation_lowered:
.L_overlay_start_0:
0x88: {  	s2 =	sld [smem:$0x3FD9]  }
0x89: {  	s3 =	sld [smem:$0x3FFE];
	_ =	sdelay $0x1  }
0x8a: {  	s1 =	srdreg.scid  }
0x8b: {  	s0 =	sand.u32 $0x1, s1  }
0x8c: {  	s17 =	sshll.u32 s0, $0xA;
	s2 =	sadd.s32 s3, s2  }
0x8d: {  	s2 =	sadd.s32 s2, s17  }
0x8e: {  	[smem:$0x3FC1] =	sst s2  }
0x8f: {  	_ = 	snop  }
0x90: {  	s2 =	sld [smem:$0x3FC7];
	(tm) =	ssettm $0x1  }
0x91: {  	s18 =	sld [smem:$0x3FFB];
	_ =	sdelay $0x3  }
0x92: {  	_ =	strace s18  }
0x93: {  	s3 =	sld [smem:$0x3FFC];
	_ =	sdelay $0x3  }
0x94: {  	_ =	strace s3  }
0x95: {  	s3 =	sld [smem:$0x3FFD];
	_ =	sdelay $0x3  }
0x96: {  	_ =	strace s3  }
0x97: {  	_ =	strace $0x8FFFFFFF  }
0x98: {  	s19 =	sld [smem:$0x3FDB];
	_ =	sdelay $0x1  }
0x99: {  	s4 =	simm.s32 $_scs_section_size  }
0x9a: {  	s5 =	simm.s32 $_size__tile_overlayer_lowered;
	s6 =	simm.s32 $_tile_overlayer_lowered  }
0x9b: {  	s22 =	simm.s32 $0x1BFF;
	s21 =	sshll.u32 s6, $0x1;
	s3 =	sadd.s32 s4, s19  }
0x9c: {  	s7 =	simm.s32 $0x0;
	s20 =	sshll.u32 s5, $0x1;
	s5 =	sadd.s32 s21, s3  }
0x9d: {  	[timem:s7], [sflag:s22] =	dma.local [hbm:s5], s20  }
0x9e: {  	_ =	swait.ge [sflag:s22], s20  }
0x9f: {  	s4 =	ssub.s32 $0x0, s20;
	[sflag:s22] =	ssyncset.done $0x0  }
0xa0: {  	[sflag:s22] =	ssyncadd.s32 s4;
	_ =	sdelay $0x1  }
0xa1: {  	s23 =	simm.s32 $0x1B8B  }
0xa2: {  	_ =	swait.ge [sflag:s23], $0x1  }
0xa3: {  	[sflag:s23] =	ssyncset.done $0x0  }
0xa4: {  	s25 =	simm.s32 $0x1B8E;
	s24 =	sld [smem:$0x3FFE];
	[sflag:s23] =	ssyncadd.s32 $0xFFFFFFFF  }
0xa5: {  	s26 =	simm.s32 $execute0_lowered;
	[smem:$0x3FD2] =	sst s25  }
0xa6: {  	s5 =	sshll.u32 s26, $0x1;
	_ =	strace $0x80000046;
	[dreg:$0x1] =	wrdreg $0xFFFFFFFF  }
0xa7: {  	s28 =	simm.s32 $_size_execute0_lowered;
	s3 =	sadd.s32 s3, s5;
	[dreg:$0x0] =	wrdreg $0x0  }
0xa8: {  	s5 =	sshll.u32 s28, $0x1;
	[dreg:$0x2] =	wrdreg s3  }
0xa9: {  	[dreg:$0x3] =	wrdreg s5  }
0xaa: {  	[dreg:$0x4] =	wrdreg $0xC0  }
0xab: {  	_ =	task [dreg:s7], $0x5FFFF  }
0xac: {  	[dreg:$0x1] =	wrdreg $0xFFFFFFFF  }
0xad: {  	[dreg:$0x0] =	wrdreg $0x60  }
0xae: {  	[dreg:$0x2] =	wrdreg s24  }
0xaf: {  	[dreg:$0x3] =	wrdreg s2  }
0xb0: {  	[dreg:$0x4] =	wrdreg $0x9  }
0xb1: {  	_ =	task.clear_ibuf [dreg:s7], $0x5FFFF;
	_ =	strace $0x90000046  }
0xb2: {  	s29 =	simm.s32 $0x9;
	_ =	strace $0x80000048  }
0xb3: {  	_ =	swait.ge [sflag:s29], $0x1  }
0xb4: {  	[sflag:s29] =	ssyncadd.s32 $0xFFFFFFFF  }
0xb5: {  	_ =	strace $0x90000048  }
0xb6: {  	_ =	sfence  }
0xb7: {  	s30 =	sld [smem:$0x0];
	_ =	sdelay $0x2  }
0xb8: {  	s31 =	sshll.u32 s1, $0xD;
	s1 =	sshrl.u32 s1, $0x2  }
0xb9: {  	s3 =	sand.u32 $0x4000, s31;
	s1 =	sadd.s32 s1, s30  }
0xba: {  	s0 =	sor.u32 s3, s0;
	s1 =	sshll.u32 s1, $0x11  }
0xbb: {  	s0 =	sor.u32 s1, s0  }
0xbc: {  	s0 =	sadd.s32 $0x8F2B, s0  }
0xbd: {  	[sflag:s0] =	ssyncadd.remote.s32 $0x1  }
0xbe: {  	_ =	sfence.sel $0xFFFF  }
0xbf: {  	[dreg:$0x0] =	wrdreg $0xFFFFFFFF;
	(pc) =	sbr.abs _section_cstart, $3  }
0xc0: {  	[dreg:$0x1] =	wrdreg $0xFFFFFFFF  }
0xc1: {  	_ =	task.clear_ibuf [dreg:s7], $0x2FFFF;
	_ =	strace $0x9FFFFFFF  }
0xc2: {  	(tm) =	ssettm $0x7FFFFFFF  }
0xc3: {  	_ =	shalt  }
tec
execute0_lowered:
.L_overlay_start_1:
0x0: {  	(tag) =	ssettag $0x1  }
0x1: {  	s0 =	rddreg [dreg:$0x0]  }
0x2: {  	s1 =	rddreg [dreg:$0x1]  }
0x3: {  	s2 =	srdreg.scid;
	s10 =	stileid.u32;
	s28 =	simm.s32 $0x6000  }
0x4: {  	s29 =	simm.s32 $0x1;
	s30 =	simm.s32 $0x2;
	s31 =	simm.s32 $0x3  }
0x5: {  	s5 =	sand.u32 $0x1, s2;
	s3 =	sshll.u32 s10, $0x1;
	s2 =	simm.s32 $0x0  }
0x6: {  	s24 =	sshrl.u32 s10, $0x2;
	s21 =	sshll.u32 s10, $0x9;
	s23 =	sshll.u32 s10, $0x12  }
0x7: {  	s4 =	sor.u32 s5, s3;
	[smem:$0x7FF] =	sst s2;
	s6 =	smul.u32 $0x9000, s24  }
0x8: {  	s3 =	sadd.s32 $0x10C00, s0;
	s11 =	ssub.s32 $0x2, s5;
	s22 =	sshll.u32 s5, $0x8  }
0x9: {  	s5 =	sshll.u32 s5, $0x11;
	s25 =	sshll.u32 s4, $0x7;
	_ =	strace $0x80000047  }
0xa: {  	s8 =	sshll.u32 s4, $0xB;
	s12 =	sshrl.u32 s11, $0x1;
	s9 =	sshll.u32 s4, $0x11  }
0xb: {  	s13 =	sshll.u32 s4, $0x5;
	s24 =	sadd.s32 s23, s3;
	s23 =	simm.s32 $0x2000  }
0xc: {  	s7 =	sand.u32 $0x380, s25;
	s26 =	sadd.s32 s8, s0;
	s1 =	sadd.s32 s1, s13  }
0xd: {  	s4 =	sadd.s32 s3, s9;
	[dreg:$0x5] =	wrdreg s1;
	s14 =	sadd.s32 $0xC00, s26  }
0xe: {  	s25 =	sadd.s32 s5, s24;
	s15 =	sadd.s32 $0x10, s4;
	[dreg:$0x6] =	wrdreg s14  }
0xf: {  	s24 =	simm.s32 $0x3000;
	s16 =	sadd.s32 $0x20, s4;
	[dreg:$0x7] =	wrdreg s15  }
0x10: {  	s5 =	simm.s32 $0x7;
	s17 =	sadd.s32 $0x30, s4;
	[dreg:$0x8] =	wrdreg s16  }
0x11: {  	s6 =	sor.u32 s6, s7;
	s18 =	sadd.s32 $0x40, s4;
	[dreg:$0x9] =	wrdreg s17  }
0x12: {  	s19 =	sadd.s32 $0x50, s4;
	s20 =	sadd.s32 $0x60, s4;
	[dreg:$0xa] =	wrdreg s18  }
0x13: {  	s26 =	simm.s32 $0x7000;
	s1 =	simm.s32 $0x5;
	[dreg:$0xb] =	wrdreg s19  }
0x14: {  	s7 =	simm.s32 $0x0;
	s6 =	sshrl.u32 s6, $0x3;
	[dreg:$0xc] =	wrdreg s20  }
0x15: {  	s16 =	simm.s32 $0xC000;
	s17 =	simm.s32 $0x9;
	s19 =	simm.s32 $0xC100  }
0x16: {  	v0 =	vimm.s32 $0x100;
	s20 =	simm.s32 $0x80;
	[dreg:$0x4] =	wrdreg s26;
	s26 =	simm.s32 $0x5000  }
0x17: {  	vm0 =	vcmask $0x700;
	vm14 =	vcmask $0xB08;
	v0 =	vunpack.c.0.s8.s32 v0;
	s18 =	simm.s32 $0x6;
	s0 =	sadd.s32 s6, s0;
	s6 =	ssub.s32 s11, s12  }
0x18: {  	vm15 =	vcmask $0xF0C;
	v2 =	vlaneseq.u32;
	v3 =	vimm.f32 $1.000000000e+00;
	s11 =	sadd.s32 $0x70, s25;
	s25 =	simm.s32 $0x4000;
	s0 =	sadd.s32 $0x410C00, s0  }
0x19: {  	v4 =	vor.u32 $0x10, v2;
	v5 =	vor.u32 $0x20, v2;
	v0 =	vnsel vm0, $0x1000000, v0;
	s6 =	smax.u32 s6, $0x1;
	[dreg:$0xd] =	wrdreg s0;
	s0 =	sor.u32 s22, s21  }
0x1a: {  	v6 =	vor.u32 $0x30, v2;
	v7 =	vor.u32 $0x560, v2;
	v1 =	vsel vm14, $0x100, v0;
	[dreg:$0xe] =	wrdreg s6;
	s21 =	simm.s32 $0x400;
	s22 =	simm.s32 $0x1000  }
0x1b: {  	v8 =	vor.u32 $0x410, v2;
	v0 =	vimm.f32 $0.0e+00;
	v1 =	vsel vm15, $0x10000, v1;
	s6 =	simm.s32 $0x8;
	[dreg:$0x3] =	wrdreg s0;
	s0 =	simm.s32 $0x4  }
.LBB2_1:
0x1c: {  	s8 =	simm.s32 $0x40;
	s9 =	simm.s32 $0x0  }
.LBB2_2:
0x1d: {  	p0 =	sne.s32 s8, $0x47C0;
	[tilespmem:s9+$0xC100] =	vst v0;
	s9 =	smov.u32 s8;
	s8 =	sadd.s32 $0x40, s8  }
.Ltmp0:
0x1e: {  	(pc) =	sbr.rel @p0 .LBB2_2-.Ltmp0, $2  }
0x1f: {  	_ =	sdelay $0x2  }
0x20: {  	s9 =	sshra.s32 s9, $0x2  }
0x21: {  	[tilespmem:s9+$0xC100] =	vst v0;
	s8 =	simm.s32 $0x0;
	s13 =	rddreg [dreg:$0x5]  }
0x22: {  	[tilespmem:s16], [sflag:$0x9] =	stream.linear.gather [hbm4b:s13+s8], $0x100, $0x38;
	[tilespmem:$0xD380] =	vst v63  }
0x23: {  	_ =	swait.ge [sflag:s17], $0x100  }
0x24: {  	[sflag:s17] =	ssyncset.done $0x0  }
0x25: {  	s10 =	simm.s32 $0x8000;
	s14 =	rddreg [dreg:$0x6];
	[sflag:s17] =	ssyncadd.s32 $0xFFFFFF00  }
0x26: {  	[tilespmem:s10], [sflag:$0x9] =	stream.linear.gather [hbm4b:s14+s8], $0x4000, $0x38;
	[tilespmem:$0xD380] =	vst v63  }
0x27: {  	_ =	swait.ge [sflag:s17], $0x4000  }
0x28: {  	[sflag:s17] =	ssyncset.done $0x0  }
0x29: {  	[sflag:s17] =	ssyncadd.s32 $0xFFFFC000  }
0x2a: {  	v9 =	vld [tilespmem:$0xC000];
	_ =	sdelay $0x4  }
0x2b: {  	v9 =	vshll.u32 v9, $0x4  }
0x2c: {  	v9 =	vor.u32 v2, v9;
	_ =	sdelay $0x3  }
0x2d: {  	[tilespmem:$0xD300] =	vst v1  }
0x2e: {  	[tilespmem:v9+s19+$0x0] =	vst.idx.add.f32.msk $0xffff, v3  }
0x2f: {  	v9 =	vld [tilespmem:$0xC010];
	_ =	sdelay $0x4  }
0x30: {  	v9 =	vshll.u32 v9, $0x4  }
0x31: {  	v9 =	vor.u32 v2, v9;
	_ =	sdelay $0x4  }
0x32: {  	[tilespmem:v9+s19+$0x0] =	vst.idx.add.f32.msk $0xffff, v3  }
0x33: {  	v9 =	vld [tilespmem:$0xC020];
	_ =	sdelay $0x4  }
0x34: {  	v9 =	vshll.u32 v9, $0x4  }
0x35: {  	v9 =	vor.u32 v2, v9;
	_ =	sdelay $0x4  }
0x36: {  	[tilespmem:v9+s19+$0x0] =	vst.idx.add.f32.msk $0xffff, v3  }
0x37: {  	v9 =	vld [tilespmem:$0xC030];
	_ =	sdelay $0x4  }
0x38: {  	v9 =	vshll.u32 v9, $0x4  }
0x39: {  	v9 =	vor.u32 v2, v9;
	_ =	sdelay $0x4  }
0x3a: {  	[tilespmem:v9+s19+$0x0] =	vst.idx.add.f32.msk $0xffff, v3  }
0x3b: {  	v9 =	vld [tilespmem:$0xC040];
	_ =	sdelay $0x4  }
0x3c: {  	v9 =	vshll.u32 v9, $0x4  }
0x3d: {  	v9 =	vor.u32 v2, v9;
	_ =	sdelay $0x4  }
0x3e: {  	[tilespmem:v9+s19+$0x0] =	vst.idx.add.f32.msk $0xffff, v3  }
0x3f: {  	v9 =	vld [tilespmem:$0xC050];
	_ =	sdelay $0x4  }
0x40: {  	v9 =	vshll.u32 v9, $0x4  }
0x41: {  	v9 =	vor.u32 v2, v9;
	_ =	sdelay $0x4  }
0x42: {  	[tilespmem:v9+s19+$0x0] =	vst.idx.add.f32.msk $0xffff, v3  }
0x43: {  	v9 =	vld [tilespmem:$0xC060];
	_ =	sdelay $0x4  }
0x44: {  	v9 =	vshll.u32 v9, $0x4  }
0x45: {  	v9 =	vor.u32 v2, v9;
	_ =	sdelay $0x4  }
0x46: {  	[tilespmem:v9+s19+$0x0] =	vst.idx.add.f32.msk $0xffff, v3  }
0x47: {  	v9 =	vld [tilespmem:$0xC070];
	_ =	sdelay $0x4  }
0x48: {  	v9 =	vshll.u32 v9, $0x4  }
0x49: {  	v9 =	vor.u32 v2, v9;
	_ =	sdelay $0x4  }
0x4a: {  	[tilespmem:v9+s19+$0x0] =	vst.idx.add.f32.msk $0xffff, v3  }
0x4b: {  	v9 =	vld [tilespmem:$0xC080];
	_ =	sdelay $0x4  }
0x4c: {  	v9 =	vshll.u32 v9, $0x4  }
0x4d: {  	v9 =	vor.u32 v2, v9;
	_ =	sdelay $0x4  }
0x4e: {  	[tilespmem:v9+s19+$0x0] =	vst.idx.add.f32.msk $0xffff, v3  }
0x4f: {  	v9 =	vld [tilespmem:$0xC090];
	_ =	sdelay $0x4  }
0x50: {  	v9 =	vshll.u32 v9, $0x4  }
0x51: {  	v9 =	vor.u32 v2, v9;
	_ =	sdelay $0x4  }
0x52: {  	[tilespmem:v9+s19+$0x0] =	vst.idx.add.f32.msk $0xffff, v3  }
0x53: {  	v9 =	vld [tilespmem:$0xC0A0];
	_ =	sdelay $0x4  }
0x54: {  	v9 =	vshll.u32 v9, $0x4  }
0x55: {  	v9 =	vor.u32 v2, v9;
	_ =	sdelay $0x4  }
0x56: {  	[tilespmem:v9+s19+$0x0] =	vst.idx.add.f32.msk $0xffff, v3  }
0x57: {  	v9 =	vld [tilespmem:$0xC0B0];
	_ =	sdelay $0x4  }
0x58: {  	v9 =	vshll.u32 v9, $0x4  }
0x59: {  	v9 =	vor.u32 v2, v9;
	_ =	sdelay $0x4  }
0x5a: {  	[tilespmem:v9+s19+$0x0] =	vst.idx.add.f32.msk $0xffff, v3  }
0x5b: {  	v9 =	vld [tilespmem:$0xC0C0];
	_ =	sdelay $0x4  }
0x5c: {  	v9 =	vshll.u32 v9, $0x4  }
0x5d: {  	v9 =	vor.u32 v2, v9;
	_ =	sdelay $0x4  }
0x5e: {  	[tilespmem:v9+s19+$0x0] =	vst.idx.add.f32.msk $0xffff, v3  }
0x5f: {  	v9 =	vld [tilespmem:$0xC0D0];
	_ =	sdelay $0x4  }
0x60: {  	v9 =	vshll.u32 v9, $0x4  }
0x61: {  	v9 =	vor.u32 v2, v9;
	_ =	sdelay $0x4  }
0x62: {  	[tilespmem:v9+s19+$0x0] =	vst.idx.add.f32.msk $0xffff, v3  }
0x63: {  	v9 =	vld [tilespmem:$0xC0E0];
	_ =	sdelay $0x4  }
0x64: {  	v9 =	vshll.u32 v9, $0x4  }
0x65: {  	v9 =	vor.u32 v2, v9;
	_ =	sdelay $0x4  }
0x66: {  	[tilespmem:v9+s19+$0x0] =	vst.idx.add.f32.msk $0xffff, v3  }
0x67: {  	v9 =	vld [tilespmem:$0xC0F0];
	_ =	sdelay $0x4  }
0x68: {  	v9 =	vshll.u32 v9, $0x4  }
0x69: {  	v9 =	vor.u32 v2, v9;
	_ =	sdelay $0x4  }
0x6a: {  	[tilespmem:v9+s19+$0x0] =	vst.idx.add.f32.msk $0xffff, v3  }
0x6b: {  	[tilespmem:s8], [sflag:$0x1] =	stream.strided.gather [hbm4b:s4+s20], $0x1000, s21, s20, $0x38;
	[tilespmem:$0xD380] =	vst v63  }
0x6c: {  	s15 =	rddreg [dreg:$0x7]  }
0x6d: {  	[tilespmem:s22], [sflag:$0x2] =	stream.strided.gather [hbm4b:s15+s20], $0x1000, s21, s20, $0x38;
	[tilespmem:$0xD380] =	vst v63  }
0x6e: {  	s10 =	rddreg [dreg:$0x8]  }
0x6f: {  	[tilespmem:s23], [sflag:$0x3] =	stream.strided.gather [hbm4b:s10+s20], $0x1000, s21, s20, $0x38;
	[tilespmem:$0xD380] =	vst v63  }
0x70: {  	s12 =	rddreg [dreg:$0x9]  }
0x71: {  	[tilespmem:s24], [sflag:$0x4] =	stream.strided.gather [hbm4b:s12+s20], $0x1000, s21, s20, $0x38;
	[tilespmem:$0xD380] =	vst v63  }
0x72: {  	s13 =	rddreg [dreg:$0xa]  }
0x73: {  	[tilespmem:s25], [sflag:$0x5] =	stream.strided.gather [hbm4b:s13+s20], $0x1000, s21, s20, $0x38;
	[tilespmem:$0xD380] =	vst v63  }
0x74: {  	s14 =	rddreg [dreg:$0xb]  }
0x75: {  	[tilespmem:s26], [sflag:$0x6] =	stream.strided.gather [hbm4b:s14+s20], $0x1000, s21, s20, $0x38;
	[tilespmem:$0xD380] =	vst v63  }
0x76: {  	s15 =	rddreg [dreg:$0xc]  }
0x77: {  	[tilespmem:s28], [sflag:$0x7] =	stream.strided.gather [hbm4b:s15+s20], $0x1000, s21, s20, $0x38;
	[tilespmem:$0xD380] =	vst v63  }
0x78: {  	s9 =	simm.s32 $0x1C0;
	s10 =	simm.s32 $0x8100;
	s15 =	smov.u32 s11  }
.LBB2_4:
0x79: {  	v9 =	vmov s8  }
0x7a: {  	v9 =	vand.u32 $0xFFFFFFF8, v9  }
0x7b: {  	v9 =	vbroadcast v9, $0x0;
	_ =	sdelay $0x1  }
0x7c: {  	_ =	swait.ge [sflag:s29], $0x1000  }
0x7d: {  	[sflag:s29] =	ssyncset.done $0x0  }
0x7e: {  	s12 =	rddreg [dreg:$0x4];
	[sflag:s29] =	ssyncadd.s32 $0xFFFFF000  }
0x7f: {  	[tilespmem:s12], [sflag:$0x8] =	stream.strided.gather [hbm4b:s15+s20], $0x1000, s21, s20, $0x38;
	[tilespmem:$0xD380] =	vst v63  }
0x80: {  	v9 =	vld.idx.msk [tilespmem:v9+s16+$0x0], $0xffff;
	_ =	sdelay $0x4  }
0x81: {  	vm0 =	vgt.s32 v9, v2;
	_ =	sdelay $0x5  }
0x82: {  	[tilespmem:v7+s19+$0x0] =	vst.idx.add.f32.msk vm0, v3  }
0x83: {  	v10 =	vld [tilespmem:s10+$0xFFFFFF00];
	_ =	sdelay $0x4  }
0x84: {  	v10 =	vshll.u32 v10, $0x4  }
0x85: {  	vm1 =	vgt.s32 v9, v4;
	v10 =	vadd.s32 v8, v10;
	_ =	sdelay $0x4  }
0x86: {  	[tilespmem:v10+s19+$0x0] =	vst.idx.add.f32.msk vm0, v3  }
0x87: {  	[tilespmem:v7+s19+$0x0] =	vst.idx.add.f32.msk vm1, v3  }
0x88: {  	v10 =	vld [tilespmem:s10+$0xFFFFFF10];
	_ =	sdelay $0x4  }
0x89: {  	v10 =	vshll.u32 v10, $0x4  }
0x8a: {  	vm10 =	vgt.s32 v9, v5;
	v10 =	vadd.s32 v8, v10;
	_ =	sdelay $0x4  }
0x8b: {  	[tilespmem:v10+s19+$0x0] =	vst.idx.add.f32.msk vm1, v3  }
0x8c: {  	[tilespmem:v7+s19+$0x0] =	vst.idx.add.f32.msk vm10, v3  }
0x8d: {  	v10 =	vld [tilespmem:s10+$0xFFFFFF20];
	_ =	sdelay $0x4  }
0x8e: {  	v10 =	vshll.u32 v10, $0x4  }
0x8f: {  	vm11 =	vgt.s32 v9, v6;
	v9 =	vadd.s32 v8, v10;
	_ =	sdelay $0x4  }
0x90: {  	[tilespmem:v9+s19+$0x0] =	vst.idx.add.f32.msk vm10, v3  }
0x91: {  	[tilespmem:v7+s19+$0x0] =	vst.idx.add.f32.msk vm11, v3  }
0x92: {  	v9 =	vld [tilespmem:s10+$0xFFFFFF30];
	_ =	sdelay $0x4  }
0x93: {  	v9 =	vshll.u32 v9, $0x4  }
0x94: {  	v9 =	vadd.s32 v8, v9;
	_ =	sdelay $0x4  }
0x95: {  	[tilespmem:v9+s19+$0x0] =	vst.idx.add.f32.msk vm11, v3  }
0x96: {  	_ =	swait.ge [sflag:s30], $0x1000  }
0x97: {  	s13 =	rddreg [dreg:$0x3]  }
0x98: {  	s12 =	sadd.s32 s8, s13;
	s13 =	sadd.s32 $0x1, s8  }
0x99: {  	s14 =	sadd.s32 $0x8, s12;
	v9 =	vmov s13  }
0x9a: {  	p0 =	slt.s32 s14, $0x1FFF;
	v9 =	vand.u32 $0xFFFFFFF9, v9  }
0x9b: {  	s14 =	simm.s32 @!p0 $0x1FFF;
	v9 =	vbroadcast v9, $0x0  }
0x9c: {  	s13 =	sshll.u32 s14, $0x4  }
0x9d: {  	s14 =	sshll.u32 s14, $0x9;
	s13 =	sand.u32 $0x70, s13  }
0x9e: {  	[sflag:s30] =	ssyncset.done $0x0;
	s14 =	sand.u32 $0x3FF000, s14;
	s13 =	sadd.s32 s3, s13  }
0x9f: {  	[sflag:s30] =	ssyncadd.s32 $0xFFFFF000;
	s13 =	sadd.s32 s14, s13  }
0xa0: {  	[tilespmem:s2], [sflag:$0x1] =	stream.strided.gather [hbm4b:s13+s20], $0x1000, s21, s20, $0x38;
	[tilespmem:$0xD380] =	vst v63  }
0xa1: {  	v9 =	vld.idx.msk [tilespmem:v9+s16+$0x0], $0xffff;
	_ =	sdelay $0x4  }
0xa2: {  	vm12 =	vgt.s32 v9, v2;
	_ =	sdelay $0x5  }
0xa3: {  	[tilespmem:v7+s19+$0x0] =	vst.idx.add.f32.msk vm12, v3  }
0xa4: {  	v10 =	vld [tilespmem:s10+$0xFFFFFF40];
	_ =	sdelay $0x4  }
0xa5: {  	v10 =	vshll.u32 v10, $0x4  }
0xa6: {  	vm13 =	vgt.s32 v9, v4;
	v10 =	vadd.s32 v8, v10;
	_ =	sdelay $0x4  }
0xa7: {  	s13 =	sadd.s32 $0xFFFFFE80, s9;
	[tilespmem:v10+s19+$0x0] =	vst.idx.add.f32.msk vm12, v3  }
0xa8: {  	s14 =	sor.u32 $0x50, s13;
	[tilespmem:v7+s19+$0x0] =	vst.idx.add.f32.msk vm13, v3  }
0xa9: {  	v10 =	vld [tilespmem:s14+$0x8000];
	_ =	sdelay $0x4  }
0xaa: {  	v10 =	vshll.u32 v10, $0x4  }
0xab: {  	vm14 =	vgt.s32 v9, v5;
	v10 =	vadd.s32 v8, v10;
	_ =	sdelay $0x4  }
0xac: {  	[tilespmem:v10+s19+$0x0] =	vst.idx.add.f32.msk vm13, v3  }
0xad: {  	s14 =	sor.u32 $0x60, s13;
	[tilespmem:v7+s19+$0x0] =	vst.idx.add.f32.msk vm14, v3  }
0xae: {  	v10 =	vld [tilespmem:s14+$0x8000];
	_ =	sdelay $0x4  }
0xaf: {  	v10 =	vshll.u32 v10, $0x4  }
0xb0: {  	vm15 =	vgt.s32 v9, v6;
	v9 =	vadd.s32 v8, v10;
	_ =	sdelay $0x4  }
0xb1: {  	[tilespmem:v9+s19+$0x0] =	vst.idx.add.f32.msk vm14, v3  }
0xb2: {  	s13 =	sor.u32 $0x70, s13;
	[tilespmem:v7+s19+$0x0] =	vst.idx.add.f32.msk vm15, v3  }
0xb3: {  	v9 =	vld [tilespmem:s13+$0x8000];
	_ =	sdelay $0x4  }
0xb4: {  	v9 =	vshll.u32 v9, $0x4  }
0xb5: {  	v9 =	vadd.s32 v8, v9  }
0xb6: {  	s13 =	sadd.s32 $0x2, s8  }
0xb7: {  	s14 =	sadd.s32 $0x9, s12;
	v10 =	vmov s13  }
0xb8: {  	p0 =	slt.s32 s14, $0x1FFF;
	v10 =	vand.u32 $0xFFFFFFFA, v10  }
0xb9: {  	s14 =	simm.s32 @!p0 $0x1FFF;
	v10 =	vbroadcast v10, $0x0  }
0xba: {  	s13 =	sshll.u32 s14, $0x4;
	[tilespmem:v9+s19+$0x0] =	vst.idx.add.f32.msk vm15, v3  }
0xbb: {  	s14 =	sshll.u32 s14, $0x9;
	s13 =	sand.u32 $0x70, s13;
	_ =	swait.ge [sflag:s31], $0x1000  }
0xbc: {  	s14 =	sand.u32 $0x3FF000, s14;
	s13 =	sadd.s32 s3, s13;
	[sflag:s31] =	ssyncset.done $0x0  }
0xbd: {  	s13 =	sadd.s32 s14, s13;
	[sflag:s31] =	ssyncadd.s32 $0xFFFFF000  }
0xbe: {  	[tilespmem:s22], [sflag:$0x2] =	stream.strided.gather [hbm4b:s13+s20], $0x1000, s21, s20, $0x38;
	[tilespmem:$0xD380] =	vst v63  }
0xbf: {  	v9 =	vld.idx.msk [tilespmem:v10+s16+$0x0], $0xffff;
	_ =	sdelay $0x4  }
0xc0: {  	vm4 =	vgt.s32 v9, v2;
	_ =	sdelay $0x5  }
0xc1: {  	[tilespmem:v7+s19+$0x0] =	vst.idx.add.f32.msk vm4, v3  }
0xc2: {  	v10 =	vld [tilespmem:s10+$0xFFFFFF80];
	_ =	sdelay $0x4  }
0xc3: {  	v10 =	vshll.u32 v10, $0x4  }
0xc4: {  	vm5 =	vgt.s32 v9, v4;
	v10 =	vadd.s32 v8, v10;
	_ =	sdelay $0x4  }
0xc5: {  	[tilespmem:v10+s19+$0x0] =	vst.idx.add.f32.msk vm4, v3  }
0xc6: {  	[tilespmem:v7+s19+$0x0] =	vst.idx.add.f32.msk vm5, v3  }
0xc7: {  	v10 =	vld [tilespmem:s10+$0xFFFFFF90];
	_ =	sdelay $0x4  }
0xc8: {  	v10 =	vshll.u32 v10, $0x4  }
0xc9: {  	vm6 =	vgt.s32 v9, v5;
	v10 =	vadd.s32 v8, v10;
	_ =	sdelay $0x4  }
0xca: {  	[tilespmem:v10+s19+$0x0] =	vst.idx.add.f32.msk vm5, v3  }
0xcb: {  	[tilespmem:v7+s19+$0x0] =	vst.idx.add.f32.msk vm6, v3  }
0xcc: {  	v10 =	vld [tilespmem:s10+$0xFFFFFFA0];
	_ =	sdelay $0x4  }
0xcd: {  	v10 =	vshll.u32 v10, $0x4  }
0xce: {  	vm7 =	vgt.s32 v9, v6;
	v9 =	vadd.s32 v8, v10;
	_ =	sdelay $0x4  }
0xcf: {  	[tilespmem:v9+s19+$0x0] =	vst.idx.add.f32.msk vm6, v3  }
0xd0: {  	[tilespmem:v7+s19+$0x0] =	vst.idx.add.f32.msk vm7, v3  }
0xd1: {  	v9 =	vld [tilespmem:s10+$0xFFFFFFB0];
	_ =	sdelay $0x4  }
0xd2: {  	v9 =	vshll.u32 v9, $0x4  }
0xd3: {  	v9 =	vadd.s32 v8, v9  }
0xd4: {  	s13 =	sadd.s32 $0x3, s8  }
0xd5: {  	s14 =	sadd.s32 $0xA, s12;
	v10 =	vmov s13  }
0xd6: {  	p0 =	slt.s32 s14, $0x1FFF;
	v10 =	vand.u32 $0xFFFFFFFB, v10  }
0xd7: {  	s14 =	simm.s32 @!p0 $0x1FFF;
	v10 =	vbroadcast v10, $0x0  }
0xd8: {  	s13 =	sshll.u32 s14, $0x4;
	[tilespmem:v9+s19+$0x0] =	vst.idx.add.f32.msk vm7, v3  }
0xd9: {  	s14 =	sshll.u32 s14, $0x9;
	s13 =	sand.u32 $0x70, s13;
	_ =	swait.ge [sflag:s0], $0x1000  }
0xda: {  	s14 =	sand.u32 $0x3FF000, s14;
	s13 =	sadd.s32 s3, s13;
	[sflag:s0] =	ssyncset.done $0x0  }
0xdb: {  	s13 =	sadd.s32 s14, s13;
	[sflag:s0] =	ssyncadd.s32 $0xFFFFF000  }
0xdc: {  	[tilespmem:s23], [sflag:$0x3] =	stream.strided.gather [hbm4b:s13+s20], $0x1000, s21, s20, $0x38;
	[tilespmem:$0xD380] =	vst v63  }
0xdd: {  	v9 =	vld.idx.msk [tilespmem:v10+s16+$0x0], $0xffff;
	_ =	sdelay $0x4  }
0xde: {  	vm8 =	vgt.s32 v9, v2;
	_ =	sdelay $0x5  }
0xdf: {  	[tilespmem:v7+s19+$0x0] =	vst.idx.add.f32.msk vm8, v3  }
0xe0: {  	v10 =	vld [tilespmem:s10+$0xFFFFFFC0];
	_ =	sdelay $0x4  }
0xe1: {  	v10 =	vshll.u32 v10, $0x4  }
0xe2: {  	vm9 =	vgt.s32 v9, v4;
	v10 =	vadd.s32 v8, v10;
	_ =	sdelay $0x4  }
0xe3: {  	s13 =	sadd.s32 $0xFFFFFF00, s9;
	[tilespmem:v10+s19+$0x0] =	vst.idx.add.f32.msk vm8, v3  }
0xe4: {  	s14 =	sor.u32 $0x50, s13;
	[tilespmem:v7+s19+$0x0] =	vst.idx.add.f32.msk vm9, v3  }
0xe5: {  	v10 =	vld [tilespmem:s14+$0x8000];
	_ =	sdelay $0x4  }
0xe6: {  	v10 =	vshll.u32 v10, $0x4  }
0xe7: {  	vm10 =	vgt.s32 v9, v5;
	v10 =	vadd.s32 v8, v10;
	_ =	sdelay $0x4  }
0xe8: {  	[tilespmem:v10+s19+$0x0] =	vst.idx.add.f32.msk vm9, v3  }
0xe9: {  	s14 =	sor.u32 $0x60, s13;
	[tilespmem:v7+s19+$0x0] =	vst.idx.add.f32.msk vm10, v3  }
0xea: {  	v10 =	vld [tilespmem:s14+$0x8000];
	_ =	sdelay $0x4  }
0xeb: {  	v10 =	vshll.u32 v10, $0x4  }
0xec: {  	vm11 =	vgt.s32 v9, v6;
	v9 =	vadd.s32 v8, v10;
	_ =	sdelay $0x4  }
0xed: {  	[tilespmem:v9+s19+$0x0] =	vst.idx.add.f32.msk vm10, v3  }
0xee: {  	s13 =	sor.u32 $0x70, s13;
	[tilespmem:v7+s19+$0x0] =	vst.idx.add.f32.msk vm11, v3  }
0xef: {  	v9 =	vld [tilespmem:s13+$0x8000];
	_ =	sdelay $0x4  }
0xf0: {  	v9 =	vshll.u32 v9, $0x4  }
0xf1: {  	v9 =	vadd.s32 v8, v9  }
0xf2: {  	s13 =	sadd.s32 $0x4, s8  }
0xf3: {  	s14 =	sadd.s32 $0xB, s12;
	v10 =	vmov s13  }
0xf4: {  	p0 =	slt.s32 s14, $0x1FFF;
	v10 =	vand.u32 $0xFFFFFFFC, v10  }
0xf5: {  	s14 =	simm.s32 @!p0 $0x1FFF;
	v10 =	vbroadcast v10, $0x0  }
0xf6: {  	s13 =	sshll.u32 s14, $0x4;
	[tilespmem:v9+s19+$0x0] =	vst.idx.add.f32.msk vm11, v3  }
0xf7: {  	s14 =	sshll.u32 s14, $0x9;
	s13 =	sand.u32 $0x70, s13;
	_ =	swait.ge [sflag:s1], $0x1000  }
0xf8: {  	s14 =	sand.u32 $0x3FF000, s14;
	s13 =	sadd.s32 s3, s13;
	[sflag:s1] =	ssyncset.done $0x0  }
0xf9: {  	s13 =	sadd.s32 s14, s13;
	[sflag:s1] =	ssyncadd.s32 $0xFFFFF000  }
0xfa: {  	[tilespmem:s24], [sflag:$0x4] =	stream.strided.gather [hbm4b:s13+s20], $0x1000, s21, s20, $0x38;
	[tilespmem:$0xD380] =	vst v63  }
0xfb: {  	v9 =	vld.idx.msk [tilespmem:v10+s16+$0x0], $0xffff;
	_ =	sdelay $0x4  }
0xfc: {  	vm12 =	vgt.s32 v9, v2;
	_ =	sdelay $0x5  }
0xfd: {  	[tilespmem:v7+s19+$0x0] =	vst.idx.add.f32.msk vm12, v3  }
0xfe: {  	v10 =	vld [tilespmem:s10+$0x0];
	_ =	sdelay $0x4  }
0xff: {  	v10 =	vshll.u32 v10, $0x4  }
0x100: {  	vm13 =	vgt.s32 v9, v4;
	v10 =	vadd.s32 v8, v10;
	_ =	sdelay $0x4  }
0x101: {  	[tilespmem:v10+s19+$0x0] =	vst.idx.add.f32.msk vm12, v3  }
0x102: {  	[tilespmem:v7+s19+$0x0] =	vst.idx.add.f32.msk vm13, v3  }
0x103: {  	v10 =	vld [tilespmem:s10+$0x10];
	_ =	sdelay $0x4  }
0x104: {  	v10 =	vshll.u32 v10, $0x4  }
0x105: {  	vm14 =	vgt.s32 v9, v5;
	v10 =	vadd.s32 v8, v10;
	_ =	sdelay $0x4  }
0x106: {  	[tilespmem:v10+s19+$0x0] =	vst.idx.add.f32.msk vm13, v3  }
0x107: {  	[tilespmem:v7+s19+$0x0] =	vst.idx.add.f32.msk vm14, v3  }
0x108: {  	v10 =	vld [tilespmem:s10+$0x20];
	_ =	sdelay $0x4  }
0x109: {  	v10 =	vshll.u32 v10, $0x4  }
0x10a: {  	vm15 =	vgt.s32 v9, v6;
	v9 =	vadd.s32 v8, v10;
	_ =	sdelay $0x4  }
0x10b: {  	[tilespmem:v9+s19+$0x0] =	vst.idx.add.f32.msk vm14, v3  }
0x10c: {  	[tilespmem:v7+s19+$0x0] =	vst.idx.add.f32.msk vm15, v3  }
0x10d: {  	v9 =	vld [tilespmem:s10+$0x30];
	_ =	sdelay $0x4  }
0x10e: {  	v9 =	vshll.u32 v9, $0x4  }
0x10f: {  	v9 =	vadd.s32 v8, v9  }
0x110: {  	s13 =	sadd.s32 $0x5, s8  }
0x111: {  	s14 =	sadd.s32 $0xC, s12;
	v10 =	vmov s13  }
0x112: {  	p0 =	slt.s32 s14, $0x1FFF;
	v10 =	vand.u32 $0xFFFFFFFD, v10  }
0x113: {  	s14 =	simm.s32 @!p0 $0x1FFF;
	v10 =	vbroadcast v10, $0x0  }
0x114: {  	s13 =	sshll.u32 s14, $0x4;
	[tilespmem:v9+s19+$0x0] =	vst.idx.add.f32.msk vm15, v3  }
0x115: {  	s14 =	sshll.u32 s14, $0x9;
	s13 =	sand.u32 $0x70, s13;
	_ =	swait.ge [sflag:s18], $0x1000  }
0x116: {  	s14 =	sand.u32 $0x3FF000, s14;
	s13 =	sadd.s32 s3, s13;
	[sflag:s18] =	ssyncset.done $0x0  }
0x117: {  	s13 =	sadd.s32 s14, s13;
	[sflag:s18] =	ssyncadd.s32 $0xFFFFF000  }
0x118: {  	[tilespmem:s25], [sflag:$0x5] =	stream.strided.gather [hbm4b:s13+s20], $0x1000, s21, s20, $0x38;
	[tilespmem:$0xD380] =	vst v63  }
0x119: {  	v9 =	vld.idx.msk [tilespmem:v10+s16+$0x0], $0xffff;
	_ =	sdelay $0x4  }
0x11a: {  	vm4 =	vgt.s32 v9, v2;
	_ =	sdelay $0x5  }
0x11b: {  	[tilespmem:v7+s19+$0x0] =	vst.idx.add.f32.msk vm4, v3  }
0x11c: {  	v10 =	vld [tilespmem:s10+$0x40];
	_ =	sdelay $0x4  }
0x11d: {  	v10 =	vshll.u32 v10, $0x4  }
0x11e: {  	vm5 =	vgt.s32 v9, v4;
	v10 =	vadd.s32 v8, v10;
	_ =	sdelay $0x4  }
0x11f: {  	s13 =	sadd.s32 $0xFFFFFF80, s9;
	[tilespmem:v10+s19+$0x0] =	vst.idx.add.f32.msk vm4, v3  }
0x120: {  	s14 =	sor.u32 $0x50, s13;
	[tilespmem:v7+s19+$0x0] =	vst.idx.add.f32.msk vm5, v3  }
0x121: {  	v10 =	vld [tilespmem:s14+$0x8000];
	_ =	sdelay $0x4  }
0x122: {  	v10 =	vshll.u32 v10, $0x4  }
0x123: {  	vm6 =	vgt.s32 v9, v5;
	v10 =	vadd.s32 v8, v10;
	_ =	sdelay $0x4  }
0x124: {  	[tilespmem:v10+s19+$0x0] =	vst.idx.add.f32.msk vm5, v3  }
0x125: {  	s14 =	sor.u32 $0x60, s13;
	[tilespmem:v7+s19+$0x0] =	vst.idx.add.f32.msk vm6, v3  }
0x126: {  	v10 =	vld [tilespmem:s14+$0x8000];
	_ =	sdelay $0x4  }
0x127: {  	v10 =	vshll.u32 v10, $0x4  }
0x128: {  	vm7 =	vgt.s32 v9, v6;
	v9 =	vadd.s32 v8, v10;
	_ =	sdelay $0x4  }
0x129: {  	[tilespmem:v9+s19+$0x0] =	vst.idx.add.f32.msk vm6, v3  }
0x12a: {  	s13 =	sor.u32 $0x70, s13;
	[tilespmem:v7+s19+$0x0] =	vst.idx.add.f32.msk vm7, v3  }
0x12b: {  	v9 =	vld [tilespmem:s13+$0x8000];
	_ =	sdelay $0x4  }
0x12c: {  	v9 =	vshll.u32 v9, $0x4  }
0x12d: {  	v9 =	vadd.s32 v8, v9  }
0x12e: {  	s13 =	sadd.s32 $0x6, s8  }
0x12f: {  	s14 =	sadd.s32 $0xD, s12;
	v10 =	vmov s13  }
0x130: {  	p0 =	slt.s32 s14, $0x1FFF;
	v10 =	vand.u32 $0xFFFFFFFE, v10  }
0x131: {  	s14 =	simm.s32 @!p0 $0x1FFF;
	v10 =	vbroadcast v10, $0x0  }
0x132: {  	s13 =	sshll.u32 s14, $0x4;
	[tilespmem:v9+s19+$0x0] =	vst.idx.add.f32.msk vm7, v3  }
0x133: {  	s14 =	sshll.u32 s14, $0x9;
	s13 =	sand.u32 $0x70, s13;
	_ =	swait.ge [sflag:s5], $0x1000  }
0x134: {  	s14 =	sand.u32 $0x3FF000, s14;
	s13 =	sadd.s32 s3, s13;
	[sflag:s5] =	ssyncset.done $0x0  }
0x135: {  	s13 =	sadd.s32 s14, s13;
	[sflag:s5] =	ssyncadd.s32 $0xFFFFF000  }
0x136: {  	[tilespmem:s26], [sflag:$0x6] =	stream.strided.gather [hbm4b:s13+s20], $0x1000, s21, s20, $0x38;
	[tilespmem:$0xD380] =	vst v63  }
0x137: {  	v9 =	vld.idx.msk [tilespmem:v10+s16+$0x0], $0xffff;
	_ =	sdelay $0x4  }
0x138: {  	vm8 =	vgt.s32 v9, v2;
	_ =	sdelay $0x5  }
0x139: {  	[tilespmem:v7+s19+$0x0] =	vst.idx.add.f32.msk vm8, v3  }
0x13a: {  	v10 =	vld [tilespmem:s10+$0x80];
	_ =	sdelay $0x4  }
0x13b: {  	v10 =	vshll.u32 v10, $0x4  }
0x13c: {  	vm9 =	vgt.s32 v9, v4;
	v10 =	vadd.s32 v8, v10;
	_ =	sdelay $0x4  }
0x13d: {  	[tilespmem:v10+s19+$0x0] =	vst.idx.add.f32.msk vm8, v3  }
0x13e: {  	[tilespmem:v7+s19+$0x0] =	vst.idx.add.f32.msk vm9, v3  }
0x13f: {  	v10 =	vld [tilespmem:s10+$0x90];
	_ =	sdelay $0x4  }
0x140: {  	v10 =	vshll.u32 v10, $0x4  }
0x141: {  	vm10 =	vgt.s32 v9, v5;
	v10 =	vadd.s32 v8, v10;
	_ =	sdelay $0x4  }
0x142: {  	[tilespmem:v10+s19+$0x0] =	vst.idx.add.f32.msk vm9, v3  }
0x143: {  	[tilespmem:v7+s19+$0x0] =	vst.idx.add.f32.msk vm10, v3  }
0x144: {  	v10 =	vld [tilespmem:s10+$0xA0];
	_ =	sdelay $0x4  }
0x145: {  	v10 =	vshll.u32 v10, $0x4  }
0x146: {  	vm11 =	vgt.s32 v9, v6;
	v9 =	vadd.s32 v8, v10;
	_ =	sdelay $0x4  }
0x147: {  	[tilespmem:v9+s19+$0x0] =	vst.idx.add.f32.msk vm10, v3  }
0x148: {  	[tilespmem:v7+s19+$0x0] =	vst.idx.add.f32.msk vm11, v3  }
0x149: {  	v9 =	vld [tilespmem:s10+$0xB0];
	_ =	sdelay $0x4  }
0x14a: {  	v9 =	vshll.u32 v9, $0x4  }
0x14b: {  	v9 =	vadd.s32 v8, v9;
	_ =	sdelay $0x1  }
0x14c: {  	s12 =	sadd.s32 $0xE, s12  }
0x14d: {  	p0 =	slt.s32 s12, $0x1FFF  }
0x14e: {  	s12 =	simm.s32 @!p0 $0x1FFF;
	s14 =	sadd.s32 $0x7, s8  }
0x14f: {  	[tilespmem:v9+s19+$0x0] =	vst.idx.add.f32.msk vm11, v3;
	v9 =	vmov s14;
	s14 =	sshll.u32 s12, $0x4  }
0x150: {  	s12 =	sshll.u32 s12, $0x9;
	_ =	swait.ge [sflag:s6], $0x1000;
	s13 =	sand.u32 $0x70, s14  }
0x151: {  	s12 =	sand.u32 $0x3FF000, s12;
	[sflag:s6] =	ssyncset.done $0x0;
	s13 =	sadd.s32 s3, s13  }
0x152: {  	s12 =	sadd.s32 s12, s13;
	[sflag:s6] =	ssyncadd.s32 $0xFFFFF000  }
0x153: {  	[tilespmem:s28], [sflag:$0x7] =	stream.strided.gather [hbm4b:s12+s20], $0x1000, s21, s20, $0x38;
	[tilespmem:$0xD380] =	vst v63  }
0x154: {  	v9 =	vld.idx.msk [tilespmem:v9+s16+$0x0], $0xffff;
	_ =	sdelay $0x4  }
0x155: {  	vm12 =	vgt.s32 v9, v2;
	_ =	sdelay $0x5  }
0x156: {  	[tilespmem:v7+s19+$0x0] =	vst.idx.add.f32.msk vm12, v3  }
0x157: {  	v10 =	vld [tilespmem:s10+$0xC0];
	_ =	sdelay $0x4  }
0x158: {  	v10 =	vshll.u32 v10, $0x4  }
0x159: {  	vm13 =	vgt.s32 v9, v4;
	v10 =	vadd.s32 v8, v10;
	_ =	sdelay $0x4  }
0x15a: {  	[tilespmem:v10+s19+$0x0] =	vst.idx.add.f32.msk vm12, v3  }
0x15b: {  	s14 =	sor.u32 $0x50, s9;
	[tilespmem:v7+s19+$0x0] =	vst.idx.add.f32.msk vm13, v3  }
0x15c: {  	v10 =	vld [tilespmem:s14+$0x8000];
	_ =	sdelay $0x4  }
0x15d: {  	v10 =	vshll.u32 v10, $0x4  }
0x15e: {  	vm14 =	vgt.s32 v9, v5;
	v10 =	vadd.s32 v8, v10;
	_ =	sdelay $0x4  }
0x15f: {  	[tilespmem:v10+s19+$0x0] =	vst.idx.add.f32.msk vm13, v3  }
0x160: {  	s13 =	sor.u32 $0x60, s9;
	[tilespmem:v7+s19+$0x0] =	vst.idx.add.f32.msk vm14, v3  }
0x161: {  	v10 =	vld [tilespmem:s13+$0x8000];
	_ =	sdelay $0x4  }
0x162: {  	v10 =	vshll.u32 v10, $0x4  }
0x163: {  	vm15 =	vgt.s32 v9, v6;
	v9 =	vadd.s32 v8, v10;
	_ =	sdelay $0x4  }
0x164: {  	[tilespmem:v9+s19+$0x0] =	vst.idx.add.f32.msk vm14, v3  }
0x165: {  	s14 =	sor.u32 $0x70, s9;
	[tilespmem:v7+s19+$0x0] =	vst.idx.add.f32.msk vm15, v3  }
0x166: {  	v9 =	vld [tilespmem:s14+$0x8000];
	_ =	sdelay $0x4  }
0x167: {  	v9 =	vshll.u32 v9, $0x4  }
0x168: {  	p0 =	sne.s32 s8, $0xF8;
	v9 =	vadd.s32 v8, v9  }
.Ltmp1:
0x169: {  	_ = 	snop;
	(pc) =	sbr.rel @p0 .LBB2_4-.Ltmp1, $3  }
0x16a: {  	_ =	sdelay $0x1  }
0x16b: {  	s15 =	sadd.s32 $0x1000, s15  }
0x16c: {  	s8 =	sadd.s32 $0x8, s8;
	s10 =	sadd.s32 $0x200, s10;
	s9 =	sadd.s32 $0x200, s9;
	[tilespmem:v9+s19+$0x0] =	vst.idx.add.f32.msk vm15, v3  }
0x16d: {  	_ =	swait.ge [sflag:s29], $0x1000  }
0x16e: {  	[sflag:s29] =	ssyncset.done $0x0  }
0x16f: {  	[sflag:s29] =	ssyncadd.s32 $0xFFFFF000  }
0x170: {  	_ =	swait.ge [sflag:s30], $0x1000  }
0x171: {  	[sflag:s30] =	ssyncset.done $0x0  }
0x172: {  	[sflag:s30] =	ssyncadd.s32 $0xFFFFF000  }
0x173: {  	_ =	swait.ge [sflag:s31], $0x1000  }
0x174: {  	[sflag:s31] =	ssyncset.done $0x0  }
0x175: {  	[sflag:s31] =	ssyncadd.s32 $0xFFFFF000  }
0x176: {  	_ =	swait.ge [sflag:s0], $0x1000  }
0x177: {  	[sflag:s0] =	ssyncset.done $0x0  }
0x178: {  	[sflag:s0] =	ssyncadd.s32 $0xFFFFF000  }
0x179: {  	_ =	swait.ge [sflag:s1], $0x1000  }
0x17a: {  	[sflag:s1] =	ssyncset.done $0x0  }
0x17b: {  	[sflag:s1] =	ssyncadd.s32 $0xFFFFF000  }
0x17c: {  	_ =	swait.ge [sflag:s18], $0x1000  }
0x17d: {  	[sflag:s18] =	ssyncset.done $0x0  }
0x17e: {  	[sflag:s18] =	ssyncadd.s32 $0xFFFFF000  }
0x17f: {  	_ =	swait.ge [sflag:s5], $0x1000  }
0x180: {  	[sflag:s5] =	ssyncset.done $0x0  }
0x181: {  	[sflag:s5] =	ssyncadd.s32 $0xFFFFF000  }
0x182: {  	[tilespmem:$0xC620] =	vst v0  }
0x183: {  	[tilespmem:$0xC630] =	vst v0  }
0x184: {  	[tilespmem:$0xC640] =	vst v0  }
0x185: {  	s8 =	rddreg [dreg:$0xd];
	[tilespmem:$0xC650] =	vst v0  }
0x186: {  	[hbm4b:s8+s20] =	stream.strided.scatter [tilespmem:s19], [sflag:$0x9], $0x1200, s21, s20, $0x38;
	[tilespmem:$0xD380] =	vst v63  }
0x187: {  	_ =	swait.ge [sflag:s17], $0x1200  }
0x188: {  	s7 =	sadd.s32 $0x1, s7;
	s15 =	rddreg [dreg:$0xe]  }
0x189: {  	p0 =	sne.s32 s7, s15  }
.Ltmp2:
0x18a: {  	_ = 	snop;
	(pc) =	sbr.rel @p0 .LBB2_1-.Ltmp2, $3  }
0x18b: {  	_ =	sdelay $0x1  }
0x18c: {  	[sflag:s17] =	ssyncset.done $0x0  }
0x18d: {  	[sflag:s17] =	ssyncadd.s32 $0xFFFFEE00  }
0x18e: {  	_ =	sfence.sel $0x180000  }
0x18f: {  	[bflag:$0x0] =	sbarrier.arrive $0xFFFF  }
0x190: {  	_ =	strace $0x90000047  }
0x191: {  	s0 =	stileid.u32;
	[bflag:$0x2] =	sbarrier.arrive $0xFFFF  }
0x192: {  	p0 =	sne.s32 s0, $0x0;
	s0 =	rddreg [dreg:$0x2]  }
0x193: {  	s0 =	sadd.s32 @!p0 $0x100000, s0  }
0x194: {  	[sflag:s0] =	ssyncadd.tile.s32 @!p0 $0x1;
	_ =	shalt  }
.Lfunc_end2:
_tile_overlayer_lowered:
.L_overlay_start_2:
0x195: {  	(tag) =	ssettag $0x2  }
0x196: {  	s0 =	rddreg [dreg:$0x0];
	s2 =	stileid.u32  }
0x197: {  	s1 =	rddreg [dreg:$0x1];
	p0 =	sne.s32 s2, $0x0  }
0x198: {  	s3 =	rddreg [dreg:$0x2];
	[bflag:$0x3] =	sbarrier.arrive $0xFFFF;
	s2 =	simm.s32 @!p0 $0x1C09  }
0x199: {  	[timem:s3], [sflag:s2] =	dma.local @!p0 [hbm:s0], s1  }
0x19a: {  	s0 =	simm.s32 @!p0 $0x9  }
0x19b: {  	_ =	swait.ge @!p0 [sflag:s0], s1  }
0x19c: {  	s1 =	ssub.s32 @!p0 $0x0, s1;
	[sflag:s0] =	ssyncset.done @!p0 $0x0  }
0x19d: {  	[sflag:s0] =	ssyncadd.s32 @!p0 s1  }
0x19e: {  	[bflag:$0x3] =	sbarrier.arrive $0xFFFF  }
0x19f: {  	_ =	shalt  }

</sc_bundles>
